<compile_context>
chip_gen: v7x
topology: tpu7x:2x2x1
jax: 0.10.2.dev20260603
libtpu: 0.0.44.dev20260713+nightly
codegen_flags: <defaults>
</compile_context>

<pallas_src>
import functools

import jax
import jax.numpy as jnp
from jax import lax
from jax.experimental import pallas as pl
from jax.experimental.pallas import tpu as pltpu
from jax.experimental.pallas import tpu_sc as plsc

CLASS_NUM = 80
CONF_THRE = 0.2
NMS_THRE = 0.45

N = 5000
NPAD = 5120
ROWS = 8
COLS = 640

SC_NW = 32
SC_PER_W = NPAD // SC_NW
SC_LANES = 16


def _zone_sc_kernel(cx_hbm, cy_hbm, w_hbm, h_hbm, zone_hbm, out_hbm,
                    cxv, cyv, wv, hv, zonev, outv):
    wid = lax.axis_index("s") * 2 + lax.axis_index("c")
    base = wid * SC_PER_W
    pltpu.sync_copy(cx_hbm.at[pl.ds(base, SC_PER_W)], cxv)
    pltpu.sync_copy(cy_hbm.at[pl.ds(base, SC_PER_W)], cyv)
    pltpu.sync_copy(w_hbm.at[pl.ds(base, SC_PER_W)], wv)
    pltpu.sync_copy(h_hbm.at[pl.ds(base, SC_PER_W)], hv)
    pltpu.sync_copy(zone_hbm, zonev)

    edges = []
    for k in range(8):
        xi = zonev[pl.ds((k * 4 + 0) * SC_LANES, SC_LANES)]
        yi = zonev[pl.ds((k * 4 + 1) * SC_LANES, SC_LANES)]
        xj = zonev[pl.ds((k * 4 + 2) * SC_LANES, SC_LANES)]
        yj = zonev[pl.ds((k * 4 + 3) * SC_LANES, SC_LANES)]
        edges.append((xi, yi, xj, yj))

    for j in range(SC_PER_W // SC_LANES):
        sl = pl.ds(j * SC_LANES, SC_LANES)
        cx = cxv[sl]
        cy = cyv[sl]
        w = wv[sl]
        h = hv[sl]
        x1 = cx - w / 2
        x2 = cx + w / 2
        y1 = cy - h / 2
        y2 = cy + h / 2
        px = (x1 + x2) / 2
        py = (y1 + y2) / 2
        one = jnp.ones((SC_LANES,), jnp.int32)
        zero = jnp.zeros((SC_LANES,), jnp.int32)
        parity = zero
        for (xi, yi, xj, yj) in edges:
            gyi = jnp.where(yi > py, one, zero)
            gyj = jnp.where(yj > py, one, zero)
            gx = (xj - xi) * (py - yi) / (yj - yi) + xi
            gpx = jnp.where(gx > px, one, zero)
            parity = parity ^ ((gyi ^ gyj) & gpx)
        outv[sl] = parity

    pltpu.sync_copy(outv, out_hbm.at[pl.ds(base, SC_PER_W)])


def _zone_sc(pT, zone):
    krn = functools.partial(
        pl.kernel,
        mesh=plsc.VectorSubcoreMesh(core_axis_name="c", subcore_axis_name="s"),
        out_type=jax.ShapeDtypeStruct((NPAD,), jnp.int32),
        scratch_types=[
            pltpu.VMEM((SC_PER_W,), jnp.float32),
            pltpu.VMEM((SC_PER_W,), jnp.float32),
            pltpu.VMEM((SC_PER_W,), jnp.float32),
            pltpu.VMEM((SC_PER_W,), jnp.float32),
            pltpu.VMEM((8 * 4 * SC_LANES,), jnp.float32),
            pltpu.VMEM((SC_PER_W,), jnp.int32),
        ],
    )(_zone_sc_kernel)
    zs = jnp.roll(zone, shift=1, axis=0)
    zedges = jnp.stack([zone[:, 0], zone[:, 1], zs[:, 0], zs[:, 1]], axis=1)
    zbcast = jnp.broadcast_to(zedges[:, :, None], (8, 4, SC_LANES)).reshape(-1)
    return krn(pT[0], pT[1], pT[2], pT[3], zbcast)


def _dm_kernel(pred_ref, pred4_ref,
               y1o, x1o, y2o, x2o, sco, clso, cyo, cxo, keepo,
               x1r, y1r, x2r, y2r, arear, iotar):
    f32 = jnp.float32
    cx = pred_ref[0]
    cy = pred_ref[1]
    w = pred_ref[2]
    h = pred_ref[3]
    obj = pred_ref[4]
    x1r[...] = cx - w / 2
    y1r[...] = cy - h / 2
    x2r[...] = cx + w / 2
    y2r[...] = cy + h / 2
    arear[...] = (jnp.clip(x2r[...] - x1r[...], 0.0)
                  * jnp.clip(y2r[...] - y1r[...], 0.0))
    iotar[...] = (jax.lax.broadcasted_iota(jnp.int32, (ROWS, COLS), 0) * COLS
                  + jax.lax.broadcasted_iota(jnp.int32, (ROWS, COLS), 1))

    def cbody(k, carry):
        best, bk = carry
        v = pred_ref[5 + k]
        gt = v > best
        return jnp.where(gt, v, best), jnp.where(gt, k, bk)

    best0 = pred_ref[5]
    bk0 = jnp.zeros((ROWS, COLS), jnp.int32)
    class_conf, class_pred = jax.lax.fori_loop(1, CLASS_NUM, cbody, (best0, bk0))

    snms = obj * class_conf
    valid = snms >= CONF_THRE
    s0 = jnp.where(valid, snms, f32(-1.0))
    m0 = jnp.max(s0)

    def nms_cond(carry):
        _, m = carry
        return m >= CONF_THRE

    def nms_body(carry):
        s, m = carry
        iota = iotar[...]
        i = jnp.min(jnp.where(s == m, iota, jnp.int32(NPAD)))
        cxs = pred4_ref[0, i]
        cys = pred4_ref[1, i]
        ws = pred4_ref[2, i]
        hs = pred4_ref[3, i]
        x1s = cxs - ws / 2
        y1s = cys - hs / 2
        x2s = cxs + ws / 2
        y2s = cys + hs / 2
        areas = jnp.clip(x2s - x1s, 0.0) * jnp.clip(y2s - y1s, 0.0)
        ltx = jnp.maximum(x1s, x1r[...])
        lty = jnp.maximum(y1s, y1r[...])
        rbx = jnp.minimum(x2s, x2r[...])
        rby = jnp.minimum(y2s, y2r[...])
        iw = jnp.clip(rbx - ltx, 0.0)
        ih = jnp.clip(rby - lty, 0.0)
        inter = iw * ih
        union = areas + arear[...] - inter
        iou = inter / jnp.maximum(union, f32(1e-9))
        sel = iota == i
        s2 = jnp.where(sel, f32(-2.0), jnp.where(iou > NMS_THRE, f32(-1.0), s))
        return s2, jnp.max(s2)

    sf, _ = jax.lax.while_loop(nms_cond, nms_body, (s0, m0))
    keepb = sf == f32(-2.0)
    mk = jnp.where(keepb, f32(1.0), f32(0.0))

    x1 = x1r[...]
    y1 = y1r[...]
    x2 = x2r[...]
    y2 = y2r[...]
    px = (x1 + x2) / 2
    py = (y1 + y2) / 2

    y1o[...] = y1 * mk
    x1o[...] = x1 * mk
    y2o[...] = y2 * mk
    x2o[...] = x2 * mk
    sco[...] = jnp.maximum(obj, class_conf) * mk
    clso[...] = jnp.where(keepb, class_pred, -1)
    cyo[...] = py * mk
    cxo[...] = px * mk
    keepo[...] = keepb.astype(jnp.int32)


def kernel(prediction, zone):
    p = prediction[0]
    pT = jnp.pad(jnp.transpose(p), ((0, 0), (0, NPAD - N)))
    pp = pT.reshape(85, ROWS, COLS)
    pred4 = pT[:4]

    in_zone = _zone_sc(pT, zone)

    f32 = jnp.float32
    outs = pl.pallas_call(
        _dm_kernel,
        in_specs=[
            pl.BlockSpec(memory_space=pltpu.VMEM),
            pl.BlockSpec(memory_space=pltpu.SMEM),
        ],
        out_shape=[
            jax.ShapeDtypeStruct((ROWS, COLS), f32),
            jax.ShapeDtypeStruct((ROWS, COLS), f32),
            jax.ShapeDtypeStruct((ROWS, COLS), f32),
            jax.ShapeDtypeStruct((ROWS, COLS), f32),
            jax.ShapeDtypeStruct((ROWS, COLS), f32),
            jax.ShapeDtypeStruct((ROWS, COLS), jnp.int32),
            jax.ShapeDtypeStruct((ROWS, COLS), f32),
            jax.ShapeDtypeStruct((ROWS, COLS), f32),
            jax.ShapeDtypeStruct((ROWS, COLS), jnp.int32),
        ],
        scratch_shapes=[
            pltpu.VMEM((ROWS, COLS), f32),
            pltpu.VMEM((ROWS, COLS), f32),
            pltpu.VMEM((ROWS, COLS), f32),
            pltpu.VMEM((ROWS, COLS), f32),
            pltpu.VMEM((ROWS, COLS), f32),
            pltpu.VMEM((ROWS, COLS), jnp.int32),
        ],
    )(pp, pred4)

    y1m, x1m, y2m, x2m, sc, cls_o, cym, cxm, keep = [
        o.reshape(NPAD)[:N] for o in outs
    ]
    keep = keep.astype(jnp.bool_)
    boxes_yxyx = jnp.stack([y1m, x1m, y2m, x2m], axis=1)
    centers_yx = jnp.stack([cym, cxm], axis=1)
    return (boxes_yxyx,
            in_zone[:N].astype(jnp.bool_) & keep,
            sc,
            cls_o,
            centers_yx,
            keep)

# --- scband reference (transcript-rebuilt; emitter-appended) ---
"""Pipeline reference for scband-deploy-module-76871324663865 (READ-ONLY COPY).

The authoritative reference and input builder live on the scoring server;
editing this copy changes nothing except your own understanding.
"""

import jax, jax.numpy as jnp
import numpy as np

CLASS_NUM = 80
CONF_THRE = 0.2
NMS_THRE = 0.45


def _iou_matrix(boxes):
    x1 = boxes[:, 0]; y1 = boxes[:, 1]; x2 = boxes[:, 2]; y2 = boxes[:, 3]
    area = jnp.clip(x2 - x1, 0.0) * jnp.clip(y2 - y1, 0.0)
    lt = jnp.maximum(boxes[:, None, :2], boxes[None, :, :2])
    rb = jnp.minimum(boxes[:, None, 2:], boxes[None, :, 2:])
    wh = jnp.clip(rb - lt, 0.0)
    inter = wh[..., 0] * wh[..., 1]
    union = area[:, None] + area[None, :] - inter
    return inter / jnp.maximum(union, 1e-9)


def _nms_keep(boxes, scores, valid, iou_thresh):
    # Greedy NMS (torchvision.ops.nms semantics): process in descending score
    # order, suppress later boxes with IoU > threshold. Fixed-shape: returns
    # a keep mask over all N boxes; invalid (conf-masked) boxes never kept.
    boxes = jax.lax.stop_gradient(boxes)
    scores = jax.lax.stop_gradient(scores)
    N = boxes.shape[0]
    order = jnp.argsort(-jnp.where(valid, scores, -jnp.inf))
    b = boxes[order]
    v = valid[order]
    iou = _iou_matrix(b)
    idx = jnp.arange(N)

    def body(i, keep):
        supp = (iou[i] > iou_thresh) & (idx > i)
        return jnp.where(keep[i], keep & (~supp), keep)

    keep_sorted = jax.lax.fori_loop(0, N, body, v)
    return jnp.zeros((N,), dtype=bool).at[order].set(keep_sorted)


def _points_inside_zone(points, zone):
    # Ray-casting point-in-polygon, mirrors _points_inside_zone.
    px = points[:, 0:1]
    py = points[:, 1:2]
    zs = jnp.roll(zone, shift=1, axis=0)
    xi, yi = zone[:, 0], zone[:, 1]
    xj, yj = zs[:, 0], zs[:, 1]
    gyi = yi[None, :] > py
    gyj = yj[None, :] > py
    gx = (xj - xi)[None, :] * (py - yi[None, :]) / (yj - yi)[None, :] + xi[None, :]
    mask = (gyi != gyj) & (gx > px)
    return (jnp.sum(mask, axis=1) % 2) > 0


def _forward(prediction, zone):
    # extract_row_boxes: cxcywh -> xyxy
    cx = prediction[..., 0]; cy = prediction[..., 1]
    w = prediction[..., 2]; h = prediction[..., 3]
    corners = jnp.stack([cx - w / 2, cy - h / 2, cx + w / 2, cy + h / 2], axis=-1)
    dets_all = []
    mask_all = []
    B = prediction.shape[0]
    for i in range(B):
        ip_boxes = corners[i]
        obj = prediction[i, :, 4]
        cls_scores = prediction[i, :, 5:5 + CLASS_NUM]
        class_conf = jnp.max(cls_scores, axis=1)
        class_pred = jnp.argmax(cls_scores, axis=1).astype(jnp.float32)
        valid = (obj * class_conf) >= CONF_THRE
        keep = _nms_keep(ip_boxes, obj * class_conf, valid, NMS_THRE)
        det = jnp.concatenate(
            [ip_boxes, obj[:, None], class_conf[:, None], class_pred[:, None]], axis=1)
        dets_all.append(det)
        mask_all.append(keep)
    raw = jnp.concatenate(dets_all, axis=0)
    keep_mask = jnp.concatenate(mask_all, axis=0)
    # extract_boxes_scores_and_classes
    boxes = raw[:, :4]
    scores = jnp.max(raw[:, 4:6], axis=1)
    classes = raw[:, 6].astype(jnp.int32)
    cxs = (boxes[:, 0] + boxes[:, 2]) / 2
    cys = (boxes[:, 1] + boxes[:, 3]) / 2
    centers_xy = jnp.stack([cxs, cys], axis=1)
    in_zone = _points_inside_zone(centers_xy, zone)
    centers_yx = jnp.stack([cys, cxs], axis=1)
    boxes_yxyx = jnp.stack([boxes[:, 1], boxes[:, 0], boxes[:, 3], boxes[:, 2]], axis=1)
    m = keep_mask.astype(jnp.float32)[:, None]
    return (boxes_yxyx * m,
            in_zone & keep_mask,
            scores * keep_mask.astype(jnp.float32),
            jnp.where(keep_mask, classes, -1),
            centers_yx * m,
            keep_mask)


def setup_inputs(seed: int = 0):
    key = jax.random.key(seed)
    k1, k2 = jax.random.split(key)
    prediction = jax.random.uniform(k1, (1, 5000, 85), dtype=jnp.float32)
    zone = jax.random.uniform(k2, (8, 2), dtype=jnp.float32)
    return {"prediction": prediction, "zone": zone}


def reference(prediction, zone):
    return _forward(prediction, zone)

if __name__ == "__main__":
    import jax
    _d = setup_inputs()
    print(jax.jit(kernel)(*tuple(_d.values())))

</pallas_src>

<mosaic_0001>
#map = affine_map<(d0, d1) -> (0)>
module attributes {stable_mosaic.version = 14 : i64} {
  func.func @_zone_sc_kernel(%arg0: i32, %arg1: i32, %arg2: memref<5120xf32, #tpu.memory_space<hbm>>, %arg3: memref<5120xf32, #tpu.memory_space<hbm>>, %arg4: memref<5120xf32, #tpu.memory_space<hbm>>, %arg5: memref<5120xf32, #tpu.memory_space<hbm>>, %arg6: memref<512xf32, #tpu.memory_space<hbm>>, %arg7: memref<5120xi32, #tpu.memory_space<hbm>>, %arg8: memref<160xf32, #tpu.memory_space<vmem>>, %arg9: memref<160xf32, #tpu.memory_space<vmem>>, %arg10: memref<160xf32, #tpu.memory_space<vmem>>, %arg11: memref<160xf32, #tpu.memory_space<vmem>>, %arg12: memref<512xf32, #tpu.memory_space<vmem>>, %arg13: memref<160xi32, #tpu.memory_space<vmem>>) attributes {dimension_semantics = [#tpu.dimension_semantics<core_parallel>, #tpu.dimension_semantics<subcore_parallel>], iteration_bounds = array<i64: 2, 16>, scalar_prefetch = 0 : i64, scratch_operands = 6 : i64, tpu.core_type = #tpu.core_type<sc_vector_subcore>, window_params = [{transform_indices = #map}, {transform_indices = #map}, {transform_indices = #map}, {transform_indices = #map}, {transform_indices = #map}, {transform_indices = #map}]} {
    %mul3A = arith.constant 2 : i32
    %mul3A_0 = arith.muli %arg1, %mul3A : i32
    %add3A = arith.addi %mul3A_0, %arg0 : i32
    %mul3A_1 = arith.constant 160 : i32
    %mul3A_2 = arith.muli %add3A, %mul3A_1 : i32
    "tpu.region"() ({
      %run_scoped3A = tpu.sem_alloc : memref<!tpu.dma_semaphore, #tpu.memory_space<semaphore_mem>>
      %dma_start3A = tpu.memref_slice %arg2[%mul3A_2] : memref<5120xf32, #tpu.memory_space<hbm>> -> memref<160xf32, #tpu.memory_space<hbm>>
      %dma_start3A_1730 = tpu.memref_slice %arg2[%mul3A_2] : memref<5120xf32, #tpu.memory_space<hbm>> -> memref<160xf32, #tpu.memory_space<hbm>>
      tpu.enqueue_dma source(%dma_start3A_1730 : memref<160xf32, #tpu.memory_space<hbm>>) target(%arg8 : memref<160xf32, #tpu.memory_space<vmem>>) target_semaphore(%run_scoped3A : memref<!tpu.dma_semaphore, #tpu.memory_space<semaphore_mem>>)
      %dma_wait3A = tpu.memref_slice %arg2[%mul3A_2] : memref<5120xf32, #tpu.memory_space<hbm>> -> memref<160xf32, #tpu.memory_space<hbm>>
      %dma_wait3A_1731 = tpu.memref_slice %arg2[%mul3A_2] : memref<5120xf32, #tpu.memory_space<hbm>> -> memref<160xf32, #tpu.memory_space<hbm>>
      tpu.wait_dma2 semaphore(%run_scoped3A : memref<!tpu.dma_semaphore, #tpu.memory_space<semaphore_mem>>) src(%dma_wait3A_1731 : memref<160xf32, #tpu.memory_space<hbm>>) dst(%arg8 : memref<160xf32, #tpu.memory_space<vmem>>)
      tpu.yield
    }) : () -> ()
    "tpu.region"() ({
      %run_scoped3A = tpu.sem_alloc : memref<!tpu.dma_semaphore, #tpu.memory_space<semaphore_mem>>
      %dma_start3A = tpu.memref_slice %arg3[%mul3A_2] : memref<5120xf32, #tpu.memory_space<hbm>> -> memref<160xf32, #tpu.memory_space<hbm>>
      %dma_start3A_1730 = tpu.memref_slice %arg3[%mul3A_2] : memref<5120xf32, #tpu.memory_space<hbm>> -> memref<160xf32, #tpu.memory_space<hbm>>
      tpu.enqueue_dma source(%dma_start3A_1730 : memref<160xf32, #tpu.memory_space<hbm>>) target(%arg9 : memref<160xf32, #tpu.memory_space<vmem>>) target_semaphore(%run_scoped3A : memref<!tpu.dma_semaphore, #tpu.memory_space<semaphore_mem>>)
      %dma_wait3A = tpu.memref_slice %arg3[%mul3A_2] : memref<5120xf32, #tpu.memory_space<hbm>> -> memref<160xf32, #tpu.memory_space<hbm>>
      %dma_wait3A_1731 = tpu.memref_slice %arg3[%mul3A_2] : memref<5120xf32, #tpu.memory_space<hbm>> -> memref<160xf32, #tpu.memory_space<hbm>>
      tpu.wait_dma2 semaphore(%run_scoped3A : memref<!tpu.dma_semaphore, #tpu.memory_space<semaphore_mem>>) src(%dma_wait3A_1731 : memref<160xf32, #tpu.memory_space<hbm>>) dst(%arg9 : memref<160xf32, #tpu.memory_space<vmem>>)
      tpu.yield
    }) : () -> ()
    "tpu.region"() ({
      %run_scoped3A = tpu.sem_alloc : memref<!tpu.dma_semaphore, #tpu.memory_space<semaphore_mem>>
      %dma_start3A = tpu.memref_slice %arg4[%mul3A_2] : memref<5120xf32, #tpu.memory_space<hbm>> -> memref<160xf32, #tpu.memory_space<hbm>>
      %dma_start3A_1730 = tpu.memref_slice %arg4[%mul3A_2] : memref<5120xf32, #tpu.memory_space<hbm>> -> memref<160xf32, #tpu.memory_space<hbm>>
      tpu.enqueue_dma source(%dma_start3A_1730 : memref<160xf32, #tpu.memory_space<hbm>>) target(%arg10 : memref<160xf32, #tpu.memory_space<vmem>>) target_semaphore(%run_scoped3A : memref<!tpu.dma_semaphore, #tpu.memory_space<semaphore_mem>>)
      %dma_wait3A = tpu.memref_slice %arg4[%mul3A_2] : memref<5120xf32, #tpu.memory_space<hbm>> -> memref<160xf32, #tpu.memory_space<hbm>>
      %dma_wait3A_1731 = tpu.memref_slice %arg4[%mul3A_2] : memref<5120xf32, #tpu.memory_space<hbm>> -> memref<160xf32, #tpu.memory_space<hbm>>
      tpu.wait_dma2 semaphore(%run_scoped3A : memref<!tpu.dma_semaphore, #tpu.memory_space<semaphore_mem>>) src(%dma_wait3A_1731 : memref<160xf32, #tpu.memory_space<hbm>>) dst(%arg10 : memref<160xf32, #tpu.memory_space<vmem>>)
      tpu.yield
    }) : () -> ()
    "tpu.region"() ({
      %run_scoped3A = tpu.sem_alloc : memref<!tpu.dma_semaphore, #tpu.memory_space<semaphore_mem>>
      %dma_start3A = tpu.memref_slice %arg5[%mul3A_2] : memref<5120xf32, #tpu.memory_space<hbm>> -> memref<160xf32, #tpu.memory_space<hbm>>
      %dma_start3A_1730 = tpu.memref_slice %arg5[%mul3A_2] : memref<5120xf32, #tpu.memory_space<hbm>> -> memref<160xf32, #tpu.memory_space<hbm>>
      tpu.enqueue_dma source(%dma_start3A_1730 : memref<160xf32, #tpu.memory_space<hbm>>) target(%arg11 : memref<160xf32, #tpu.memory_space<vmem>>) target_semaphore(%run_scoped3A : memref<!tpu.dma_semaphore, #tpu.memory_space<semaphore_mem>>)
      %dma_wait3A = tpu.memref_slice %arg5[%mul3A_2] : memref<5120xf32, #tpu.memory_space<hbm>> -> memref<160xf32, #tpu.memory_space<hbm>>
      %dma_wait3A_1731 = tpu.memref_slice %arg5[%mul3A_2] : memref<5120xf32, #tpu.memory_space<hbm>> -> memref<160xf32, #tpu.memory_space<hbm>>
      tpu.wait_dma2 semaphore(%run_scoped3A : memref<!tpu.dma_semaphore, #tpu.memory_space<semaphore_mem>>) src(%dma_wait3A_1731 : memref<160xf32, #tpu.memory_space<hbm>>) dst(%arg11 : memref<160xf32, #tpu.memory_space<vmem>>)
      tpu.yield
    }) : () -> ()
    "tpu.region"() ({
      %run_scoped3A = tpu.sem_alloc : memref<!tpu.dma_semaphore, #tpu.memory_space<semaphore_mem>>
      tpu.enqueue_dma source(%arg6 : memref<512xf32, #tpu.memory_space<hbm>>) target(%arg12 : memref<512xf32, #tpu.memory_space<vmem>>) target_semaphore(%run_scoped3A : memref<!tpu.dma_semaphore, #tpu.memory_space<semaphore_mem>>)
      tpu.wait_dma2 semaphore(%run_scoped3A : memref<!tpu.dma_semaphore, #tpu.memory_space<semaphore_mem>>) src(%arg6 : memref<512xf32, #tpu.memory_space<hbm>>) dst(%arg12 : memref<512xf32, #tpu.memory_space<vmem>>)
      tpu.yield
    }) : () -> ()
    %get3A = arith.constant 0 : index
    %get3A_3 = tpu.vector_load %arg12[%get3A] {strides = array<i32>} : memref<512xf32, #tpu.memory_space<vmem>>, vector<16xf32>,
    %get3A_4 = vector.shape_cast %get3A_3 : vector<16xf32> to vector<16xf32>
    %get3A_5 = arith.constant 16 : index
    %get3A_6 = tpu.vector_load %arg12[%get3A_5] {strides = array<i32>} : memref<512xf32, #tpu.memory_space<vmem>>, vector<16xf32>,
    %get3A_7 = vector.shape_cast %get3A_6 : vector<16xf32> to vector<16xf32>
    %get3A_8 = arith.constant 32 : index
    %get3A_9 = tpu.vector_load %arg12[%get3A_8] {strides = array<i32>} : memref<512xf32, #tpu.memory_space<vmem>>, vector<16xf32>,
    %get3A_10 = vector.shape_cast %get3A_9 : vector<16xf32> to vector<16xf32>
    %get3A_11 = arith.constant 48 : index
    %get3A_12 = tpu.vector_load %arg12[%get3A_11] {strides = array<i32>} : memref<512xf32, #tpu.memory_space<vmem>>, vector<16xf32>,
    %get3A_13 = vector.shape_cast %get3A_12 : vector<16xf32> to vector<16xf32>
    %get3A_14 = arith.constant 64 : index
    %get3A_15 = tpu.vector_load %arg12[%get3A_14] {strides = array<i32>} : memref<512xf32, #tpu.memory_space<vmem>>, vector<16xf32>,
    %get3A_16 = vector.shape_cast %get3A_15 : vector<16xf32> to vector<16xf32>
    %get3A_17 = arith.constant 80 : index
    %get3A_18 = tpu.vector_load %arg12[%get3A_17] {strides = array<i32>} : memref<512xf32, #tpu.memory_space<vmem>>, vector<16xf32>,
    %get3A_19 = vector.shape_cast %get3A_18 : vector<16xf32> to vector<16xf32>
    %get3A_20 = arith.constant 96 : index
    %get3A_21 = tpu.vector_load %arg12[%get3A_20] {strides = array<i32>} : memref<512xf32, #tpu.memory_space<vmem>>, vector<16xf32>,
    %get3A_22 = vector.shape_cast %get3A_21 : vector<16xf32> to vector<16xf32>
    %get3A_23 = arith.constant 112 : index
    %get3A_24 = tpu.vector_load %arg12[%get3A_23] {strides = array<i32>} : memref<512xf32, #tpu.memory_space<vmem>>, vector<16xf32>,
    %get3A_25 = vector.shape_cast %get3A_24 : vector<16xf32> to vector<16xf32>
    %get3A_26 = arith.constant 128 : index
    %get3A_27 = tpu.vector_load %arg12[%get3A_26] {strides = array<i32>} : memref<512xf32, #tpu.memory_space<vmem>>, vector<16xf32>,
    %get3A_28 = vector.shape_cast %get3A_27 : vector<16xf32> to vector<16xf32>
    %get3A_29 = arith.constant 144 : index
    %get3A_30 = tpu.vector_load %arg12[%get3A_29] {strides = array<i32>} : memref<512xf32, #tpu.memory_space<vmem>>, vector<16xf32>,
    %get3A_31 = vector.shape_cast %get3A_30 : vector<16xf32> to vector<16xf32>
    %get3A_32 = arith.constant 160 : index
    %get3A_33 = tpu.vector_load %arg12[%get3A_32] {strides = array<i32>} : memref<512xf32, #tpu.memory_space<vmem>>, vector<16xf32>,
    %get3A_34 = vector.shape_cast %get3A_33 : vector<16xf32> to vector<16xf32>
    %get3A_35 = arith.constant 176 : index
    %get3A_36 = tpu.vector_load %arg12[%get3A_35] {strides = array<i32>} : memref<512xf32, #tpu.memory_space<vmem>>, vector<16xf32>,
    %get3A_37 = vector.shape_cast %get3A_36 : vector<16xf32> to vector<16xf32>
    %get3A_38 = arith.constant 192 : index
    %get3A_39 = tpu.vector_load %arg12[%get3A_38] {strides = array<i32>} : memref<512xf32, #tpu.memory_space<vmem>>, vector<16xf32>,
    %get3A_40 = vector.shape_cast %get3A_39 : vector<16xf32> to vector<16xf32>
    %get3A_41 = arith.constant 208 : index
    %get3A_42 = tpu.vector_load %arg12[%get3A_41] {strides = array<i32>} : memref<512xf32, #tpu.memory_space<vmem>>, vector<16xf32>,
    %get3A_43 = vector.shape_cast %get3A_42 : vector<16xf32> to vector<16xf32>
    %get3A_44 = arith.constant 224 : index
    %get3A_45 = tpu.vector_load %arg12[%get3A_44] {strides = array<i32>} : memref<512xf32, #tpu.memory_space<vmem>>, vector<16xf32>,
    %get3A_46 = vector.shape_cast %get3A_45 : vector<16xf32> to vector<16xf32>
    %get3A_47 = arith.constant 240 : index
    %get3A_48 = tpu.vector_load %arg12[%get3A_47] {strides = array<i32>} : memref<512xf32, #tpu.memory_space<vmem>>, vector<16xf32>,
    %get3A_49 = vector.shape_cast %get3A_48 : vector<16xf32> to vector<16xf32>
    %get3A_50 = arith.constant 256 : index
    %get3A_51 = tpu.vector_load %arg12[%get3A_50] {strides = array<i32>} : memref<512xf32, #tpu.memory_space<vmem>>, vector<16xf32>,
    %get3A_52 = vector.shape_cast %get3A_51 : vector<16xf32> to vector<16xf32>
    %get3A_53 = arith.constant 272 : index
    %get3A_54 = tpu.vector_load %arg12[%get3A_53] {strides = array<i32>} : memref<512xf32, #tpu.memory_space<vmem>>, vector<16xf32>,
    %get3A_55 = vector.shape_cast %get3A_54 : vector<16xf32> to vector<16xf32>
    %get3A_56 = arith.constant 288 : index
    %get3A_57 = tpu.vector_load %arg12[%get3A_56] {strides = array<i32>} : memref<512xf32, #tpu.memory_space<vmem>>, vector<16xf32>,
    %get3A_58 = vector.shape_cast %get3A_57 : vector<16xf32> to vector<16xf32>
    %get3A_59 = arith.constant 304 : index
    %get3A_60 = tpu.vector_load %arg12[%get3A_59] {strides = array<i32>} : memref<512xf32, #tpu.memory_space<vmem>>, vector<16xf32>,
    %get3A_61 = vector.shape_cast %get3A_60 : vector<16xf32> to vector<16xf32>
    %get3A_62 = arith.constant 320 : index
    %get3A_63 = tpu.vector_load %arg12[%get3A_62] {strides = array<i32>} : memref<512xf32, #tpu.memory_space<vmem>>, vector<16xf32>,
    %get3A_64 = vector.shape_cast %get3A_63 : vector<16xf32> to vector<16xf32>
    %get3A_65 = arith.constant 336 : index
    %get3A_66 = tpu.vector_load %arg12[%get3A_65] {strides = array<i32>} : memref<512xf32, #tpu.memory_space<vmem>>, vector<16xf32>,
    %get3A_67 = vector.shape_cast %get3A_66 : vector<16xf32> to vector<16xf32>
    %get3A_68 = arith.constant 352 : index
    %get3A_69 = tpu.vector_load %arg12[%get3A_68] {strides = array<i32>} : memref<512xf32, #tpu.memory_space<vmem>>, vector<16xf32>,
    %get3A_70 = vector.shape_cast %get3A_69 : vector<16xf32> to vector<16xf32>
    %get3A_71 = arith.constant 368 : index
    %get3A_72 = tpu.vector_load %arg12[%get3A_71] {strides = array<i32>} : memref<512xf32, #tpu.memory_space<vmem>>, vector<16xf32>,
    %get3A_73 = vector.shape_cast %get3A_72 : vector<16xf32> to vector<16xf32>
    %get3A_74 = arith.constant 384 : index
    %get3A_75 = tpu.vector_load %arg12[%get3A_74] {strides = array<i32>} : memref<512xf32, #tpu.memory_space<vmem>>, vector<16xf32>,
    %get3A_76 = vector.shape_cast %get3A_75 : vector<16xf32> to vector<16xf32>
    %get3A_77 = arith.constant 400 : index
    %get3A_78 = tpu.vector_load %arg12[%get3A_77] {strides = array<i32>} : memref<512xf32, #tpu.memory_space<vmem>>, vector<16xf32>,
    %get3A_79 = vector.shape_cast %get3A_78 : vector<16xf32> to vector<16xf32>
    %get3A_80 = arith.constant 416 : index
    %get3A_81 = tpu.vector_load %arg12[%get3A_80] {strides = array<i32>} : memref<512xf32, #tpu.memory_space<vmem>>, vector<16xf32>,
    %get3A_82 = vector.shape_cast %get3A_81 : vector<16xf32> to vector<16xf32>
    %get3A_83 = arith.constant 432 : index
    %get3A_84 = tpu.vector_load %arg12[%get3A_83] {strides = array<i32>} : memref<512xf32, #tpu.memory_space<vmem>>, vector<16xf32>,
    %get3A_85 = vector.shape_cast %get3A_84 : vector<16xf32> to vector<16xf32>
    %get3A_86 = arith.constant 448 : index
    %get3A_87 = tpu.vector_load %arg12[%get3A_86] {strides = array<i32>} : memref<512xf32, #tpu.memory_space<vmem>>, vector<16xf32>,
    %get3A_88 = vector.shape_cast %get3A_87 : vector<16xf32> to vector<16xf32>
    %get3A_89 = arith.constant 464 : index
    %get3A_90 = tpu.vector_load %arg12[%get3A_89] {strides = array<i32>} : memref<512xf32, #tpu.memory_space<vmem>>, vector<16xf32>,
    %get3A_91 = vector.shape_cast %get3A_90 : vector<16xf32> to vector<16xf32>
    %get3A_92 = arith.constant 480 : index
    %get3A_93 = tpu.vector_load %arg12[%get3A_92] {strides = array<i32>} : memref<512xf32, #tpu.memory_space<vmem>>, vector<16xf32>,
    %get3A_94 = vector.shape_cast %get3A_93 : vector<16xf32> to vector<16xf32>
    %get3A_95 = arith.constant 496 : index
    %get3A_96 = tpu.vector_load %arg12[%get3A_95] {strides = array<i32>} : memref<512xf32, #tpu.memory_space<vmem>>, vector<16xf32>,
    %get3A_97 = vector.shape_cast %get3A_96 : vector<16xf32> to vector<16xf32>
    %get3A_98 = arith.constant 0 : index
    %get3A_99 = tpu.vector_load %arg8[%get3A_98] {strides = array<i32>} : memref<160xf32, #tpu.memory_space<vmem>>, vector<16xf32>,
    %get3A_100 = vector.shape_cast %get3A_99 : vector<16xf32> to vector<16xf32>
    %get3A_101 = arith.constant 0 : index
    %get3A_102 = tpu.vector_load %arg9[%get3A_101] {strides = array<i32>} : memref<160xf32, #tpu.memory_space<vmem>>, vector<16xf32>,
    %get3A_103 = vector.shape_cast %get3A_102 : vector<16xf32> to vector<16xf32>
    %get3A_104 = arith.constant 0 : index
    %get3A_105 = tpu.vector_load %arg10[%get3A_104] {strides = array<i32>} : memref<160xf32, #tpu.memory_space<vmem>>, vector<16xf32>,
    %get3A_106 = vector.shape_cast %get3A_105 : vector<16xf32> to vector<16xf32>
    %get3A_107 = arith.constant 0 : index
    %get3A_108 = tpu.vector_load %arg11[%get3A_107] {strides = array<i32>} : memref<160xf32, #tpu.memory_space<vmem>>, vector<16xf32>,
    %get3A_109 = vector.shape_cast %get3A_108 : vector<16xf32> to vector<16xf32>
    %div3A = arith.constant 2.000000e+00 : f32
    %div3A_110 = vector.broadcast %div3A : f32 to vector<16xf32>
    %div3A_111 = arith.divf %get3A_106, %div3A_110 : vector<16xf32>
    %sub3A = arith.subf %get3A_100, %div3A_111 : vector<16xf32>
    %div3A_112 = arith.constant 2.000000e+00 : f32
    %div3A_113 = vector.broadcast %div3A_112 : f32 to vector<16xf32>
    %div3A_114 = arith.divf %get3A_106, %div3A_113 : vector<16xf32>
    %add3A_115 = arith.addf %get3A_100, %div3A_114 : vector<16xf32>
    %div3A_116 = arith.constant 2.000000e+00 : f32
    %div3A_117 = vector.broadcast %div3A_116 : f32 to vector<16xf32>
    %div3A_118 = arith.divf %get3A_109, %div3A_117 : vector<16xf32>
    %sub3A_119 = arith.subf %get3A_103, %div3A_118 : vector<16xf32>
    %div3A_120 = arith.constant 2.000000e+00 : f32
    %div3A_121 = vector.broadcast %div3A_120 : f32 to vector<16xf32>
    %div3A_122 = arith.divf %get3A_109, %div3A_121 : vector<16xf32>
    %add3A_123 = arith.addf %get3A_103, %div3A_122 : vector<16xf32>
    %add3A_124 = arith.addf %sub3A, %add3A_115 : vector<16xf32>
    %div3A_125 = arith.constant 2.000000e+00 : f32
    %div3A_126 = vector.broadcast %div3A_125 : f32 to vector<16xf32>
    %div3A_127 = arith.divf %add3A_124, %div3A_126 : vector<16xf32>
    %add3A_128 = arith.addf %sub3A_119, %add3A_123 : vector<16xf32>
    %div3A_129 = arith.constant 2.000000e+00 : f32
    %div3A_130 = vector.broadcast %div3A_129 : f32 to vector<16xf32>
    %div3A_131 = arith.divf %add3A_128, %div3A_130 : vector<16xf32>
    %broadcast_in_dim3A = arith.constant 1 : i32
    %broadcast_in_dim3A_132 = vector.broadcast %broadcast_in_dim3A : i32 to vector<16xi32>
    %broadcast_in_dim3A_133 = arith.constant 0 : i32
    %broadcast_in_dim3A_134 = vector.broadcast %broadcast_in_dim3A_133 : i32 to vector<16xi32>
    %gt3A = arith.cmpf ogt, %get3A_7, %div3A_131 : vector<16xf32>
    %select_n3A = arith.select %gt3A, %broadcast_in_dim3A_132, %broadcast_in_dim3A_134 : vector<16xi1>, vector<16xi32>
    %gt3A_135 = arith.cmpf ogt, %get3A_13, %div3A_131 : vector<16xf32>
    %select_n3A_136 = arith.select %gt3A_135, %broadcast_in_dim3A_132, %broadcast_in_dim3A_134 : vector<16xi1>, vector<16xi32>
    %sub3A_137 = arith.subf %get3A_10, %get3A_4 : vector<16xf32>
    %sub3A_138 = arith.subf %div3A_131, %get3A_7 : vector<16xf32>
    %mul3A_139 = arith.mulf %sub3A_137, %sub3A_138 : vector<16xf32>
    %sub3A_140 = arith.subf %get3A_13, %get3A_7 : vector<16xf32>
    %div3A_141 = arith.divf %mul3A_139, %sub3A_140 : vector<16xf32>
    %add3A_142 = arith.addf %div3A_141, %get3A_4 : vector<16xf32>
    %gt3A_143 = arith.cmpf ogt, %add3A_142, %div3A_127 : vector<16xf32>
    %select_n3A_144 = arith.select %gt3A_143, %broadcast_in_dim3A_132, %broadcast_in_dim3A_134 : vector<16xi1>, vector<16xi32>
    %xor3A = arith.xori %select_n3A, %select_n3A_136 : vector<16xi32>
    %and3A = arith.andi %xor3A, %select_n3A_144 : vector<16xi32>
    %xor3A_145 = arith.xori %broadcast_in_dim3A_134, %and3A : vector<16xi32>
    %gt3A_146 = arith.cmpf ogt, %get3A_19, %div3A_131 : vector<16xf32>
    %select_n3A_147 = arith.select %gt3A_146, %broadcast_in_dim3A_132, %broadcast_in_dim3A_134 : vector<16xi1>, vector<16xi32>
    %gt3A_148 = arith.cmpf ogt, %get3A_25, %div3A_131 : vector<16xf32>
    %select_n3A_149 = arith.select %gt3A_148, %broadcast_in_dim3A_132, %broadcast_in_dim3A_134 : vector<16xi1>, vector<16xi32>
    %sub3A_150 = arith.subf %get3A_22, %get3A_16 : vector<16xf32>
    %sub3A_151 = arith.subf %div3A_131, %get3A_19 : vector<16xf32>
    %mul3A_152 = arith.mulf %sub3A_150, %sub3A_151 : vector<16xf32>
    %sub3A_153 = arith.subf %get3A_25, %get3A_19 : vector<16xf32>
    %div3A_154 = arith.divf %mul3A_152, %sub3A_153 : vector<16xf32>
    %add3A_155 = arith.addf %div3A_154, %get3A_16 : vector<16xf32>
    %gt3A_156 = arith.cmpf ogt, %add3A_155, %div3A_127 : vector<16xf32>
    %select_n3A_157 = arith.select %gt3A_156, %broadcast_in_dim3A_132, %broadcast_in_dim3A_134 : vector<16xi1>, vector<16xi32>
    %xor3A_158 = arith.xori %select_n3A_147, %select_n3A_149 : vector<16xi32>
    %and3A_159 = arith.andi %xor3A_158, %select_n3A_157 : vector<16xi32>
    %xor3A_160 = arith.xori %xor3A_145, %and3A_159 : vector<16xi32>
    %gt3A_161 = arith.cmpf ogt, %get3A_31, %div3A_131 : vector<16xf32>
    %select_n3A_162 = arith.select %gt3A_161, %broadcast_in_dim3A_132, %broadcast_in_dim3A_134 : vector<16xi1>, vector<16xi32>
    %gt3A_163 = arith.cmpf ogt, %get3A_37, %div3A_131 : vector<16xf32>
    %select_n3A_164 = arith.select %gt3A_163, %broadcast_in_dim3A_132, %broadcast_in_dim3A_134 : vector<16xi1>, vector<16xi32>
    %sub3A_165 = arith.subf %get3A_34, %get3A_28 : vector<16xf32>
    %sub3A_166 = arith.subf %div3A_131, %get3A_31 : vector<16xf32>
    %mul3A_167 = arith.mulf %sub3A_165, %sub3A_166 : vector<16xf32>
    %sub3A_168 = arith.subf %get3A_37, %get3A_31 : vector<16xf32>
    %div3A_169 = arith.divf %mul3A_167, %sub3A_168 : vector<16xf32>
    %add3A_170 = arith.addf %div3A_169, %get3A_28 : vector<16xf32>
    %gt3A_171 = arith.cmpf ogt, %add3A_170, %div3A_127 : vector<16xf32>
    %select_n3A_172 = arith.select %gt3A_171, %broadcast_in_dim3A_132, %broadcast_in_dim3A_134 : vector<16xi1>, vector<16xi32>
    %xor3A_173 = arith.xori %select_n3A_162, %select_n3A_164 : vector<16xi32>
    %and3A_174 = arith.andi %xor3A_173, %select_n3A_172 : vector<16xi32>
    %xor3A_175 = arith.xori %xor3A_160, %and3A_174 : vector<16xi32>
    %gt3A_176 = arith.cmpf ogt, %get3A_43, %div3A_131 : vector<16xf32>
    %select_n3A_177 = arith.select %gt3A_176, %broadcast_in_dim3A_132, %broadcast_in_dim3A_134 : vector<16xi1>, vector<16xi32>
    %gt3A_178 = arith.cmpf ogt, %get3A_49, %div3A_131 : vector<16xf32>
    %select_n3A_179 = arith.select %gt3A_178, %broadcast_in_dim3A_132, %broadcast_in_dim3A_134 : vector<16xi1>, vector<16xi32>
    %sub3A_180 = arith.subf %get3A_46, %get3A_40 : vector<16xf32>
    %sub3A_181 = arith.subf %div3A_131, %get3A_43 : vector<16xf32>
    %mul3A_182 = arith.mulf %sub3A_180, %sub3A_181 : vector<16xf32>
    %sub3A_183 = arith.subf %get3A_49, %get3A_43 : vector<16xf32>
    %div3A_184 = arith.divf %mul3A_182, %sub3A_183 : vector<16xf32>
    %add3A_185 = arith.addf %div3A_184, %get3A_40 : vector<16xf32>
    %gt3A_186 = arith.cmpf ogt, %add3A_185, %div3A_127 : vector<16xf32>
    %select_n3A_187 = arith.select %gt3A_186, %broadcast_in_dim3A_132, %broadcast_in_dim3A_134 : vector<16xi1>, vector<16xi32>
    %xor3A_188 = arith.xori %select_n3A_177, %select_n3A_179 : vector<16xi32>
    %and3A_189 = arith.andi %xor3A_188, %select_n3A_187 : vector<16xi32>
    %xor3A_190 = arith.xori %xor3A_175, %and3A_189 : vector<16xi32>
    %gt3A_191 = arith.cmpf ogt, %get3A_55, %div3A_131 : vector<16xf32>
    %select_n3A_192 = arith.select %gt3A_191, %broadcast_in_dim3A_132, %broadcast_in_dim3A_134 : vector<16xi1>, vector<16xi32>
    %gt3A_193 = arith.cmpf ogt, %get3A_61, %div3A_131 : vector<16xf32>
    %select_n3A_194 = arith.select %gt3A_193, %broadcast_in_dim3A_132, %broadcast_in_dim3A_134 : vector<16xi1>, vector<16xi32>
    %sub3A_195 = arith.subf %get3A_58, %get3A_52 : vector<16xf32>
    %sub3A_196 = arith.subf %div3A_131, %get3A_55 : vector<16xf32>
    %mul3A_197 = arith.mulf %sub3A_195, %sub3A_196 : vector<16xf32>
    %sub3A_198 = arith.subf %get3A_61, %get3A_55 : vector<16xf32>
    %div3A_199 = arith.divf %mul3A_197, %sub3A_198 : vector<16xf32>
    %add3A_200 = arith.addf %div3A_199, %get3A_52 : vector<16xf32>
    %gt3A_201 = arith.cmpf ogt, %add3A_200, %div3A_127 : vector<16xf32>
    %select_n3A_202 = arith.select %gt3A_201, %broadcast_in_dim3A_132, %broadcast_in_dim3A_134 : vector<16xi1>, vector<16xi32>
    %xor3A_203 = arith.xori %select_n3A_192, %select_n3A_194 : vector<16xi32>
    %and3A_204 = arith.andi %xor3A_203, %select_n3A_202 : vector<16xi32>
    %xor3A_205 = arith.xori %xor3A_190, %and3A_204 : vector<16xi32>
    %gt3A_206 = arith.cmpf ogt, %get3A_67, %div3A_131 : vector<16xf32>
    %select_n3A_207 = arith.select %gt3A_206, %broadcast_in_dim3A_132, %broadcast_in_dim3A_134 : vector<16xi1>, vector<16xi32>
    %gt3A_208 = arith.cmpf ogt, %get3A_73, %div3A_131 : vector<16xf32>
    %select_n3A_209 = arith.select %gt3A_208, %broadcast_in_dim3A_132, %broadcast_in_dim3A_134 : vector<16xi1>, vector<16xi32>
    %sub3A_210 = arith.subf %get3A_70, %get3A_64 : vector<16xf32>
    %sub3A_211 = arith.subf %div3A_131, %get3A_67 : vector<16xf32>
    %mul3A_212 = arith.mulf %sub3A_210, %sub3A_211 : vector<16xf32>
    %sub3A_213 = arith.subf %get3A_73, %get3A_67 : vector<16xf32>
    %div3A_214 = arith.divf %mul3A_212, %sub3A_213 : vector<16xf32>
    %add3A_215 = arith.addf %div3A_214, %get3A_64 : vector<16xf32>
    %gt3A_216 = arith.cmpf ogt, %add3A_215, %div3A_127 : vector<16xf32>
    %select_n3A_217 = arith.select %gt3A_216, %broadcast_in_dim3A_132, %broadcast_in_dim3A_134 : vector<16xi1>, vector<16xi32>
    %xor3A_218 = arith.xori %select_n3A_207, %select_n3A_209 : vector<16xi32>
    %and3A_219 = arith.andi %xor3A_218, %select_n3A_217 : vector<16xi32>
    %xor3A_220 = arith.xori %xor3A_205, %and3A_219 : vector<16xi32>
    %gt3A_221 = arith.cmpf ogt, %get3A_79, %div3A_131 : vector<16xf32>
    %select_n3A_222 = arith.select %gt3A_221, %broadcast_in_dim3A_132, %broadcast_in_dim3A_134 : vector<16xi1>, vector<16xi32>
    %gt3A_223 = arith.cmpf ogt, %get3A_85, %div3A_131 : vector<16xf32>
    %select_n3A_224 = arith.select %gt3A_223, %broadcast_in_dim3A_132, %broadcast_in_dim3A_134 : vector<16xi1>, vector<16xi32>
    %sub3A_225 = arith.subf %get3A_82, %get3A_76 : vector<16xf32>
    %sub3A_226 = arith.subf %div3A_131, %get3A_79 : vector<16xf32>
    %mul3A_227 = arith.mulf %sub3A_225, %sub3A_226 : vector<16xf32>
    %sub3A_228 = arith.subf %get3A_85, %get3A_79 : vector<16xf32>
    %div3A_229 = arith.divf %mul3A_227, %sub3A_228 : vector<16xf32>
    %add3A_230 = arith.addf %div3A_229, %get3A_76 : vector<16xf32>
    %gt3A_231 = arith.cmpf ogt, %add3A_230, %div3A_127 : vector<16xf32>
    %select_n3A_232 = arith.select %gt3A_231, %broadcast_in_dim3A_132, %broadcast_in_dim3A_134 : vector<16xi1>, vector<16xi32>
    %xor3A_233 = arith.xori %select_n3A_222, %select_n3A_224 : vector<16xi32>
    %and3A_234 = arith.andi %xor3A_233, %select_n3A_232 : vector<16xi32>
    %xor3A_235 = arith.xori %xor3A_220, %and3A_234 : vector<16xi32>
    %gt3A_236 = arith.cmpf ogt, %get3A_91, %div3A_131 : vector<16xf32>
    %select_n3A_237 = arith.select %gt3A_236, %broadcast_in_dim3A_132, %broadcast_in_dim3A_134 : vector<16xi1>, vector<16xi32>
    %gt3A_238 = arith.cmpf ogt, %get3A_97, %div3A_131 : vector<16xf32>
    %select_n3A_239 = arith.select %gt3A_238, %broadcast_in_dim3A_132, %broadcast_in_dim3A_134 : vector<16xi1>, vector<16xi32>
    %sub3A_240 = arith.subf %get3A_94, %get3A_88 : vector<16xf32>
    %sub3A_241 = arith.subf %div3A_131, %get3A_91 : vector<16xf32>
    %mul3A_242 = arith.mulf %sub3A_240, %sub3A_241 : vector<16xf32>
    %sub3A_243 = arith.subf %get3A_97, %get3A_91 : vector<16xf32>
    %div3A_244 = arith.divf %mul3A_242, %sub3A_243 : vector<16xf32>
    %add3A_245 = arith.addf %div3A_244, %get3A_88 : vector<16xf32>
    %gt3A_246 = arith.cmpf ogt, %add3A_245, %div3A_127 : vector<16xf32>
    %select_n3A_247 = arith.select %gt3A_246, %broadcast_in_dim3A_132, %broadcast_in_dim3A_134 : vector<16xi1>, vector<16xi32>
    %xor3A_248 = arith.xori %select_n3A_237, %select_n3A_239 : vector<16xi32>
    %and3A_249 = arith.andi %xor3A_248, %select_n3A_247 : vector<16xi32>
    %xor3A_250 = arith.xori %xor3A_235, %and3A_249 : vector<16xi32>
    %swap3A = arith.constant 0 : index
    %swap3A_251 = tpu.vector_load %arg13[%swap3A] {strides = array<i32>} : memref<160xi32, #tpu.memory_space<vmem>>, vector<16xi32>,
    %swap3A_252 = vector.shape_cast %swap3A_251 : vector<16xi32> to vector<16xi32>
    %swap3A_253 = vector.shape_cast %xor3A_250 : vector<16xi32> to vector<16xi32>
    tpu.vector_store %arg13[%swap3A], %swap3A_253 {strides = array<i32>} : memref<160xi32, #tpu.memory_space<vmem>>, vector<16xi32>,
    %get3A_254 = arith.constant 16 : index
    %get3A_255 = tpu.vector_load %arg8[%get3A_254] {strides = array<i32>} : memref<160xf32, #tpu.memory_space<vmem>>, vector<16xf32>,
    %get3A_256 = vector.shape_cast %get3A_255 : vector<16xf32> to vector<16xf32>
    %get3A_257 = arith.constant 16 : index
    %get3A_258 = tpu.vector_load %arg9[%get3A_257] {strides = array<i32>} : memref<160xf32, #tpu.memory_space<vmem>>, vector<16xf32>,
    %get3A_259 = vector.shape_cast %get3A_258 : vector<16xf32> to vector<16xf32>
    %get3A_260 = arith.constant 16 : index
    %get3A_261 = tpu.vector_load %arg10[%get3A_260] {strides = array<i32>} : memref<160xf32, #tpu.memory_space<vmem>>, vector<16xf32>,
    %get3A_262 = vector.shape_cast %get3A_261 : vector<16xf32> to vector<16xf32>
    %get3A_263 = arith.constant 16 : index
    %get3A_264 = tpu.vector_load %arg11[%get3A_263] {strides = array<i32>} : memref<160xf32, #tpu.memory_space<vmem>>, vector<16xf32>,
    %get3A_265 = vector.shape_cast %get3A_264 : vector<16xf32> to vector<16xf32>
    %div3A_266 = arith.constant 2.000000e+00 : f32
    %div3A_267 = vector.broadcast %div3A_266 : f32 to vector<16xf32>
    %div3A_268 = arith.divf %get3A_262, %div3A_267 : vector<16xf32>
    %sub3A_269 = arith.subf %get3A_256, %div3A_268 : vector<16xf32>
    %div3A_270 = arith.constant 2.000000e+00 : f32
    %div3A_271 = vector.broadcast %div3A_270 : f32 to vector<16xf32>
    %div3A_272 = arith.divf %get3A_262, %div3A_271 : vector<16xf32>
    %add3A_273 = arith.addf %get3A_256, %div3A_272 : vector<16xf32>
    %div3A_274 = arith.constant 2.000000e+00 : f32
    %div3A_275 = vector.broadcast %div3A_274 : f32 to vector<16xf32>
    %div3A_276 = arith.divf %get3A_265, %div3A_275 : vector<16xf32>
    %sub3A_277 = arith.subf %get3A_259, %div3A_276 : vector<16xf32>
    %div3A_278 = arith.constant 2.000000e+00 : f32
    %div3A_279 = vector.broadcast %div3A_278 : f32 to vector<16xf32>
    %div3A_280 = arith.divf %get3A_265, %div3A_279 : vector<16xf32>
    %add3A_281 = arith.addf %get3A_259, %div3A_280 : vector<16xf32>
    %add3A_282 = arith.addf %sub3A_269, %add3A_273 : vector<16xf32>
    %div3A_283 = arith.constant 2.000000e+00 : f32
    %div3A_284 = vector.broadcast %div3A_283 : f32 to vector<16xf32>
    %div3A_285 = arith.divf %add3A_282, %div3A_284 : vector<16xf32>
    %add3A_286 = arith.addf %sub3A_277, %add3A_281 : vector<16xf32>
    %div3A_287 = arith.constant 2.000000e+00 : f32
    %div3A_288 = vector.broadcast %div3A_287 : f32 to vector<16xf32>
    %div3A_289 = arith.divf %add3A_286, %div3A_288 : vector<16xf32>
    %broadcast_in_dim3A_290 = arith.constant 1 : i32
    %broadcast_in_dim3A_291 = vector.broadcast %broadcast_in_dim3A_290 : i32 to vector<16xi32>
    %broadcast_in_dim3A_292 = arith.constant 0 : i32
    %broadcast_in_dim3A_293 = vector.broadcast %broadcast_in_dim3A_292 : i32 to vector<16xi32>
    %gt3A_294 = arith.cmpf ogt, %get3A_7, %div3A_289 : vector<16xf32>
    %select_n3A_295 = arith.select %gt3A_294, %broadcast_in_dim3A_291, %broadcast_in_dim3A_293 : vector<16xi1>, vector<16xi32>
    %gt3A_296 = arith.cmpf ogt, %get3A_13, %div3A_289 : vector<16xf32>
    %select_n3A_297 = arith.select %gt3A_296, %broadcast_in_dim3A_291, %broadcast_in_dim3A_293 : vector<16xi1>, vector<16xi32>
    %sub3A_298 = arith.subf %get3A_10, %get3A_4 : vector<16xf32>
    %sub3A_299 = arith.subf %div3A_289, %get3A_7 : vector<16xf32>
    %mul3A_300 = arith.mulf %sub3A_298, %sub3A_299 : vector<16xf32>
    %sub3A_301 = arith.subf %get3A_13, %get3A_7 : vector<16xf32>
    %div3A_302 = arith.divf %mul3A_300, %sub3A_301 : vector<16xf32>
    %add3A_303 = arith.addf %div3A_302, %get3A_4 : vector<16xf32>
    %gt3A_304 = arith.cmpf ogt, %add3A_303, %div3A_285 : vector<16xf32>
    %select_n3A_305 = arith.select %gt3A_304, %broadcast_in_dim3A_291, %broadcast_in_dim3A_293 : vector<16xi1>, vector<16xi32>
    %xor3A_306 = arith.xori %select_n3A_295, %select_n3A_297 : vector<16xi32>
    %and3A_307 = arith.andi %xor3A_306, %select_n3A_305 : vector<16xi32>
    %xor3A_308 = arith.xori %broadcast_in_dim3A_293, %and3A_307 : vector<16xi32>
    %gt3A_309 = arith.cmpf ogt, %get3A_19, %div3A_289 : vector<16xf32>
    %select_n3A_310 = arith.select %gt3A_309, %broadcast_in_dim3A_291, %broadcast_in_dim3A_293 : vector<16xi1>, vector<16xi32>
    %gt3A_311 = arith.cmpf ogt, %get3A_25, %div3A_289 : vector<16xf32>
    %select_n3A_312 = arith.select %gt3A_311, %broadcast_in_dim3A_291, %broadcast_in_dim3A_293 : vector<16xi1>, vector<16xi32>
    %sub3A_313 = arith.subf %get3A_22, %get3A_16 : vector<16xf32>
    %sub3A_314 = arith.subf %div3A_289, %get3A_19 : vector<16xf32>
    %mul3A_315 = arith.mulf %sub3A_313, %sub3A_314 : vector<16xf32>
    %sub3A_316 = arith.subf %get3A_25, %get3A_19 : vector<16xf32>
    %div3A_317 = arith.divf %mul3A_315, %sub3A_316 : vector<16xf32>
    %add3A_318 = arith.addf %div3A_317, %get3A_16 : vector<16xf32>
    %gt3A_319 = arith.cmpf ogt, %add3A_318, %div3A_285 : vector<16xf32>
    %select_n3A_320 = arith.select %gt3A_319, %broadcast_in_dim3A_291, %broadcast_in_dim3A_293 : vector<16xi1>, vector<16xi32>
    %xor3A_321 = arith.xori %select_n3A_310, %select_n3A_312 : vector<16xi32>
    %and3A_322 = arith.andi %xor3A_321, %select_n3A_320 : vector<16xi32>
    %xor3A_323 = arith.xori %xor3A_308, %and3A_322 : vector<16xi32>
    %gt3A_324 = arith.cmpf ogt, %get3A_31, %div3A_289 : vector<16xf32>
    %select_n3A_325 = arith.select %gt3A_324, %broadcast_in_dim3A_291, %broadcast_in_dim3A_293 : vector<16xi1>, vector<16xi32>
    %gt3A_326 = arith.cmpf ogt, %get3A_37, %div3A_289 : vector<16xf32>
    %select_n3A_327 = arith.select %gt3A_326, %broadcast_in_dim3A_291, %broadcast_in_dim3A_293 : vector<16xi1>, vector<16xi32>
    %sub3A_328 = arith.subf %get3A_34, %get3A_28 : vector<16xf32>
    %sub3A_329 = arith.subf %div3A_289, %get3A_31 : vector<16xf32>
    %mul3A_330 = arith.mulf %sub3A_328, %sub3A_329 : vector<16xf32>
    %sub3A_331 = arith.subf %get3A_37, %get3A_31 : vector<16xf32>
    %div3A_332 = arith.divf %mul3A_330, %sub3A_331 : vector<16xf32>
    %add3A_333 = arith.addf %div3A_332, %get3A_28 : vector<16xf32>
    %gt3A_334 = arith.cmpf ogt, %add3A_333, %div3A_285 : vector<16xf32>
    %select_n3A_335 = arith.select %gt3A_334, %broadcast_in_dim3A_291, %broadcast_in_dim3A_293 : vector<16xi1>, vector<16xi32>
    %xor3A_336 = arith.xori %select_n3A_325, %select_n3A_327 : vector<16xi32>
    %and3A_337 = arith.andi %xor3A_336, %select_n3A_335 : vector<16xi32>
    %xor3A_338 = arith.xori %xor3A_323, %and3A_337 : vector<16xi32>
    %gt3A_339 = arith.cmpf ogt, %get3A_43, %div3A_289 : vector<16xf32>
    %select_n3A_340 = arith.select %gt3A_339, %broadcast_in_dim3A_291, %broadcast_in_dim3A_293 : vector<16xi1>, vector<16xi32>
    %gt3A_341 = arith.cmpf ogt, %get3A_49, %div3A_289 : vector<16xf32>
    %select_n3A_342 = arith.select %gt3A_341, %broadcast_in_dim3A_291, %broadcast_in_dim3A_293 : vector<16xi1>, vector<16xi32>
    %sub3A_343 = arith.subf %get3A_46, %get3A_40 : vector<16xf32>
    %sub3A_344 = arith.subf %div3A_289, %get3A_43 : vector<16xf32>
    %mul3A_345 = arith.mulf %sub3A_343, %sub3A_344 : vector<16xf32>
    %sub3A_346 = arith.subf %get3A_49, %get3A_43 : vector<16xf32>
    %div3A_347 = arith.divf %mul3A_345, %sub3A_346 : vector<16xf32>
    %add3A_348 = arith.addf %div3A_347, %get3A_40 : vector<16xf32>
    %gt3A_349 = arith.cmpf ogt, %add3A_348, %div3A_285 : vector<16xf32>
    %select_n3A_350 = arith.select %gt3A_349, %broadcast_in_dim3A_291, %broadcast_in_dim3A_293 : vector<16xi1>, vector<16xi32>
    %xor3A_351 = arith.xori %select_n3A_340, %select_n3A_342 : vector<16xi32>
    %and3A_352 = arith.andi %xor3A_351, %select_n3A_350 : vector<16xi32>
    %xor3A_353 = arith.xori %xor3A_338, %and3A_352 : vector<16xi32>
    %gt3A_354 = arith.cmpf ogt, %get3A_55, %div3A_289 : vector<16xf32>
    %select_n3A_355 = arith.select %gt3A_354, %broadcast_in_dim3A_291, %broadcast_in_dim3A_293 : vector<16xi1>, vector<16xi32>
    %gt3A_356 = arith.cmpf ogt, %get3A_61, %div3A_289 : vector<16xf32>
    %select_n3A_357 = arith.select %gt3A_356, %broadcast_in_dim3A_291, %broadcast_in_dim3A_293 : vector<16xi1>, vector<16xi32>
    %sub3A_358 = arith.subf %get3A_58, %get3A_52 : vector<16xf32>
    %sub3A_359 = arith.subf %div3A_289, %get3A_55 : vector<16xf32>
    %mul3A_360 = arith.mulf %sub3A_358, %sub3A_359 : vector<16xf32>
    %sub3A_361 = arith.subf %get3A_61, %get3A_55 : vector<16xf32>
    %div3A_362 = arith.divf %mul3A_360, %sub3A_361 : vector<16xf32>
    %add3A_363 = arith.addf %div3A_362, %get3A_52 : vector<16xf32>
    %gt3A_364 = arith.cmpf ogt, %add3A_363, %div3A_285 : vector<16xf32>
    %select_n3A_365 = arith.select %gt3A_364, %broadcast_in_dim3A_291, %broadcast_in_dim3A_293 : vector<16xi1>, vector<16xi32>
    %xor3A_366 = arith.xori %select_n3A_355, %select_n3A_357 : vector<16xi32>
    %and3A_367 = arith.andi %xor3A_366, %select_n3A_365 : vector<16xi32>
    %xor3A_368 = arith.xori %xor3A_353, %and3A_367 : vector<16xi32>
    %gt3A_369 = arith.cmpf ogt, %get3A_67, %div3A_289 : vector<16xf32>
    %select_n3A_370 = arith.select %gt3A_369, %broadcast_in_dim3A_291, %broadcast_in_dim3A_293 : vector<16xi1>, vector<16xi32>
    %gt3A_371 = arith.cmpf ogt, %get3A_73, %div3A_289 : vector<16xf32>
    %select_n3A_372 = arith.select %gt3A_371, %broadcast_in_dim3A_291, %broadcast_in_dim3A_293 : vector<16xi1>, vector<16xi32>
    %sub3A_373 = arith.subf %get3A_70, %get3A_64 : vector<16xf32>
    %sub3A_374 = arith.subf %div3A_289, %get3A_67 : vector<16xf32>
    %mul3A_375 = arith.mulf %sub3A_373, %sub3A_374 : vector<16xf32>
    %sub3A_376 = arith.subf %get3A_73, %get3A_67 : vector<16xf32>
    %div3A_377 = arith.divf %mul3A_375, %sub3A_376 : vector<16xf32>
    %add3A_378 = arith.addf %div3A_377, %get3A_64 : vector<16xf32>
    %gt3A_379 = arith.cmpf ogt, %add3A_378, %div3A_285 : vector<16xf32>
    %select_n3A_380 = arith.select %gt3A_379, %broadcast_in_dim3A_291, %broadcast_in_dim3A_293 : vector<16xi1>, vector<16xi32>
    %xor3A_381 = arith.xori %select_n3A_370, %select_n3A_372 : vector<16xi32>
    %and3A_382 = arith.andi %xor3A_381, %select_n3A_380 : vector<16xi32>
    %xor3A_383 = arith.xori %xor3A_368, %and3A_382 : vector<16xi32>
    %gt3A_384 = arith.cmpf ogt, %get3A_79, %div3A_289 : vector<16xf32>
    %select_n3A_385 = arith.select %gt3A_384, %broadcast_in_dim3A_291, %broadcast_in_dim3A_293 : vector<16xi1>, vector<16xi32>
    %gt3A_386 = arith.cmpf ogt, %get3A_85, %div3A_289 : vector<16xf32>
    %select_n3A_387 = arith.select %gt3A_386, %broadcast_in_dim3A_291, %broadcast_in_dim3A_293 : vector<16xi1>, vector<16xi32>
    %sub3A_388 = arith.subf %get3A_82, %get3A_76 : vector<16xf32>
    %sub3A_389 = arith.subf %div3A_289, %get3A_79 : vector<16xf32>
    %mul3A_390 = arith.mulf %sub3A_388, %sub3A_389 : vector<16xf32>
    %sub3A_391 = arith.subf %get3A_85, %get3A_79 : vector<16xf32>
    %div3A_392 = arith.divf %mul3A_390, %sub3A_391 : vector<16xf32>
    %add3A_393 = arith.addf %div3A_392, %get3A_76 : vector<16xf32>
    %gt3A_394 = arith.cmpf ogt, %add3A_393, %div3A_285 : vector<16xf32>
    %select_n3A_395 = arith.select %gt3A_394, %broadcast_in_dim3A_291, %broadcast_in_dim3A_293 : vector<16xi1>, vector<16xi32>
    %xor3A_396 = arith.xori %select_n3A_385, %select_n3A_387 : vector<16xi32>
    %and3A_397 = arith.andi %xor3A_396, %select_n3A_395 : vector<16xi32>
    %xor3A_398 = arith.xori %xor3A_383, %and3A_397 : vector<16xi32>
    %gt3A_399 = arith.cmpf ogt, %get3A_91, %div3A_289 : vector<16xf32>
    %select_n3A_400 = arith.select %gt3A_399, %broadcast_in_dim3A_291, %broadcast_in_dim3A_293 : vector<16xi1>, vector<16xi32>
    %gt3A_401 = arith.cmpf ogt, %get3A_97, %div3A_289 : vector<16xf32>
    %select_n3A_402 = arith.select %gt3A_401, %broadcast_in_dim3A_291, %broadcast_in_dim3A_293 : vector<16xi1>, vector<16xi32>
    %sub3A_403 = arith.subf %get3A_94, %get3A_88 : vector<16xf32>
    %sub3A_404 = arith.subf %div3A_289, %get3A_91 : vector<16xf32>
    %mul3A_405 = arith.mulf %sub3A_403, %sub3A_404 : vector<16xf32>
    %sub3A_406 = arith.subf %get3A_97, %get3A_91 : vector<16xf32>
    %div3A_407 = arith.divf %mul3A_405, %sub3A_406 : vector<16xf32>
    %add3A_408 = arith.addf %div3A_407, %get3A_88 : vector<16xf32>
    %gt3A_409 = arith.cmpf ogt, %add3A_408, %div3A_285 : vector<16xf32>
    %select_n3A_410 = arith.select %gt3A_409, %broadcast_in_dim3A_291, %broadcast_in_dim3A_293 : vector<16xi1>, vector<16xi32>
    %xor3A_411 = arith.xori %select_n3A_400, %select_n3A_402 : vector<16xi32>
    %and3A_412 = arith.andi %xor3A_411, %select_n3A_410 : vector<16xi32>
    %xor3A_413 = arith.xori %xor3A_398, %and3A_412 : vector<16xi32>
    %swap3A_414 = arith.constant 16 : index
    %swap3A_415 = tpu.vector_load %arg13[%swap3A_414] {strides = array<i32>} : memref<160xi32, #tpu.memory_space<vmem>>, vector<16xi32>,
    %swap3A_416 = vector.shape_cast %swap3A_415 : vector<16xi32> to vector<16xi32>
    %swap3A_417 = vector.shape_cast %xor3A_413 : vector<16xi32> to vector<16xi32>
    tpu.vector_store %arg13[%swap3A_414], %swap3A_417 {strides = array<i32>} : memref<160xi32, #tpu.memory_space<vmem>>, vector<16xi32>,
    %get3A_418 = arith.constant 32 : index
    %get3A_419 = tpu.vector_load %arg8[%get3A_418] {strides = array<i32>} : memref<160xf32, #tpu.memory_space<vmem>>, vector<16xf32>,
    %get3A_420 = vector.shape_cast %get3A_419 : vector<16xf32> to vector<16xf32>
    %get3A_421 = arith.constant 32 : index
    %get3A_422 = tpu.vector_load %arg9[%get3A_421] {strides = array<i32>} : memref<160xf32, #tpu.memory_space<vmem>>, vector<16xf32>,
    %get3A_423 = vector.shape_cast %get3A_422 : vector<16xf32> to vector<16xf32>
    %get3A_424 = arith.constant 32 : index
    %get3A_425 = tpu.vector_load %arg10[%get3A_424] {strides = array<i32>} : memref<160xf32, #tpu.memory_space<vmem>>, vector<16xf32>,
    %get3A_426 = vector.shape_cast %get3A_425 : vector<16xf32> to vector<16xf32>
    %get3A_427 = arith.constant 32 : index
    %get3A_428 = tpu.vector_load %arg11[%get3A_427] {strides = array<i32>} : memref<160xf32, #tpu.memory_space<vmem>>, vector<16xf32>,
    %get3A_429 = vector.shape_cast %get3A_428 : vector<16xf32> to vector<16xf32>
    %div3A_430 = arith.constant 2.000000e+00 : f32
    %div3A_431 = vector.broadcast %div3A_430 : f32 to vector<16xf32>
    %div3A_432 = arith.divf %get3A_426, %div3A_431 : vector<16xf32>
    %sub3A_433 = arith.subf %get3A_420, %div3A_432 : vector<16xf32>
    %div3A_434 = arith.constant 2.000000e+00 : f32
    %div3A_435 = vector.broadcast %div3A_434 : f32 to vector<16xf32>
    %div3A_436 = arith.divf %get3A_426, %div3A_435 : vector<16xf32>
    %add3A_437 = arith.addf %get3A_420, %div3A_436 : vector<16xf32>
    %div3A_438 = arith.constant 2.000000e+00 : f32
    %div3A_439 = vector.broadcast %div3A_438 : f32 to vector<16xf32>
    %div3A_440 = arith.divf %get3A_429, %div3A_439 : vector<16xf32>
    %sub3A_441 = arith.subf %get3A_423, %div3A_440 : vector<16xf32>
    %div3A_442 = arith.constant 2.000000e+00 : f32
    %div3A_443 = vector.broadcast %div3A_442 : f32 to vector<16xf32>
    %div3A_444 = arith.divf %get3A_429, %div3A_443 : vector<16xf32>
    %add3A_445 = arith.addf %get3A_423, %div3A_444 : vector<16xf32>
    %add3A_446 = arith.addf %sub3A_433, %add3A_437 : vector<16xf32>
    %div3A_447 = arith.constant 2.000000e+00 : f32
    %div3A_448 = vector.broadcast %div3A_447 : f32 to vector<16xf32>
    %div3A_449 = arith.divf %add3A_446, %div3A_448 : vector<16xf32>
    %add3A_450 = arith.addf %sub3A_441, %add3A_445 : vector<16xf32>
    %div3A_451 = arith.constant 2.000000e+00 : f32
    %div3A_452 = vector.broadcast %div3A_451 : f32 to vector<16xf32>
    %div3A_453 = arith.divf %add3A_450, %div3A_452 : vector<16xf32>
    %broadcast_in_dim3A_454 = arith.constant 1 : i32
    %broadcast_in_dim3A_455 = vector.broadcast %broadcast_in_dim3A_454 : i32 to vector<16xi32>
    %broadcast_in_dim3A_456 = arith.constant 0 : i32
    %broadcast_in_dim3A_457 = vector.broadcast %broadcast_in_dim3A_456 : i32 to vector<16xi32>
    %gt3A_458 = arith.cmpf ogt, %get3A_7, %div3A_453 : vector<16xf32>
    %select_n3A_459 = arith.select %gt3A_458, %broadcast_in_dim3A_455, %broadcast_in_dim3A_457 : vector<16xi1>, vector<16xi32>
    %gt3A_460 = arith.cmpf ogt, %get3A_13, %div3A_453 : vector<16xf32>
    %select_n3A_461 = arith.select %gt3A_460, %broadcast_in_dim3A_455, %broadcast_in_dim3A_457 : vector<16xi1>, vector<16xi32>
    %sub3A_462 = arith.subf %get3A_10, %get3A_4 : vector<16xf32>
    %sub3A_463 = arith.subf %div3A_453, %get3A_7 : vector<16xf32>
    %mul3A_464 = arith.mulf %sub3A_462, %sub3A_463 : vector<16xf32>
    %sub3A_465 = arith.subf %get3A_13, %get3A_7 : vector<16xf32>
    %div3A_466 = arith.divf %mul3A_464, %sub3A_465 : vector<16xf32>
    %add3A_467 = arith.addf %div3A_466, %get3A_4 : vector<16xf32>
    %gt3A_468 = arith.cmpf ogt, %add3A_467, %div3A_449 : vector<16xf32>
    %select_n3A_469 = arith.select %gt3A_468, %broadcast_in_dim3A_455, %broadcast_in_dim3A_457 : vector<16xi1>, vector<16xi32>
    %xor3A_470 = arith.xori %select_n3A_459, %select_n3A_461 : vector<16xi32>
    %and3A_471 = arith.andi %xor3A_470, %select_n3A_469 : vector<16xi32>
    %xor3A_472 = arith.xori %broadcast_in_dim3A_457, %and3A_471 : vector<16xi32>
    %gt3A_473 = arith.cmpf ogt, %get3A_19, %div3A_453 : vector<16xf32>
    %select_n3A_474 = arith.select %gt3A_473, %broadcast_in_dim3A_455, %broadcast_in_dim3A_457 : vector<16xi1>, vector<16xi32>
    %gt3A_475 = arith.cmpf ogt, %get3A_25, %div3A_453 : vector<16xf32>
    %select_n3A_476 = arith.select %gt3A_475, %broadcast_in_dim3A_455, %broadcast_in_dim3A_457 : vector<16xi1>, vector<16xi32>
    %sub3A_477 = arith.subf %get3A_22, %get3A_16 : vector<16xf32>
    %sub3A_478 = arith.subf %div3A_453, %get3A_19 : vector<16xf32>
    %mul3A_479 = arith.mulf %sub3A_477, %sub3A_478 : vector<16xf32>
    %sub3A_480 = arith.subf %get3A_25, %get3A_19 : vector<16xf32>
    %div3A_481 = arith.divf %mul3A_479, %sub3A_480 : vector<16xf32>
    %add3A_482 = arith.addf %div3A_481, %get3A_16 : vector<16xf32>
    %gt3A_483 = arith.cmpf ogt, %add3A_482, %div3A_449 : vector<16xf32>
    %select_n3A_484 = arith.select %gt3A_483, %broadcast_in_dim3A_455, %broadcast_in_dim3A_457 : vector<16xi1>, vector<16xi32>
    %xor3A_485 = arith.xori %select_n3A_474, %select_n3A_476 : vector<16xi32>
    %and3A_486 = arith.andi %xor3A_485, %select_n3A_484 : vector<16xi32>
    %xor3A_487 = arith.xori %xor3A_472, %and3A_486 : vector<16xi32>
    %gt3A_488 = arith.cmpf ogt, %get3A_31, %div3A_453 : vector<16xf32>
    %select_n3A_489 = arith.select %gt3A_488, %broadcast_in_dim3A_455, %broadcast_in_dim3A_457 : vector<16xi1>, vector<16xi32>
    %gt3A_490 = arith.cmpf ogt, %get3A_37, %div3A_453 : vector<16xf32>
    %select_n3A_491 = arith.select %gt3A_490, %broadcast_in_dim3A_455, %broadcast_in_dim3A_457 : vector<16xi1>, vector<16xi32>
    %sub3A_492 = arith.subf %get3A_34, %get3A_28 : vector<16xf32>
    %sub3A_493 = arith.subf %div3A_453, %get3A_31 : vector<16xf32>
    %mul3A_494 = arith.mulf %sub3A_492, %sub3A_493 : vector<16xf32>
    %sub3A_495 = arith.subf %get3A_37, %get3A_31 : vector<16xf32>
    %div3A_496 = arith.divf %mul3A_494, %sub3A_495 : vector<16xf32>
    %add3A_497 = arith.addf %div3A_496, %get3A_28 : vector<16xf32>
    %gt3A_498 = arith.cmpf ogt, %add3A_497, %div3A_449 : vector<16xf32>
    %select_n3A_499 = arith.select %gt3A_498, %broadcast_in_dim3A_455, %broadcast_in_dim3A_457 : vector<16xi1>, vector<16xi32>
    %xor3A_500 = arith.xori %select_n3A_489, %select_n3A_491 : vector<16xi32>
    %and3A_501 = arith.andi %xor3A_500, %select_n3A_499 : vector<16xi32>
    %xor3A_502 = arith.xori %xor3A_487, %and3A_501 : vector<16xi32>
    %gt3A_503 = arith.cmpf ogt, %get3A_43, %div3A_453 : vector<16xf32>
    %select_n3A_504 = arith.select %gt3A_503, %broadcast_in_dim3A_455, %broadcast_in_dim3A_457 : vector<16xi1>, vector<16xi32>
    %gt3A_505 = arith.cmpf ogt, %get3A_49, %div3A_453 : vector<16xf32>
    %select_n3A_506 = arith.select %gt3A_505, %broadcast_in_dim3A_455, %broadcast_in_dim3A_457 : vector<16xi1>, vector<16xi32>
    %sub3A_507 = arith.subf %get3A_46, %get3A_40 : vector<16xf32>
    %sub3A_508 = arith.subf %div3A_453, %get3A_43 : vector<16xf32>
    %mul3A_509 = arith.mulf %sub3A_507, %sub3A_508 : vector<16xf32>
    %sub3A_510 = arith.subf %get3A_49, %get3A_43 : vector<16xf32>
    %div3A_511 = arith.divf %mul3A_509, %sub3A_510 : vector<16xf32>
    %add3A_512 = arith.addf %div3A_511, %get3A_40 : vector<16xf32>
    %gt3A_513 = arith.cmpf ogt, %add3A_512, %div3A_449 : vector<16xf32>
    %select_n3A_514 = arith.select %gt3A_513, %broadcast_in_dim3A_455, %broadcast_in_dim3A_457 : vector<16xi1>, vector<16xi32>
    %xor3A_515 = arith.xori %select_n3A_504, %select_n3A_506 : vector<16xi32>
    %and3A_516 = arith.andi %xor3A_515, %select_n3A_514 : vector<16xi32>
    %xor3A_517 = arith.xori %xor3A_502, %and3A_516 : vector<16xi32>
    %gt3A_518 = arith.cmpf ogt, %get3A_55, %div3A_453 : vector<16xf32>
    %select_n3A_519 = arith.select %gt3A_518, %broadcast_in_dim3A_455, %broadcast_in_dim3A_457 : vector<16xi1>, vector<16xi32>
    %gt3A_520 = arith.cmpf ogt, %get3A_61, %div3A_453 : vector<16xf32>
    %select_n3A_521 = arith.select %gt3A_520, %broadcast_in_dim3A_455, %broadcast_in_dim3A_457 : vector<16xi1>, vector<16xi32>
    %sub3A_522 = arith.subf %get3A_58, %get3A_52 : vector<16xf32>
    %sub3A_523 = arith.subf %div3A_453, %get3A_55 : vector<16xf32>
    %mul3A_524 = arith.mulf %sub3A_522, %sub3A_523 : vector<16xf32>
    %sub3A_525 = arith.subf %get3A_61, %get3A_55 : vector<16xf32>
    %div3A_526 = arith.divf %mul3A_524, %sub3A_525 : vector<16xf32>
    %add3A_527 = arith.addf %div3A_526, %get3A_52 : vector<16xf32>
    %gt3A_528 = arith.cmpf ogt, %add3A_527, %div3A_449 : vector<16xf32>
    %select_n3A_529 = arith.select %gt3A_528, %broadcast_in_dim3A_455, %broadcast_in_dim3A_457 : vector<16xi1>, vector<16xi32>
    %xor3A_530 = arith.xori %select_n3A_519, %select_n3A_521 : vector<16xi32>
    %and3A_531 = arith.andi %xor3A_530, %select_n3A_529 : vector<16xi32>
    %xor3A_532 = arith.xori %xor3A_517, %and3A_531 : vector<16xi32>
    %gt3A_533 = arith.cmpf ogt, %get3A_67, %div3A_453 : vector<16xf32>
    %select_n3A_534 = arith.select %gt3A_533, %broadcast_in_dim3A_455, %broadcast_in_dim3A_457 : vector<16xi1>, vector<16xi32>
    %gt3A_535 = arith.cmpf ogt, %get3A_73, %div3A_453 : vector<16xf32>
    %select_n3A_536 = arith.select %gt3A_535, %broadcast_in_dim3A_455, %broadcast_in_dim3A_457 : vector<16xi1>, vector<16xi32>
    %sub3A_537 = arith.subf %get3A_70, %get3A_64 : vector<16xf32>
    %sub3A_538 = arith.subf %div3A_453, %get3A_67 : vector<16xf32>
    %mul3A_539 = arith.mulf %sub3A_537, %sub3A_538 : vector<16xf32>
    %sub3A_540 = arith.subf %get3A_73, %get3A_67 : vector<16xf32>
    %div3A_541 = arith.divf %mul3A_539, %sub3A_540 : vector<16xf32>
    %add3A_542 = arith.addf %div3A_541, %get3A_64 : vector<16xf32>
    %gt3A_543 = arith.cmpf ogt, %add3A_542, %div3A_449 : vector<16xf32>
    %select_n3A_544 = arith.select %gt3A_543, %broadcast_in_dim3A_455, %broadcast_in_dim3A_457 : vector<16xi1>, vector<16xi32>
    %xor3A_545 = arith.xori %select_n3A_534, %select_n3A_536 : vector<16xi32>
    %and3A_546 = arith.andi %xor3A_545, %select_n3A_544 : vector<16xi32>
    %xor3A_547 = arith.xori %xor3A_532, %and3A_546 : vector<16xi32>
    %gt3A_548 = arith.cmpf ogt, %get3A_79, %div3A_453 : vector<16xf32>
    %select_n3A_549 = arith.select %gt3A_548, %broadcast_in_dim3A_455, %broadcast_in_dim3A_457 : vector<16xi1>, vector<16xi32>
    %gt3A_550 = arith.cmpf ogt, %get3A_85, %div3A_453 : vector<16xf32>
    %select_n3A_551 = arith.select %gt3A_550, %broadcast_in_dim3A_455, %broadcast_in_dim3A_457 : vector<16xi1>, vector<16xi32>
    %sub3A_552 = arith.subf %get3A_82, %get3A_76 : vector<16xf32>
    %sub3A_553 = arith.subf %div3A_453, %get3A_79 : vector<16xf32>
    %mul3A_554 = arith.mulf %sub3A_552, %sub3A_553 : vector<16xf32>
    %sub3A_555 = arith.subf %get3A_85, %get3A_79 : vector<16xf32>
    %div3A_556 = arith.divf %mul3A_554, %sub3A_555 : vector<16xf32>
    %add3A_557 = arith.addf %div3A_556, %get3A_76 : vector<16xf32>
    %gt3A_558 = arith.cmpf ogt, %add3A_557, %div3A_449 : vector<16xf32>
    %select_n3A_559 = arith.select %gt3A_558, %broadcast_in_dim3A_455, %broadcast_in_dim3A_457 : vector<16xi1>, vector<16xi32>
    %xor3A_560 = arith.xori %select_n3A_549, %select_n3A_551 : vector<16xi32>
    %and3A_561 = arith.andi %xor3A_560, %select_n3A_559 : vector<16xi32>
    %xor3A_562 = arith.xori %xor3A_547, %and3A_561 : vector<16xi32>
    %gt3A_563 = arith.cmpf ogt, %get3A_91, %div3A_453 : vector<16xf32>
    %select_n3A_564 = arith.select %gt3A_563, %broadcast_in_dim3A_455, %broadcast_in_dim3A_457 : vector<16xi1>, vector<16xi32>
    %gt3A_565 = arith.cmpf ogt, %get3A_97, %div3A_453 : vector<16xf32>
    %select_n3A_566 = arith.select %gt3A_565, %broadcast_in_dim3A_455, %broadcast_in_dim3A_457 : vector<16xi1>, vector<16xi32>
    %sub3A_567 = arith.subf %get3A_94, %get3A_88 : vector<16xf32>
    %sub3A_568 = arith.subf %div3A_453, %get3A_91 : vector<16xf32>
    %mul3A_569 = arith.mulf %sub3A_567, %sub3A_568 : vector<16xf32>
    %sub3A_570 = arith.subf %get3A_97, %get3A_91 : vector<16xf32>
    %div3A_571 = arith.divf %mul3A_569, %sub3A_570 : vector<16xf32>
    %add3A_572 = arith.addf %div3A_571, %get3A_88 : vector<16xf32>
    %gt3A_573 = arith.cmpf ogt, %add3A_572, %div3A_449 : vector<16xf32>
    %select_n3A_574 = arith.select %gt3A_573, %broadcast_in_dim3A_455, %broadcast_in_dim3A_457 : vector<16xi1>, vector<16xi32>
    %xor3A_575 = arith.xori %select_n3A_564, %select_n3A_566 : vector<16xi32>
    %and3A_576 = arith.andi %xor3A_575, %select_n3A_574 : vector<16xi32>
    %xor3A_577 = arith.xori %xor3A_562, %and3A_576 : vector<16xi32>
    %swap3A_578 = arith.constant 32 : index
    %swap3A_579 = tpu.vector_load %arg13[%swap3A_578] {strides = array<i32>} : memref<160xi32, #tpu.memory_space<vmem>>, vector<16xi32>,
    %swap3A_580 = vector.shape_cast %swap3A_579 : vector<16xi32> to vector<16xi32>
    %swap3A_581 = vector.shape_cast %xor3A_577 : vector<16xi32> to vector<16xi32>
    tpu.vector_store %arg13[%swap3A_578], %swap3A_581 {strides = array<i32>} : memref<160xi32, #tpu.memory_space<vmem>>, vector<16xi32>,
    %get3A_582 = arith.constant 48 : index
    %get3A_583 = tpu.vector_load %arg8[%get3A_582] {strides = array<i32>} : memref<160xf32, #tpu.memory_space<vmem>>, vector<16xf32>,
    %get3A_584 = vector.shape_cast %get3A_583 : vector<16xf32> to vector<16xf32>
    %get3A_585 = arith.constant 48 : index
    %get3A_586 = tpu.vector_load %arg9[%get3A_585] {strides = array<i32>} : memref<160xf32, #tpu.memory_space<vmem>>, vector<16xf32>,
    %get3A_587 = vector.shape_cast %get3A_586 : vector<16xf32> to vector<16xf32>
    %get3A_588 = arith.constant 48 : index
    %get3A_589 = tpu.vector_load %arg10[%get3A_588] {strides = array<i32>} : memref<160xf32, #tpu.memory_space<vmem>>, vector<16xf32>,
    %get3A_590 = vector.shape_cast %get3A_589 : vector<16xf32> to vector<16xf32>
    %get3A_591 = arith.constant 48 : index
    %get3A_592 = tpu.vector_load %arg11[%get3A_591] {strides = array<i32>} : memref<160xf32, #tpu.memory_space<vmem>>, vector<16xf32>,
    %get3A_593 = vector.shape_cast %get3A_592 : vector<16xf32> to vector<16xf32>
    %div3A_594 = arith.constant 2.000000e+00 : f32
    %div3A_595 = vector.broadcast %div3A_594 : f32 to vector<16xf32>
    %div3A_596 = arith.divf %get3A_590, %div3A_595 : vector<16xf32>
    %sub3A_597 = arith.subf %get3A_584, %div3A_596 : vector<16xf32>
    %div3A_598 = arith.constant 2.000000e+00 : f32
    %div3A_599 = vector.broadcast %div3A_598 : f32 to vector<16xf32>
    %div3A_600 = arith.divf %get3A_590, %div3A_599 : vector<16xf32>
    %add3A_601 = arith.addf %get3A_584, %div3A_600 : vector<16xf32>
    %div3A_602 = arith.constant 2.000000e+00 : f32
    %div3A_603 = vector.broadcast %div3A_602 : f32 to vector<16xf32>
    %div3A_604 = arith.divf %get3A_593, %div3A_603 : vector<16xf32>
    %sub3A_605 = arith.subf %get3A_587, %div3A_604 : vector<16xf32>
    %div3A_606 = arith.constant 2.000000e+00 : f32
    %div3A_607 = vector.broadcast %div3A_606 : f32 to vector<16xf32>
    %div3A_608 = arith.divf %get3A_593, %div3A_607 : vector<16xf32>
    %add3A_609 = arith.addf %get3A_587, %div3A_608 : vector<16xf32>
    %add3A_610 = arith.addf %sub3A_597, %add3A_601 : vector<16xf32>
    %div3A_611 = arith.constant 2.000000e+00 : f32
    %div3A_612 = vector.broadcast %div3A_611 : f32 to vector<16xf32>
    %div3A_613 = arith.divf %add3A_610, %div3A_612 : vector<16xf32>
    %add3A_614 = arith.addf %sub3A_605, %add3A_609 : vector<16xf32>
    %div3A_615 = arith.constant 2.000000e+00 : f32
    %div3A_616 = vector.broadcast %div3A_615 : f32 to vector<16xf32>
    %div3A_617 = arith.divf %add3A_614, %div3A_616 : vector<16xf32>
    %broadcast_in_dim3A_618 = arith.constant 1 : i32
    %broadcast_in_dim3A_619 = vector.broadcast %broadcast_in_dim3A_618 : i32 to vector<16xi32>
    %broadcast_in_dim3A_620 = arith.constant 0 : i32
    %broadcast_in_dim3A_621 = vector.broadcast %broadcast_in_dim3A_620 : i32 to vector<16xi32>
    %gt3A_622 = arith.cmpf ogt, %get3A_7, %div3A_617 : vector<16xf32>
    %select_n3A_623 = arith.select %gt3A_622, %broadcast_in_dim3A_619, %broadcast_in_dim3A_621 : vector<16xi1>, vector<16xi32>
    %gt3A_624 = arith.cmpf ogt, %get3A_13, %div3A_617 : vector<16xf32>
    %select_n3A_625 = arith.select %gt3A_624, %broadcast_in_dim3A_619, %broadcast_in_dim3A_621 : vector<16xi1>, vector<16xi32>
    %sub3A_626 = arith.subf %get3A_10, %get3A_4 : vector<16xf32>
    %sub3A_627 = arith.subf %div3A_617, %get3A_7 : vector<16xf32>
    %mul3A_628 = arith.mulf %sub3A_626, %sub3A_627 : vector<16xf32>
    %sub3A_629 = arith.subf %get3A_13, %get3A_7 : vector<16xf32>
    %div3A_630 = arith.divf %mul3A_628, %sub3A_629 : vector<16xf32>
    %add3A_631 = arith.addf %div3A_630, %get3A_4 : vector<16xf32>
    %gt3A_632 = arith.cmpf ogt, %add3A_631, %div3A_613 : vector<16xf32>
    %select_n3A_633 = arith.select %gt3A_632, %broadcast_in_dim3A_619, %broadcast_in_dim3A_621 : vector<16xi1>, vector<16xi32>
    %xor3A_634 = arith.xori %select_n3A_623, %select_n3A_625 : vector<16xi32>
    %and3A_635 = arith.andi %xor3A_634, %select_n3A_633 : vector<16xi32>
    %xor3A_636 = arith.xori %broadcast_in_dim3A_621, %and3A_635 : vector<16xi32>
    %gt3A_637 = arith.cmpf ogt, %get3A_19, %div3A_617 : vector<16xf32>
    %select_n3A_638 = arith.select %gt3A_637, %broadcast_in_dim3A_619, %broadcast_in_dim3A_621 : vector<16xi1>, vector<16xi32>
    %gt3A_639 = arith.cmpf ogt, %get3A_25, %div3A_617 : vector<16xf32>
    %select_n3A_640 = arith.select %gt3A_639, %broadcast_in_dim3A_619, %broadcast_in_dim3A_621 : vector<16xi1>, vector<16xi32>
    %sub3A_641 = arith.subf %get3A_22, %get3A_16 : vector<16xf32>
    %sub3A_642 = arith.subf %div3A_617, %get3A_19 : vector<16xf32>
    %mul3A_643 = arith.mulf %sub3A_641, %sub3A_642 : vector<16xf32>
    %sub3A_644 = arith.subf %get3A_25, %get3A_19 : vector<16xf32>
    %div3A_645 = arith.divf %mul3A_643, %sub3A_644 : vector<16xf32>
    %add3A_646 = arith.addf %div3A_645, %get3A_16 : vector<16xf32>
    %gt3A_647 = arith.cmpf ogt, %add3A_646, %div3A_613 : vector<16xf32>
    %select_n3A_648 = arith.select %gt3A_647, %broadcast_in_dim3A_619, %broadcast_in_dim3A_621 : vector<16xi1>, vector<16xi32>
    %xor3A_649 = arith.xori %select_n3A_638, %select_n3A_640 : vector<16xi32>
    %and3A_650 = arith.andi %xor3A_649, %select_n3A_648 : vector<16xi32>
    %xor3A_651 = arith.xori %xor3A_636, %and3A_650 : vector<16xi32>
    %gt3A_652 = arith.cmpf ogt, %get3A_31, %div3A_617 : vector<16xf32>
    %select_n3A_653 = arith.select %gt3A_652, %broadcast_in_dim3A_619, %broadcast_in_dim3A_621 : vector<16xi1>, vector<16xi32>
    %gt3A_654 = arith.cmpf ogt, %get3A_37, %div3A_617 : vector<16xf32>
    %select_n3A_655 = arith.select %gt3A_654, %broadcast_in_dim3A_619, %broadcast_in_dim3A_621 : vector<16xi1>, vector<16xi32>
    %sub3A_656 = arith.subf %get3A_34, %get3A_28 : vector<16xf32>
    %sub3A_657 = arith.subf %div3A_617, %get3A_31 : vector<16xf32>
    %mul3A_658 = arith.mulf %sub3A_656, %sub3A_657 : vector<16xf32>
    %sub3A_659 = arith.subf %get3A_37, %get3A_31 : vector<16xf32>
    %div3A_660 = arith.divf %mul3A_658, %sub3A_659 : vector<16xf32>
    %add3A_661 = arith.addf %div3A_660, %get3A_28 : vector<16xf32>
    %gt3A_662 = arith.cmpf ogt, %add3A_661, %div3A_613 : vector<16xf32>
    %select_n3A_663 = arith.select %gt3A_662, %broadcast_in_dim3A_619, %broadcast_in_dim3A_621 : vector<16xi1>, vector<16xi32>
    %xor3A_664 = arith.xori %select_n3A_653, %select_n3A_655 : vector<16xi32>
    %and3A_665 = arith.andi %xor3A_664, %select_n3A_663 : vector<16xi32>
    %xor3A_666 = arith.xori %xor3A_651, %and3A_665 : vector<16xi32>
    %gt3A_667 = arith.cmpf ogt, %get3A_43, %div3A_617 : vector<16xf32>
    %select_n3A_668 = arith.select %gt3A_667, %broadcast_in_dim3A_619, %broadcast_in_dim3A_621 : vector<16xi1>, vector<16xi32>
    %gt3A_669 = arith.cmpf ogt, %get3A_49, %div3A_617 : vector<16xf32>
    %select_n3A_670 = arith.select %gt3A_669, %broadcast_in_dim3A_619, %broadcast_in_dim3A_621 : vector<16xi1>, vector<16xi32>
    %sub3A_671 = arith.subf %get3A_46, %get3A_40 : vector<16xf32>
    %sub3A_672 = arith.subf %div3A_617, %get3A_43 : vector<16xf32>
    %mul3A_673 = arith.mulf %sub3A_671, %sub3A_672 : vector<16xf32>
    %sub3A_674 = arith.subf %get3A_49, %get3A_43 : vector<16xf32>
    %div3A_675 = arith.divf %mul3A_673, %sub3A_674 : vector<16xf32>
    %add3A_676 = arith.addf %div3A_675, %get3A_40 : vector<16xf32>
    %gt3A_677 = arith.cmpf ogt, %add3A_676, %div3A_613 : vector<16xf32>
    %select_n3A_678 = arith.select %gt3A_677, %broadcast_in_dim3A_619, %broadcast_in_dim3A_621 : vector<16xi1>, vector<16xi32>
    %xor3A_679 = arith.xori %select_n3A_668, %select_n3A_670 : vector<16xi32>
    %and3A_680 = arith.andi %xor3A_679, %select_n3A_678 : vector<16xi32>
    %xor3A_681 = arith.xori %xor3A_666, %and3A_680 : vector<16xi32>
    %gt3A_682 = arith.cmpf ogt, %get3A_55, %div3A_617 : vector<16xf32>
    %select_n3A_683 = arith.select %gt3A_682, %broadcast_in_dim3A_619, %broadcast_in_dim3A_621 : vector<16xi1>, vector<16xi32>
    %gt3A_684 = arith.cmpf ogt, %get3A_61, %div3A_617 : vector<16xf32>
    %select_n3A_685 = arith.select %gt3A_684, %broadcast_in_dim3A_619, %broadcast_in_dim3A_621 : vector<16xi1>, vector<16xi32>
    %sub3A_686 = arith.subf %get3A_58, %get3A_52 : vector<16xf32>
    %sub3A_687 = arith.subf %div3A_617, %get3A_55 : vector<16xf32>
    %mul3A_688 = arith.mulf %sub3A_686, %sub3A_687 : vector<16xf32>
    %sub3A_689 = arith.subf %get3A_61, %get3A_55 : vector<16xf32>
    %div3A_690 = arith.divf %mul3A_688, %sub3A_689 : vector<16xf32>
    %add3A_691 = arith.addf %div3A_690, %get3A_52 : vector<16xf32>
    %gt3A_692 = arith.cmpf ogt, %add3A_691, %div3A_613 : vector<16xf32>
    %select_n3A_693 = arith.select %gt3A_692, %broadcast_in_dim3A_619, %broadcast_in_dim3A_621 : vector<16xi1>, vector<16xi32>
    %xor3A_694 = arith.xori %select_n3A_683, %select_n3A_685 : vector<16xi32>
    %and3A_695 = arith.andi %xor3A_694, %select_n3A_693 : vector<16xi32>
    %xor3A_696 = arith.xori %xor3A_681, %and3A_695 : vector<16xi32>
    %gt3A_697 = arith.cmpf ogt, %get3A_67, %div3A_617 : vector<16xf32>
    %select_n3A_698 = arith.select %gt3A_697, %broadcast_in_dim3A_619, %broadcast_in_dim3A_621 : vector<16xi1>, vector<16xi32>
    %gt3A_699 = arith.cmpf ogt, %get3A_73, %div3A_617 : vector<16xf32>
    %select_n3A_700 = arith.select %gt3A_699, %broadcast_in_dim3A_619, %broadcast_in_dim3A_621 : vector<16xi1>, vector<16xi32>
    %sub3A_701 = arith.subf %get3A_70, %get3A_64 : vector<16xf32>
    %sub3A_702 = arith.subf %div3A_617, %get3A_67 : vector<16xf32>
    %mul3A_703 = arith.mulf %sub3A_701, %sub3A_702 : vector<16xf32>
    %sub3A_704 = arith.subf %get3A_73, %get3A_67 : vector<16xf32>
    %div3A_705 = arith.divf %mul3A_703, %sub3A_704 : vector<16xf32>
    %add3A_706 = arith.addf %div3A_705, %get3A_64 : vector<16xf32>
    %gt3A_707 = arith.cmpf ogt, %add3A_706, %div3A_613 : vector<16xf32>
    %select_n3A_708 = arith.select %gt3A_707, %broadcast_in_dim3A_619, %broadcast_in_dim3A_621 : vector<16xi1>, vector<16xi32>
    %xor3A_709 = arith.xori %select_n3A_698, %select_n3A_700 : vector<16xi32>
    %and3A_710 = arith.andi %xor3A_709, %select_n3A_708 : vector<16xi32>
    %xor3A_711 = arith.xori %xor3A_696, %and3A_710 : vector<16xi32>
    %gt3A_712 = arith.cmpf ogt, %get3A_79, %div3A_617 : vector<16xf32>
    %select_n3A_713 = arith.select %gt3A_712, %broadcast_in_dim3A_619, %broadcast_in_dim3A_621 : vector<16xi1>, vector<16xi32>
    %gt3A_714 = arith.cmpf ogt, %get3A_85, %div3A_617 : vector<16xf32>
    %select_n3A_715 = arith.select %gt3A_714, %broadcast_in_dim3A_619, %broadcast_in_dim3A_621 : vector<16xi1>, vector<16xi32>
    %sub3A_716 = arith.subf %get3A_82, %get3A_76 : vector<16xf32>
    %sub3A_717 = arith.subf %div3A_617, %get3A_79 : vector<16xf32>
    %mul3A_718 = arith.mulf %sub3A_716, %sub3A_717 : vector<16xf32>
    %sub3A_719 = arith.subf %get3A_85, %get3A_79 : vector<16xf32>
    %div3A_720 = arith.divf %mul3A_718, %sub3A_719 : vector<16xf32>
    %add3A_721 = arith.addf %div3A_720, %get3A_76 : vector<16xf32>
    %gt3A_722 = arith.cmpf ogt, %add3A_721, %div3A_613 : vector<16xf32>
    %select_n3A_723 = arith.select %gt3A_722, %broadcast_in_dim3A_619, %broadcast_in_dim3A_621 : vector<16xi1>, vector<16xi32>
    %xor3A_724 = arith.xori %select_n3A_713, %select_n3A_715 : vector<16xi32>
    %and3A_725 = arith.andi %xor3A_724, %select_n3A_723 : vector<16xi32>
    %xor3A_726 = arith.xori %xor3A_711, %and3A_725 : vector<16xi32>
    %gt3A_727 = arith.cmpf ogt, %get3A_91, %div3A_617 : vector<16xf32>
    %select_n3A_728 = arith.select %gt3A_727, %broadcast_in_dim3A_619, %broadcast_in_dim3A_621 : vector<16xi1>, vector<16xi32>
    %gt3A_729 = arith.cmpf ogt, %get3A_97, %div3A_617 : vector<16xf32>
    %select_n3A_730 = arith.select %gt3A_729, %broadcast_in_dim3A_619, %broadcast_in_dim3A_621 : vector<16xi1>, vector<16xi32>
    %sub3A_731 = arith.subf %get3A_94, %get3A_88 : vector<16xf32>
    %sub3A_732 = arith.subf %div3A_617, %get3A_91 : vector<16xf32>
    %mul3A_733 = arith.mulf %sub3A_731, %sub3A_732 : vector<16xf32>
    %sub3A_734 = arith.subf %get3A_97, %get3A_91 : vector<16xf32>
    %div3A_735 = arith.divf %mul3A_733, %sub3A_734 : vector<16xf32>
    %add3A_736 = arith.addf %div3A_735, %get3A_88 : vector<16xf32>
    %gt3A_737 = arith.cmpf ogt, %add3A_736, %div3A_613 : vector<16xf32>
    %select_n3A_738 = arith.select %gt3A_737, %broadcast_in_dim3A_619, %broadcast_in_dim3A_621 : vector<16xi1>, vector<16xi32>
    %xor3A_739 = arith.xori %select_n3A_728, %select_n3A_730 : vector<16xi32>
    %and3A_740 = arith.andi %xor3A_739, %select_n3A_738 : vector<16xi32>
    %xor3A_741 = arith.xori %xor3A_726, %and3A_740 : vector<16xi32>
    %swap3A_742 = arith.constant 48 : index
    %swap3A_743 = tpu.vector_load %arg13[%swap3A_742] {strides = array<i32>} : memref<160xi32, #tpu.memory_space<vmem>>, vector<16xi32>,
    %swap3A_744 = vector.shape_cast %swap3A_743 : vector<16xi32> to vector<16xi32>
    %swap3A_745 = vector.shape_cast %xor3A_741 : vector<16xi32> to vector<16xi32>
    tpu.vector_store %arg13[%swap3A_742], %swap3A_745 {strides = array<i32>} : memref<160xi32, #tpu.memory_space<vmem>>, vector<16xi32>,
    %get3A_746 = arith.constant 64 : index
    %get3A_747 = tpu.vector_load %arg8[%get3A_746] {strides = array<i32>} : memref<160xf32, #tpu.memory_space<vmem>>, vector<16xf32>,
    %get3A_748 = vector.shape_cast %get3A_747 : vector<16xf32> to vector<16xf32>
    %get3A_749 = arith.constant 64 : index
    %get3A_750 = tpu.vector_load %arg9[%get3A_749] {strides = array<i32>} : memref<160xf32, #tpu.memory_space<vmem>>, vector<16xf32>,
    %get3A_751 = vector.shape_cast %get3A_750 : vector<16xf32> to vector<16xf32>
    %get3A_752 = arith.constant 64 : index
    %get3A_753 = tpu.vector_load %arg10[%get3A_752] {strides = array<i32>} : memref<160xf32, #tpu.memory_space<vmem>>, vector<16xf32>,
    %get3A_754 = vector.shape_cast %get3A_753 : vector<16xf32> to vector<16xf32>
    %get3A_755 = arith.constant 64 : index
    %get3A_756 = tpu.vector_load %arg11[%get3A_755] {strides = array<i32>} : memref<160xf32, #tpu.memory_space<vmem>>, vector<16xf32>,
    %get3A_757 = vector.shape_cast %get3A_756 : vector<16xf32> to vector<16xf32>
    %div3A_758 = arith.constant 2.000000e+00 : f32
    %div3A_759 = vector.broadcast %div3A_758 : f32 to vector<16xf32>
    %div3A_760 = arith.divf %get3A_754, %div3A_759 : vector<16xf32>
    %sub3A_761 = arith.subf %get3A_748, %div3A_760 : vector<16xf32>
    %div3A_762 = arith.constant 2.000000e+00 : f32
    %div3A_763 = vector.broadcast %div3A_762 : f32 to vector<16xf32>
    %div3A_764 = arith.divf %get3A_754, %div3A_763 : vector<16xf32>
    %add3A_765 = arith.addf %get3A_748, %div3A_764 : vector<16xf32>
    %div3A_766 = arith.constant 2.000000e+00 : f32
    %div3A_767 = vector.broadcast %div3A_766 : f32 to vector<16xf32>
    %div3A_768 = arith.divf %get3A_757, %div3A_767 : vector<16xf32>
    %sub3A_769 = arith.subf %get3A_751, %div3A_768 : vector<16xf32>
    %div3A_770 = arith.constant 2.000000e+00 : f32
    %div3A_771 = vector.broadcast %div3A_770 : f32 to vector<16xf32>
    %div3A_772 = arith.divf %get3A_757, %div3A_771 : vector<16xf32>
    %add3A_773 = arith.addf %get3A_751, %div3A_772 : vector<16xf32>
    %add3A_774 = arith.addf %sub3A_761, %add3A_765 : vector<16xf32>
    %div3A_775 = arith.constant 2.000000e+00 : f32
    %div3A_776 = vector.broadcast %div3A_775 : f32 to vector<16xf32>
    %div3A_777 = arith.divf %add3A_774, %div3A_776 : vector<16xf32>
    %add3A_778 = arith.addf %sub3A_769, %add3A_773 : vector<16xf32>
    %div3A_779 = arith.constant 2.000000e+00 : f32
    %div3A_780 = vector.broadcast %div3A_779 : f32 to vector<16xf32>
    %div3A_781 = arith.divf %add3A_778, %div3A_780 : vector<16xf32>
    %broadcast_in_dim3A_782 = arith.constant 1 : i32
    %broadcast_in_dim3A_783 = vector.broadcast %broadcast_in_dim3A_782 : i32 to vector<16xi32>
    %broadcast_in_dim3A_784 = arith.constant 0 : i32
    %broadcast_in_dim3A_785 = vector.broadcast %broadcast_in_dim3A_784 : i32 to vector<16xi32>
    %gt3A_786 = arith.cmpf ogt, %get3A_7, %div3A_781 : vector<16xf32>
    %select_n3A_787 = arith.select %gt3A_786, %broadcast_in_dim3A_783, %broadcast_in_dim3A_785 : vector<16xi1>, vector<16xi32>
    %gt3A_788 = arith.cmpf ogt, %get3A_13, %div3A_781 : vector<16xf32>
    %select_n3A_789 = arith.select %gt3A_788, %broadcast_in_dim3A_783, %broadcast_in_dim3A_785 : vector<16xi1>, vector<16xi32>
    %sub3A_790 = arith.subf %get3A_10, %get3A_4 : vector<16xf32>
    %sub3A_791 = arith.subf %div3A_781, %get3A_7 : vector<16xf32>
    %mul3A_792 = arith.mulf %sub3A_790, %sub3A_791 : vector<16xf32>
    %sub3A_793 = arith.subf %get3A_13, %get3A_7 : vector<16xf32>
    %div3A_794 = arith.divf %mul3A_792, %sub3A_793 : vector<16xf32>
    %add3A_795 = arith.addf %div3A_794, %get3A_4 : vector<16xf32>
    %gt3A_796 = arith.cmpf ogt, %add3A_795, %div3A_777 : vector<16xf32>
    %select_n3A_797 = arith.select %gt3A_796, %broadcast_in_dim3A_783, %broadcast_in_dim3A_785 : vector<16xi1>, vector<16xi32>
    %xor3A_798 = arith.xori %select_n3A_787, %select_n3A_789 : vector<16xi32>
    %and3A_799 = arith.andi %xor3A_798, %select_n3A_797 : vector<16xi32>
    %xor3A_800 = arith.xori %broadcast_in_dim3A_785, %and3A_799 : vector<16xi32>
    %gt3A_801 = arith.cmpf ogt, %get3A_19, %div3A_781 : vector<16xf32>
    %select_n3A_802 = arith.select %gt3A_801, %broadcast_in_dim3A_783, %broadcast_in_dim3A_785 : vector<16xi1>, vector<16xi32>
    %gt3A_803 = arith.cmpf ogt, %get3A_25, %div3A_781 : vector<16xf32>
    %select_n3A_804 = arith.select %gt3A_803, %broadcast_in_dim3A_783, %broadcast_in_dim3A_785 : vector<16xi1>, vector<16xi32>
    %sub3A_805 = arith.subf %get3A_22, %get3A_16 : vector<16xf32>
    %sub3A_806 = arith.subf %div3A_781, %get3A_19 : vector<16xf32>
    %mul3A_807 = arith.mulf %sub3A_805, %sub3A_806 : vector<16xf32>
    %sub3A_808 = arith.subf %get3A_25, %get3A_19 : vector<16xf32>
    %div3A_809 = arith.divf %mul3A_807, %sub3A_808 : vector<16xf32>
    %add3A_810 = arith.addf %div3A_809, %get3A_16 : vector<16xf32>
    %gt3A_811 = arith.cmpf ogt, %add3A_810, %div3A_777 : vector<16xf32>
    %select_n3A_812 = arith.select %gt3A_811, %broadcast_in_dim3A_783, %broadcast_in_dim3A_785 : vector<16xi1>, vector<16xi32>
    %xor3A_813 = arith.xori %select_n3A_802, %select_n3A_804 : vector<16xi32>
    %and3A_814 = arith.andi %xor3A_813, %select_n3A_812 : vector<16xi32>
    %xor3A_815 = arith.xori %xor3A_800, %and3A_814 : vector<16xi32>
    %gt3A_816 = arith.cmpf ogt, %get3A_31, %div3A_781 : vector<16xf32>
    %select_n3A_817 = arith.select %gt3A_816, %broadcast_in_dim3A_783, %broadcast_in_dim3A_785 : vector<16xi1>, vector<16xi32>
    %gt3A_818 = arith.cmpf ogt, %get3A_37, %div3A_781 : vector<16xf32>
    %select_n3A_819 = arith.select %gt3A_818, %broadcast_in_dim3A_783, %broadcast_in_dim3A_785 : vector<16xi1>, vector<16xi32>
    %sub3A_820 = arith.subf %get3A_34, %get3A_28 : vector<16xf32>
    %sub3A_821 = arith.subf %div3A_781, %get3A_31 : vector<16xf32>
    %mul3A_822 = arith.mulf %sub3A_820, %sub3A_821 : vector<16xf32>
    %sub3A_823 = arith.subf %get3A_37, %get3A_31 : vector<16xf32>
    %div3A_824 = arith.divf %mul3A_822, %sub3A_823 : vector<16xf32>
    %add3A_825 = arith.addf %div3A_824, %get3A_28 : vector<16xf32>
    %gt3A_826 = arith.cmpf ogt, %add3A_825, %div3A_777 : vector<16xf32>
    %select_n3A_827 = arith.select %gt3A_826, %broadcast_in_dim3A_783, %broadcast_in_dim3A_785 : vector<16xi1>, vector<16xi32>
    %xor3A_828 = arith.xori %select_n3A_817, %select_n3A_819 : vector<16xi32>
    %and3A_829 = arith.andi %xor3A_828, %select_n3A_827 : vector<16xi32>
    %xor3A_830 = arith.xori %xor3A_815, %and3A_829 : vector<16xi32>
    %gt3A_831 = arith.cmpf ogt, %get3A_43, %div3A_781 : vector<16xf32>
    %select_n3A_832 = arith.select %gt3A_831, %broadcast_in_dim3A_783, %broadcast_in_dim3A_785 : vector<16xi1>, vector<16xi32>
    %gt3A_833 = arith.cmpf ogt, %get3A_49, %div3A_781 : vector<16xf32>
    %select_n3A_834 = arith.select %gt3A_833, %broadcast_in_dim3A_783, %broadcast_in_dim3A_785 : vector<16xi1>, vector<16xi32>
    %sub3A_835 = arith.subf %get3A_46, %get3A_40 : vector<16xf32>
    %sub3A_836 = arith.subf %div3A_781, %get3A_43 : vector<16xf32>
    %mul3A_837 = arith.mulf %sub3A_835, %sub3A_836 : vector<16xf32>
    %sub3A_838 = arith.subf %get3A_49, %get3A_43 : vector<16xf32>
    %div3A_839 = arith.divf %mul3A_837, %sub3A_838 : vector<16xf32>
    %add3A_840 = arith.addf %div3A_839, %get3A_40 : vector<16xf32>
    %gt3A_841 = arith.cmpf ogt, %add3A_840, %div3A_777 : vector<16xf32>
    %select_n3A_842 = arith.select %gt3A_841, %broadcast_in_dim3A_783, %broadcast_in_dim3A_785 : vector<16xi1>, vector<16xi32>
    %xor3A_843 = arith.xori %select_n3A_832, %select_n3A_834 : vector<16xi32>
    %and3A_844 = arith.andi %xor3A_843, %select_n3A_842 : vector<16xi32>
    %xor3A_845 = arith.xori %xor3A_830, %and3A_844 : vector<16xi32>
    %gt3A_846 = arith.cmpf ogt, %get3A_55, %div3A_781 : vector<16xf32>
    %select_n3A_847 = arith.select %gt3A_846, %broadcast_in_dim3A_783, %broadcast_in_dim3A_785 : vector<16xi1>, vector<16xi32>
    %gt3A_848 = arith.cmpf ogt, %get3A_61, %div3A_781 : vector<16xf32>
    %select_n3A_849 = arith.select %gt3A_848, %broadcast_in_dim3A_783, %broadcast_in_dim3A_785 : vector<16xi1>, vector<16xi32>
    %sub3A_850 = arith.subf %get3A_58, %get3A_52 : vector<16xf32>
    %sub3A_851 = arith.subf %div3A_781, %get3A_55 : vector<16xf32>
    %mul3A_852 = arith.mulf %sub3A_850, %sub3A_851 : vector<16xf32>
    %sub3A_853 = arith.subf %get3A_61, %get3A_55 : vector<16xf32>
    %div3A_854 = arith.divf %mul3A_852, %sub3A_853 : vector<16xf32>
    %add3A_855 = arith.addf %div3A_854, %get3A_52 : vector<16xf32>
    %gt3A_856 = arith.cmpf ogt, %add3A_855, %div3A_777 : vector<16xf32>
    %select_n3A_857 = arith.select %gt3A_856, %broadcast_in_dim3A_783, %broadcast_in_dim3A_785 : vector<16xi1>, vector<16xi32>
    %xor3A_858 = arith.xori %select_n3A_847, %select_n3A_849 : vector<16xi32>
    %and3A_859 = arith.andi %xor3A_858, %select_n3A_857 : vector<16xi32>
    %xor3A_860 = arith.xori %xor3A_845, %and3A_859 : vector<16xi32>
    %gt3A_861 = arith.cmpf ogt, %get3A_67, %div3A_781 : vector<16xf32>
    %select_n3A_862 = arith.select %gt3A_861, %broadcast_in_dim3A_783, %broadcast_in_dim3A_785 : vector<16xi1>, vector<16xi32>
    %gt3A_863 = arith.cmpf ogt, %get3A_73, %div3A_781 : vector<16xf32>
    %select_n3A_864 = arith.select %gt3A_863, %broadcast_in_dim3A_783, %broadcast_in_dim3A_785 : vector<16xi1>, vector<16xi32>
    %sub3A_865 = arith.subf %get3A_70, %get3A_64 : vector<16xf32>
    %sub3A_866 = arith.subf %div3A_781, %get3A_67 : vector<16xf32>
    %mul3A_867 = arith.mulf %sub3A_865, %sub3A_866 : vector<16xf32>
    %sub3A_868 = arith.subf %get3A_73, %get3A_67 : vector<16xf32>
    %div3A_869 = arith.divf %mul3A_867, %sub3A_868 : vector<16xf32>
    %add3A_870 = arith.addf %div3A_869, %get3A_64 : vector<16xf32>
    %gt3A_871 = arith.cmpf ogt, %add3A_870, %div3A_777 : vector<16xf32>
    %select_n3A_872 = arith.select %gt3A_871, %broadcast_in_dim3A_783, %broadcast_in_dim3A_785 : vector<16xi1>, vector<16xi32>
    %xor3A_873 = arith.xori %select_n3A_862, %select_n3A_864 : vector<16xi32>
    %and3A_874 = arith.andi %xor3A_873, %select_n3A_872 : vector<16xi32>
    %xor3A_875 = arith.xori %xor3A_860, %and3A_874 : vector<16xi32>
    %gt3A_876 = arith.cmpf ogt, %get3A_79, %div3A_781 : vector<16xf32>
    %select_n3A_877 = arith.select %gt3A_876, %broadcast_in_dim3A_783, %broadcast_in_dim3A_785 : vector<16xi1>, vector<16xi32>
    %gt3A_878 = arith.cmpf ogt, %get3A_85, %div3A_781 : vector<16xf32>
    %select_n3A_879 = arith.select %gt3A_878, %broadcast_in_dim3A_783, %broadcast_in_dim3A_785 : vector<16xi1>, vector<16xi32>
    %sub3A_880 = arith.subf %get3A_82, %get3A_76 : vector<16xf32>
    %sub3A_881 = arith.subf %div3A_781, %get3A_79 : vector<16xf32>
    %mul3A_882 = arith.mulf %sub3A_880, %sub3A_881 : vector<16xf32>
    %sub3A_883 = arith.subf %get3A_85, %get3A_79 : vector<16xf32>
    %div3A_884 = arith.divf %mul3A_882, %sub3A_883 : vector<16xf32>
    %add3A_885 = arith.addf %div3A_884, %get3A_76 : vector<16xf32>
    %gt3A_886 = arith.cmpf ogt, %add3A_885, %div3A_777 : vector<16xf32>
    %select_n3A_887 = arith.select %gt3A_886, %broadcast_in_dim3A_783, %broadcast_in_dim3A_785 : vector<16xi1>, vector<16xi32>
    %xor3A_888 = arith.xori %select_n3A_877, %select_n3A_879 : vector<16xi32>
    %and3A_889 = arith.andi %xor3A_888, %select_n3A_887 : vector<16xi32>
    %xor3A_890 = arith.xori %xor3A_875, %and3A_889 : vector<16xi32>
    %gt3A_891 = arith.cmpf ogt, %get3A_91, %div3A_781 : vector<16xf32>
    %select_n3A_892 = arith.select %gt3A_891, %broadcast_in_dim3A_783, %broadcast_in_dim3A_785 : vector<16xi1>, vector<16xi32>
    %gt3A_893 = arith.cmpf ogt, %get3A_97, %div3A_781 : vector<16xf32>
    %select_n3A_894 = arith.select %gt3A_893, %broadcast_in_dim3A_783, %broadcast_in_dim3A_785 : vector<16xi1>, vector<16xi32>
    %sub3A_895 = arith.subf %get3A_94, %get3A_88 : vector<16xf32>
    %sub3A_896 = arith.subf %div3A_781, %get3A_91 : vector<16xf32>
    %mul3A_897 = arith.mulf %sub3A_895, %sub3A_896 : vector<16xf32>
    %sub3A_898 = arith.subf %get3A_97, %get3A_91 : vector<16xf32>
    %div3A_899 = arith.divf %mul3A_897, %sub3A_898 : vector<16xf32>
    %add3A_900 = arith.addf %div3A_899, %get3A_88 : vector<16xf32>
    %gt3A_901 = arith.cmpf ogt, %add3A_900, %div3A_777 : vector<16xf32>
    %select_n3A_902 = arith.select %gt3A_901, %broadcast_in_dim3A_783, %broadcast_in_dim3A_785 : vector<16xi1>, vector<16xi32>
    %xor3A_903 = arith.xori %select_n3A_892, %select_n3A_894 : vector<16xi32>
    %and3A_904 = arith.andi %xor3A_903, %select_n3A_902 : vector<16xi32>
    %xor3A_905 = arith.xori %xor3A_890, %and3A_904 : vector<16xi32>
    %swap3A_906 = arith.constant 64 : index
    %swap3A_907 = tpu.vector_load %arg13[%swap3A_906] {strides = array<i32>} : memref<160xi32, #tpu.memory_space<vmem>>, vector<16xi32>,
    %swap3A_908 = vector.shape_cast %swap3A_907 : vector<16xi32> to vector<16xi32>
    %swap3A_909 = vector.shape_cast %xor3A_905 : vector<16xi32> to vector<16xi32>
    tpu.vector_store %arg13[%swap3A_906], %swap3A_909 {strides = array<i32>} : memref<160xi32, #tpu.memory_space<vmem>>, vector<16xi32>,
    %get3A_910 = arith.constant 80 : index
    %get3A_911 = tpu.vector_load %arg8[%get3A_910] {strides = array<i32>} : memref<160xf32, #tpu.memory_space<vmem>>, vector<16xf32>,
    %get3A_912 = vector.shape_cast %get3A_911 : vector<16xf32> to vector<16xf32>
    %get3A_913 = arith.constant 80 : index
    %get3A_914 = tpu.vector_load %arg9[%get3A_913] {strides = array<i32>} : memref<160xf32, #tpu.memory_space<vmem>>, vector<16xf32>,
    %get3A_915 = vector.shape_cast %get3A_914 : vector<16xf32> to vector<16xf32>
    %get3A_916 = arith.constant 80 : index
    %get3A_917 = tpu.vector_load %arg10[%get3A_916] {strides = array<i32>} : memref<160xf32, #tpu.memory_space<vmem>>, vector<16xf32>,
    %get3A_918 = vector.shape_cast %get3A_917 : vector<16xf32> to vector<16xf32>
    %get3A_919 = arith.constant 80 : index
    %get3A_920 = tpu.vector_load %arg11[%get3A_919] {strides = array<i32>} : memref<160xf32, #tpu.memory_space<vmem>>, vector<16xf32>,
    %get3A_921 = vector.shape_cast %get3A_920 : vector<16xf32> to vector<16xf32>
    %div3A_922 = arith.constant 2.000000e+00 : f32
    %div3A_923 = vector.broadcast %div3A_922 : f32 to vector<16xf32>
    %div3A_924 = arith.divf %get3A_918, %div3A_923 : vector<16xf32>
    %sub3A_925 = arith.subf %get3A_912, %div3A_924 : vector<16xf32>
    %div3A_926 = arith.constant 2.000000e+00 : f32
    %div3A_927 = vector.broadcast %div3A_926 : f32 to vector<16xf32>
    %div3A_928 = arith.divf %get3A_918, %div3A_927 : vector<16xf32>
    %add3A_929 = arith.addf %get3A_912, %div3A_928 : vector<16xf32>
    %div3A_930 = arith.constant 2.000000e+00 : f32
    %div3A_931 = vector.broadcast %div3A_930 : f32 to vector<16xf32>
    %div3A_932 = arith.divf %get3A_921, %div3A_931 : vector<16xf32>
    %sub3A_933 = arith.subf %get3A_915, %div3A_932 : vector<16xf32>
    %div3A_934 = arith.constant 2.000000e+00 : f32
    %div3A_935 = vector.broadcast %div3A_934 : f32 to vector<16xf32>
    %div3A_936 = arith.divf %get3A_921, %div3A_935 : vector<16xf32>
    %add3A_937 = arith.addf %get3A_915, %div3A_936 : vector<16xf32>
    %add3A_938 = arith.addf %sub3A_925, %add3A_929 : vector<16xf32>
    %div3A_939 = arith.constant 2.000000e+00 : f32
    %div3A_940 = vector.broadcast %div3A_939 : f32 to vector<16xf32>
    %div3A_941 = arith.divf %add3A_938, %div3A_940 : vector<16xf32>
    %add3A_942 = arith.addf %sub3A_933, %add3A_937 : vector<16xf32>
    %div3A_943 = arith.constant 2.000000e+00 : f32
    %div3A_944 = vector.broadcast %div3A_943 : f32 to vector<16xf32>
    %div3A_945 = arith.divf %add3A_942, %div3A_944 : vector<16xf32>
    %broadcast_in_dim3A_946 = arith.constant 1 : i32
    %broadcast_in_dim3A_947 = vector.broadcast %broadcast_in_dim3A_946 : i32 to vector<16xi32>
    %broadcast_in_dim3A_948 = arith.constant 0 : i32
    %broadcast_in_dim3A_949 = vector.broadcast %broadcast_in_dim3A_948 : i32 to vector<16xi32>
    %gt3A_950 = arith.cmpf ogt, %get3A_7, %div3A_945 : vector<16xf32>
    %select_n3A_951 = arith.select %gt3A_950, %broadcast_in_dim3A_947, %broadcast_in_dim3A_949 : vector<16xi1>, vector<16xi32>
    %gt3A_952 = arith.cmpf ogt, %get3A_13, %div3A_945 : vector<16xf32>
    %select_n3A_953 = arith.select %gt3A_952, %broadcast_in_dim3A_947, %broadcast_in_dim3A_949 : vector<16xi1>, vector<16xi32>
    %sub3A_954 = arith.subf %get3A_10, %get3A_4 : vector<16xf32>
    %sub3A_955 = arith.subf %div3A_945, %get3A_7 : vector<16xf32>
    %mul3A_956 = arith.mulf %sub3A_954, %sub3A_955 : vector<16xf32>
    %sub3A_957 = arith.subf %get3A_13, %get3A_7 : vector<16xf32>
    %div3A_958 = arith.divf %mul3A_956, %sub3A_957 : vector<16xf32>
    %add3A_959 = arith.addf %div3A_958, %get3A_4 : vector<16xf32>
    %gt3A_960 = arith.cmpf ogt, %add3A_959, %div3A_941 : vector<16xf32>
    %select_n3A_961 = arith.select %gt3A_960, %broadcast_in_dim3A_947, %broadcast_in_dim3A_949 : vector<16xi1>, vector<16xi32>
    %xor3A_962 = arith.xori %select_n3A_951, %select_n3A_953 : vector<16xi32>
    %and3A_963 = arith.andi %xor3A_962, %select_n3A_961 : vector<16xi32>
    %xor3A_964 = arith.xori %broadcast_in_dim3A_949, %and3A_963 : vector<16xi32>
    %gt3A_965 = arith.cmpf ogt, %get3A_19, %div3A_945 : vector<16xf32>
    %select_n3A_966 = arith.select %gt3A_965, %broadcast_in_dim3A_947, %broadcast_in_dim3A_949 : vector<16xi1>, vector<16xi32>
    %gt3A_967 = arith.cmpf ogt, %get3A_25, %div3A_945 : vector<16xf32>
    %select_n3A_968 = arith.select %gt3A_967, %broadcast_in_dim3A_947, %broadcast_in_dim3A_949 : vector<16xi1>, vector<16xi32>
    %sub3A_969 = arith.subf %get3A_22, %get3A_16 : vector<16xf32>
    %sub3A_970 = arith.subf %div3A_945, %get3A_19 : vector<16xf32>
    %mul3A_971 = arith.mulf %sub3A_969, %sub3A_970 : vector<16xf32>
    %sub3A_972 = arith.subf %get3A_25, %get3A_19 : vector<16xf32>
    %div3A_973 = arith.divf %mul3A_971, %sub3A_972 : vector<16xf32>
    %add3A_974 = arith.addf %div3A_973, %get3A_16 : vector<16xf32>
    %gt3A_975 = arith.cmpf ogt, %add3A_974, %div3A_941 : vector<16xf32>
    %select_n3A_976 = arith.select %gt3A_975, %broadcast_in_dim3A_947, %broadcast_in_dim3A_949 : vector<16xi1>, vector<16xi32>
    %xor3A_977 = arith.xori %select_n3A_966, %select_n3A_968 : vector<16xi32>
    %and3A_978 = arith.andi %xor3A_977, %select_n3A_976 : vector<16xi32>
    %xor3A_979 = arith.xori %xor3A_964, %and3A_978 : vector<16xi32>
    %gt3A_980 = arith.cmpf ogt, %get3A_31, %div3A_945 : vector<16xf32>
    %select_n3A_981 = arith.select %gt3A_980, %broadcast_in_dim3A_947, %broadcast_in_dim3A_949 : vector<16xi1>, vector<16xi32>
    %gt3A_982 = arith.cmpf ogt, %get3A_37, %div3A_945 : vector<16xf32>
    %select_n3A_983 = arith.select %gt3A_982, %broadcast_in_dim3A_947, %broadcast_in_dim3A_949 : vector<16xi1>, vector<16xi32>
    %sub3A_984 = arith.subf %get3A_34, %get3A_28 : vector<16xf32>
    %sub3A_985 = arith.subf %div3A_945, %get3A_31 : vector<16xf32>
    %mul3A_986 = arith.mulf %sub3A_984, %sub3A_985 : vector<16xf32>
    %sub3A_987 = arith.subf %get3A_37, %get3A_31 : vector<16xf32>
    %div3A_988 = arith.divf %mul3A_986, %sub3A_987 : vector<16xf32>
    %add3A_989 = arith.addf %div3A_988, %get3A_28 : vector<16xf32>
    %gt3A_990 = arith.cmpf ogt, %add3A_989, %div3A_941 : vector<16xf32>
    %select_n3A_991 = arith.select %gt3A_990, %broadcast_in_dim3A_947, %broadcast_in_dim3A_949 : vector<16xi1>, vector<16xi32>
    %xor3A_992 = arith.xori %select_n3A_981, %select_n3A_983 : vector<16xi32>
    %and3A_993 = arith.andi %xor3A_992, %select_n3A_991 : vector<16xi32>
    %xor3A_994 = arith.xori %xor3A_979, %and3A_993 : vector<16xi32>
    %gt3A_995 = arith.cmpf ogt, %get3A_43, %div3A_945 : vector<16xf32>
    %select_n3A_996 = arith.select %gt3A_995, %broadcast_in_dim3A_947, %broadcast_in_dim3A_949 : vector<16xi1>, vector<16xi32>
    %gt3A_997 = arith.cmpf ogt, %get3A_49, %div3A_945 : vector<16xf32>
    %select_n3A_998 = arith.select %gt3A_997, %broadcast_in_dim3A_947, %broadcast_in_dim3A_949 : vector<16xi1>, vector<16xi32>
    %sub3A_999 = arith.subf %get3A_46, %get3A_40 : vector<16xf32>
    %sub3A_1000 = arith.subf %div3A_945, %get3A_43 : vector<16xf32>
    %mul3A_1001 = arith.mulf %sub3A_999, %sub3A_1000 : vector<16xf32>
    %sub3A_1002 = arith.subf %get3A_49, %get3A_43 : vector<16xf32>
    %div3A_1003 = arith.divf %mul3A_1001, %sub3A_1002 : vector<16xf32>
    %add3A_1004 = arith.addf %div3A_1003, %get3A_40 : vector<16xf32>
    %gt3A_1005 = arith.cmpf ogt, %add3A_1004, %div3A_941 : vector<16xf32>
    %select_n3A_1006 = arith.select %gt3A_1005, %broadcast_in_dim3A_947, %broadcast_in_dim3A_949 : vector<16xi1>, vector<16xi32>
    %xor3A_1007 = arith.xori %select_n3A_996, %select_n3A_998 : vector<16xi32>
    %and3A_1008 = arith.andi %xor3A_1007, %select_n3A_1006 : vector<16xi32>
    %xor3A_1009 = arith.xori %xor3A_994, %and3A_1008 : vector<16xi32>
    %gt3A_1010 = arith.cmpf ogt, %get3A_55, %div3A_945 : vector<16xf32>
    %select_n3A_1011 = arith.select %gt3A_1010, %broadcast_in_dim3A_947, %broadcast_in_dim3A_949 : vector<16xi1>, vector<16xi32>
    %gt3A_1012 = arith.cmpf ogt, %get3A_61, %div3A_945 : vector<16xf32>
    %select_n3A_1013 = arith.select %gt3A_1012, %broadcast_in_dim3A_947, %broadcast_in_dim3A_949 : vector<16xi1>, vector<16xi32>
    %sub3A_1014 = arith.subf %get3A_58, %get3A_52 : vector<16xf32>
    %sub3A_1015 = arith.subf %div3A_945, %get3A_55 : vector<16xf32>
    %mul3A_1016 = arith.mulf %sub3A_1014, %sub3A_1015 : vector<16xf32>
    %sub3A_1017 = arith.subf %get3A_61, %get3A_55 : vector<16xf32>
    %div3A_1018 = arith.divf %mul3A_1016, %sub3A_1017 : vector<16xf32>
    %add3A_1019 = arith.addf %div3A_1018, %get3A_52 : vector<16xf32>
    %gt3A_1020 = arith.cmpf ogt, %add3A_1019, %div3A_941 : vector<16xf32>
    %select_n3A_1021 = arith.select %gt3A_1020, %broadcast_in_dim3A_947, %broadcast_in_dim3A_949 : vector<16xi1>, vector<16xi32>
    %xor3A_1022 = arith.xori %select_n3A_1011, %select_n3A_1013 : vector<16xi32>
    %and3A_1023 = arith.andi %xor3A_1022, %select_n3A_1021 : vector<16xi32>
    %xor3A_1024 = arith.xori %xor3A_1009, %and3A_1023 : vector<16xi32>
    %gt3A_1025 = arith.cmpf ogt, %get3A_67, %div3A_945 : vector<16xf32>
    %select_n3A_1026 = arith.select %gt3A_1025, %broadcast_in_dim3A_947, %broadcast_in_dim3A_949 : vector<16xi1>, vector<16xi32>
    %gt3A_1027 = arith.cmpf ogt, %get3A_73, %div3A_945 : vector<16xf32>
    %select_n3A_1028 = arith.select %gt3A_1027, %broadcast_in_dim3A_947, %broadcast_in_dim3A_949 : vector<16xi1>, vector<16xi32>
    %sub3A_1029 = arith.subf %get3A_70, %get3A_64 : vector<16xf32>
    %sub3A_1030 = arith.subf %div3A_945, %get3A_67 : vector<16xf32>
    %mul3A_1031 = arith.mulf %sub3A_1029, %sub3A_1030 : vector<16xf32>
    %sub3A_1032 = arith.subf %get3A_73, %get3A_67 : vector<16xf32>
    %div3A_1033 = arith.divf %mul3A_1031, %sub3A_1032 : vector<16xf32>
    %add3A_1034 = arith.addf %div3A_1033, %get3A_64 : vector<16xf32>
    %gt3A_1035 = arith.cmpf ogt, %add3A_1034, %div3A_941 : vector<16xf32>
    %select_n3A_1036 = arith.select %gt3A_1035, %broadcast_in_dim3A_947, %broadcast_in_dim3A_949 : vector<16xi1>, vector<16xi32>
    %xor3A_1037 = arith.xori %select_n3A_1026, %select_n3A_1028 : vector<16xi32>
    %and3A_1038 = arith.andi %xor3A_1037, %select_n3A_1036 : vector<16xi32>
    %xor3A_1039 = arith.xori %xor3A_1024, %and3A_1038 : vector<16xi32>
    %gt3A_1040 = arith.cmpf ogt, %get3A_79, %div3A_945 : vector<16xf32>
    %select_n3A_1041 = arith.select %gt3A_1040, %broadcast_in_dim3A_947, %broadcast_in_dim3A_949 : vector<16xi1>, vector<16xi32>
    %gt3A_1042 = arith.cmpf ogt, %get3A_85, %div3A_945 : vector<16xf32>
    %select_n3A_1043 = arith.select %gt3A_1042, %broadcast_in_dim3A_947, %broadcast_in_dim3A_949 : vector<16xi1>, vector<16xi32>
    %sub3A_1044 = arith.subf %get3A_82, %get3A_76 : vector<16xf32>
    %sub3A_1045 = arith.subf %div3A_945, %get3A_79 : vector<16xf32>
    %mul3A_1046 = arith.mulf %sub3A_1044, %sub3A_1045 : vector<16xf32>
    %sub3A_1047 = arith.subf %get3A_85, %get3A_79 : vector<16xf32>
    %div3A_1048 = arith.divf %mul3A_1046, %sub3A_1047 : vector<16xf32>
    %add3A_1049 = arith.addf %div3A_1048, %get3A_76 : vector<16xf32>
    %gt3A_1050 = arith.cmpf ogt, %add3A_1049, %div3A_941 : vector<16xf32>
    %select_n3A_1051 = arith.select %gt3A_1050, %broadcast_in_dim3A_947, %broadcast_in_dim3A_949 : vector<16xi1>, vector<16xi32>
    %xor3A_1052 = arith.xori %select_n3A_1041, %select_n3A_1043 : vector<16xi32>
    %and3A_1053 = arith.andi %xor3A_1052, %select_n3A_1051 : vector<16xi32>
    %xor3A_1054 = arith.xori %xor3A_1039, %and3A_1053 : vector<16xi32>
    %gt3A_1055 = arith.cmpf ogt, %get3A_91, %div3A_945 : vector<16xf32>
    %select_n3A_1056 = arith.select %gt3A_1055, %broadcast_in_dim3A_947, %broadcast_in_dim3A_949 : vector<16xi1>, vector<16xi32>
    %gt3A_1057 = arith.cmpf ogt, %get3A_97, %div3A_945 : vector<16xf32>
    %select_n3A_1058 = arith.select %gt3A_1057, %broadcast_in_dim3A_947, %broadcast_in_dim3A_949 : vector<16xi1>, vector<16xi32>
    %sub3A_1059 = arith.subf %get3A_94, %get3A_88 : vector<16xf32>
    %sub3A_1060 = arith.subf %div3A_945, %get3A_91 : vector<16xf32>
    %mul3A_1061 = arith.mulf %sub3A_1059, %sub3A_1060 : vector<16xf32>
    %sub3A_1062 = arith.subf %get3A_97, %get3A_91 : vector<16xf32>
    %div3A_1063 = arith.divf %mul3A_1061, %sub3A_1062 : vector<16xf32>
    %add3A_1064 = arith.addf %div3A_1063, %get3A_88 : vector<16xf32>
    %gt3A_1065 = arith.cmpf ogt, %add3A_1064, %div3A_941 : vector<16xf32>
    %select_n3A_1066 = arith.select %gt3A_1065, %broadcast_in_dim3A_947, %broadcast_in_dim3A_949 : vector<16xi1>, vector<16xi32>
    %xor3A_1067 = arith.xori %select_n3A_1056, %select_n3A_1058 : vector<16xi32>
    %and3A_1068 = arith.andi %xor3A_1067, %select_n3A_1066 : vector<16xi32>
    %xor3A_1069 = arith.xori %xor3A_1054, %and3A_1068 : vector<16xi32>
    %swap3A_1070 = arith.constant 80 : index
    %swap3A_1071 = tpu.vector_load %arg13[%swap3A_1070] {strides = array<i32>} : memref<160xi32, #tpu.memory_space<vmem>>, vector<16xi32>,
    %swap3A_1072 = vector.shape_cast %swap3A_1071 : vector<16xi32> to vector<16xi32>
    %swap3A_1073 = vector.shape_cast %xor3A_1069 : vector<16xi32> to vector<16xi32>
    tpu.vector_store %arg13[%swap3A_1070], %swap3A_1073 {strides = array<i32>} : memref<160xi32, #tpu.memory_space<vmem>>, vector<16xi32>,
    %get3A_1074 = arith.constant 96 : index
    %get3A_1075 = tpu.vector_load %arg8[%get3A_1074] {strides = array<i32>} : memref<160xf32, #tpu.memory_space<vmem>>, vector<16xf32>,
    %get3A_1076 = vector.shape_cast %get3A_1075 : vector<16xf32> to vector<16xf32>
    %get3A_1077 = arith.constant 96 : index
    %get3A_1078 = tpu.vector_load %arg9[%get3A_1077] {strides = array<i32>} : memref<160xf32, #tpu.memory_space<vmem>>, vector<16xf32>,
    %get3A_1079 = vector.shape_cast %get3A_1078 : vector<16xf32> to vector<16xf32>
    %get3A_1080 = arith.constant 96 : index
    %get3A_1081 = tpu.vector_load %arg10[%get3A_1080] {strides = array<i32>} : memref<160xf32, #tpu.memory_space<vmem>>, vector<16xf32>,
    %get3A_1082 = vector.shape_cast %get3A_1081 : vector<16xf32> to vector<16xf32>
    %get3A_1083 = arith.constant 96 : index
    %get3A_1084 = tpu.vector_load %arg11[%get3A_1083] {strides = array<i32>} : memref<160xf32, #tpu.memory_space<vmem>>, vector<16xf32>,
    %get3A_1085 = vector.shape_cast %get3A_1084 : vector<16xf32> to vector<16xf32>
    %div3A_1086 = arith.constant 2.000000e+00 : f32
    %div3A_1087 = vector.broadcast %div3A_1086 : f32 to vector<16xf32>
    %div3A_1088 = arith.divf %get3A_1082, %div3A_1087 : vector<16xf32>
    %sub3A_1089 = arith.subf %get3A_1076, %div3A_1088 : vector<16xf32>
    %div3A_1090 = arith.constant 2.000000e+00 : f32
    %div3A_1091 = vector.broadcast %div3A_1090 : f32 to vector<16xf32>
    %div3A_1092 = arith.divf %get3A_1082, %div3A_1091 : vector<16xf32>
    %add3A_1093 = arith.addf %get3A_1076, %div3A_1092 : vector<16xf32>
    %div3A_1094 = arith.constant 2.000000e+00 : f32
    %div3A_1095 = vector.broadcast %div3A_1094 : f32 to vector<16xf32>
    %div3A_1096 = arith.divf %get3A_1085, %div3A_1095 : vector<16xf32>
    %sub3A_1097 = arith.subf %get3A_1079, %div3A_1096 : vector<16xf32>
    %div3A_1098 = arith.constant 2.000000e+00 : f32
    %div3A_1099 = vector.broadcast %div3A_1098 : f32 to vector<16xf32>
    %div3A_1100 = arith.divf %get3A_1085, %div3A_1099 : vector<16xf32>
    %add3A_1101 = arith.addf %get3A_1079, %div3A_1100 : vector<16xf32>
    %add3A_1102 = arith.addf %sub3A_1089, %add3A_1093 : vector<16xf32>
    %div3A_1103 = arith.constant 2.000000e+00 : f32
    %div3A_1104 = vector.broadcast %div3A_1103 : f32 to vector<16xf32>
    %div3A_1105 = arith.divf %add3A_1102, %div3A_1104 : vector<16xf32>
    %add3A_1106 = arith.addf %sub3A_1097, %add3A_1101 : vector<16xf32>
    %div3A_1107 = arith.constant 2.000000e+00 : f32
    %div3A_1108 = vector.broadcast %div3A_1107 : f32 to vector<16xf32>
    %div3A_1109 = arith.divf %add3A_1106, %div3A_1108 : vector<16xf32>
    %broadcast_in_dim3A_1110 = arith.constant 1 : i32
    %broadcast_in_dim3A_1111 = vector.broadcast %broadcast_in_dim3A_1110 : i32 to vector<16xi32>
    %broadcast_in_dim3A_1112 = arith.constant 0 : i32
    %broadcast_in_dim3A_1113 = vector.broadcast %broadcast_in_dim3A_1112 : i32 to vector<16xi32>
    %gt3A_1114 = arith.cmpf ogt, %get3A_7, %div3A_1109 : vector<16xf32>
    %select_n3A_1115 = arith.select %gt3A_1114, %broadcast_in_dim3A_1111, %broadcast_in_dim3A_1113 : vector<16xi1>, vector<16xi32>
    %gt3A_1116 = arith.cmpf ogt, %get3A_13, %div3A_1109 : vector<16xf32>
    %select_n3A_1117 = arith.select %gt3A_1116, %broadcast_in_dim3A_1111, %broadcast_in_dim3A_1113 : vector<16xi1>, vector<16xi32>
    %sub3A_1118 = arith.subf %get3A_10, %get3A_4 : vector<16xf32>
    %sub3A_1119 = arith.subf %div3A_1109, %get3A_7 : vector<16xf32>
    %mul3A_1120 = arith.mulf %sub3A_1118, %sub3A_1119 : vector<16xf32>
    %sub3A_1121 = arith.subf %get3A_13, %get3A_7 : vector<16xf32>
    %div3A_1122 = arith.divf %mul3A_1120, %sub3A_1121 : vector<16xf32>
    %add3A_1123 = arith.addf %div3A_1122, %get3A_4 : vector<16xf32>
    %gt3A_1124 = arith.cmpf ogt, %add3A_1123, %div3A_1105 : vector<16xf32>
    %select_n3A_1125 = arith.select %gt3A_1124, %broadcast_in_dim3A_1111, %broadcast_in_dim3A_1113 : vector<16xi1>, vector<16xi32>
    %xor3A_1126 = arith.xori %select_n3A_1115, %select_n3A_1117 : vector<16xi32>
    %and3A_1127 = arith.andi %xor3A_1126, %select_n3A_1125 : vector<16xi32>
    %xor3A_1128 = arith.xori %broadcast_in_dim3A_1113, %and3A_1127 : vector<16xi32>
    %gt3A_1129 = arith.cmpf ogt, %get3A_19, %div3A_1109 : vector<16xf32>
    %select_n3A_1130 = arith.select %gt3A_1129, %broadcast_in_dim3A_1111, %broadcast_in_dim3A_1113 : vector<16xi1>, vector<16xi32>
    %gt3A_1131 = arith.cmpf ogt, %get3A_25, %div3A_1109 : vector<16xf32>
    %select_n3A_1132 = arith.select %gt3A_1131, %broadcast_in_dim3A_1111, %broadcast_in_dim3A_1113 : vector<16xi1>, vector<16xi32>
    %sub3A_1133 = arith.subf %get3A_22, %get3A_16 : vector<16xf32>
    %sub3A_1134 = arith.subf %div3A_1109, %get3A_19 : vector<16xf32>
    %mul3A_1135 = arith.mulf %sub3A_1133, %sub3A_1134 : vector<16xf32>
    %sub3A_1136 = arith.subf %get3A_25, %get3A_19 : vector<16xf32>
    %div3A_1137 = arith.divf %mul3A_1135, %sub3A_1136 : vector<16xf32>
    %add3A_1138 = arith.addf %div3A_1137, %get3A_16 : vector<16xf32>
    %gt3A_1139 = arith.cmpf ogt, %add3A_1138, %div3A_1105 : vector<16xf32>
    %select_n3A_1140 = arith.select %gt3A_1139, %broadcast_in_dim3A_1111, %broadcast_in_dim3A_1113 : vector<16xi1>, vector<16xi32>
    %xor3A_1141 = arith.xori %select_n3A_1130, %select_n3A_1132 : vector<16xi32>
    %and3A_1142 = arith.andi %xor3A_1141, %select_n3A_1140 : vector<16xi32>
    %xor3A_1143 = arith.xori %xor3A_1128, %and3A_1142 : vector<16xi32>
    %gt3A_1144 = arith.cmpf ogt, %get3A_31, %div3A_1109 : vector<16xf32>
    %select_n3A_1145 = arith.select %gt3A_1144, %broadcast_in_dim3A_1111, %broadcast_in_dim3A_1113 : vector<16xi1>, vector<16xi32>
    %gt3A_1146 = arith.cmpf ogt, %get3A_37, %div3A_1109 : vector<16xf32>
    %select_n3A_1147 = arith.select %gt3A_1146, %broadcast_in_dim3A_1111, %broadcast_in_dim3A_1113 : vector<16xi1>, vector<16xi32>
    %sub3A_1148 = arith.subf %get3A_34, %get3A_28 : vector<16xf32>
    %sub3A_1149 = arith.subf %div3A_1109, %get3A_31 : vector<16xf32>
    %mul3A_1150 = arith.mulf %sub3A_1148, %sub3A_1149 : vector<16xf32>
    %sub3A_1151 = arith.subf %get3A_37, %get3A_31 : vector<16xf32>
    %div3A_1152 = arith.divf %mul3A_1150, %sub3A_1151 : vector<16xf32>
    %add3A_1153 = arith.addf %div3A_1152, %get3A_28 : vector<16xf32>
    %gt3A_1154 = arith.cmpf ogt, %add3A_1153, %div3A_1105 : vector<16xf32>
    %select_n3A_1155 = arith.select %gt3A_1154, %broadcast_in_dim3A_1111, %broadcast_in_dim3A_1113 : vector<16xi1>, vector<16xi32>
    %xor3A_1156 = arith.xori %select_n3A_1145, %select_n3A_1147 : vector<16xi32>
    %and3A_1157 = arith.andi %xor3A_1156, %select_n3A_1155 : vector<16xi32>
    %xor3A_1158 = arith.xori %xor3A_1143, %and3A_1157 : vector<16xi32>
    %gt3A_1159 = arith.cmpf ogt, %get3A_43, %div3A_1109 : vector<16xf32>
    %select_n3A_1160 = arith.select %gt3A_1159, %broadcast_in_dim3A_1111, %broadcast_in_dim3A_1113 : vector<16xi1>, vector<16xi32>
    %gt3A_1161 = arith.cmpf ogt, %get3A_49, %div3A_1109 : vector<16xf32>
    %select_n3A_1162 = arith.select %gt3A_1161, %broadcast_in_dim3A_1111, %broadcast_in_dim3A_1113 : vector<16xi1>, vector<16xi32>
    %sub3A_1163 = arith.subf %get3A_46, %get3A_40 : vector<16xf32>
    %sub3A_1164 = arith.subf %div3A_1109, %get3A_43 : vector<16xf32>
    %mul3A_1165 = arith.mulf %sub3A_1163, %sub3A_1164 : vector<16xf32>
    %sub3A_1166 = arith.subf %get3A_49, %get3A_43 : vector<16xf32>
    %div3A_1167 = arith.divf %mul3A_1165, %sub3A_1166 : vector<16xf32>
    %add3A_1168 = arith.addf %div3A_1167, %get3A_40 : vector<16xf32>
    %gt3A_1169 = arith.cmpf ogt, %add3A_1168, %div3A_1105 : vector<16xf32>
    %select_n3A_1170 = arith.select %gt3A_1169, %broadcast_in_dim3A_1111, %broadcast_in_dim3A_1113 : vector<16xi1>, vector<16xi32>
    %xor3A_1171 = arith.xori %select_n3A_1160, %select_n3A_1162 : vector<16xi32>
    %and3A_1172 = arith.andi %xor3A_1171, %select_n3A_1170 : vector<16xi32>
    %xor3A_1173 = arith.xori %xor3A_1158, %and3A_1172 : vector<16xi32>
    %gt3A_1174 = arith.cmpf ogt, %get3A_55, %div3A_1109 : vector<16xf32>
    %select_n3A_1175 = arith.select %gt3A_1174, %broadcast_in_dim3A_1111, %broadcast_in_dim3A_1113 : vector<16xi1>, vector<16xi32>
    %gt3A_1176 = arith.cmpf ogt, %get3A_61, %div3A_1109 : vector<16xf32>
    %select_n3A_1177 = arith.select %gt3A_1176, %broadcast_in_dim3A_1111, %broadcast_in_dim3A_1113 : vector<16xi1>, vector<16xi32>
    %sub3A_1178 = arith.subf %get3A_58, %get3A_52 : vector<16xf32>
    %sub3A_1179 = arith.subf %div3A_1109, %get3A_55 : vector<16xf32>
    %mul3A_1180 = arith.mulf %sub3A_1178, %sub3A_1179 : vector<16xf32>
    %sub3A_1181 = arith.subf %get3A_61, %get3A_55 : vector<16xf32>
    %div3A_1182 = arith.divf %mul3A_1180, %sub3A_1181 : vector<16xf32>
    %add3A_1183 = arith.addf %div3A_1182, %get3A_52 : vector<16xf32>
    %gt3A_1184 = arith.cmpf ogt, %add3A_1183, %div3A_1105 : vector<16xf32>
    %select_n3A_1185 = arith.select %gt3A_1184, %broadcast_in_dim3A_1111, %broadcast_in_dim3A_1113 : vector<16xi1>, vector<16xi32>
    %xor3A_1186 = arith.xori %select_n3A_1175, %select_n3A_1177 : vector<16xi32>
    %and3A_1187 = arith.andi %xor3A_1186, %select_n3A_1185 : vector<16xi32>
    %xor3A_1188 = arith.xori %xor3A_1173, %and3A_1187 : vector<16xi32>
    %gt3A_1189 = arith.cmpf ogt, %get3A_67, %div3A_1109 : vector<16xf32>
    %select_n3A_1190 = arith.select %gt3A_1189, %broadcast_in_dim3A_1111, %broadcast_in_dim3A_1113 : vector<16xi1>, vector<16xi32>
    %gt3A_1191 = arith.cmpf ogt, %get3A_73, %div3A_1109 : vector<16xf32>
    %select_n3A_1192 = arith.select %gt3A_1191, %broadcast_in_dim3A_1111, %broadcast_in_dim3A_1113 : vector<16xi1>, vector<16xi32>
    %sub3A_1193 = arith.subf %get3A_70, %get3A_64 : vector<16xf32>
    %sub3A_1194 = arith.subf %div3A_1109, %get3A_67 : vector<16xf32>
    %mul3A_1195 = arith.mulf %sub3A_1193, %sub3A_1194 : vector<16xf32>
    %sub3A_1196 = arith.subf %get3A_73, %get3A_67 : vector<16xf32>
    %div3A_1197 = arith.divf %mul3A_1195, %sub3A_1196 : vector<16xf32>
    %add3A_1198 = arith.addf %div3A_1197, %get3A_64 : vector<16xf32>
    %gt3A_1199 = arith.cmpf ogt, %add3A_1198, %div3A_1105 : vector<16xf32>
    %select_n3A_1200 = arith.select %gt3A_1199, %broadcast_in_dim3A_1111, %broadcast_in_dim3A_1113 : vector<16xi1>, vector<16xi32>
    %xor3A_1201 = arith.xori %select_n3A_1190, %select_n3A_1192 : vector<16xi32>
    %and3A_1202 = arith.andi %xor3A_1201, %select_n3A_1200 : vector<16xi32>
    %xor3A_1203 = arith.xori %xor3A_1188, %and3A_1202 : vector<16xi32>
    %gt3A_1204 = arith.cmpf ogt, %get3A_79, %div3A_1109 : vector<16xf32>
    %select_n3A_1205 = arith.select %gt3A_1204, %broadcast_in_dim3A_1111, %broadcast_in_dim3A_1113 : vector<16xi1>, vector<16xi32>
    %gt3A_1206 = arith.cmpf ogt, %get3A_85, %div3A_1109 : vector<16xf32>
    %select_n3A_1207 = arith.select %gt3A_1206, %broadcast_in_dim3A_1111, %broadcast_in_dim3A_1113 : vector<16xi1>, vector<16xi32>
    %sub3A_1208 = arith.subf %get3A_82, %get3A_76 : vector<16xf32>
    %sub3A_1209 = arith.subf %div3A_1109, %get3A_79 : vector<16xf32>
    %mul3A_1210 = arith.mulf %sub3A_1208, %sub3A_1209 : vector<16xf32>
    %sub3A_1211 = arith.subf %get3A_85, %get3A_79 : vector<16xf32>
    %div3A_1212 = arith.divf %mul3A_1210, %sub3A_1211 : vector<16xf32>
    %add3A_1213 = arith.addf %div3A_1212, %get3A_76 : vector<16xf32>
    %gt3A_1214 = arith.cmpf ogt, %add3A_1213, %div3A_1105 : vector<16xf32>
    %select_n3A_1215 = arith.select %gt3A_1214, %broadcast_in_dim3A_1111, %broadcast_in_dim3A_1113 : vector<16xi1>, vector<16xi32>
    %xor3A_1216 = arith.xori %select_n3A_1205, %select_n3A_1207 : vector<16xi32>
    %and3A_1217 = arith.andi %xor3A_1216, %select_n3A_1215 : vector<16xi32>
    %xor3A_1218 = arith.xori %xor3A_1203, %and3A_1217 : vector<16xi32>
    %gt3A_1219 = arith.cmpf ogt, %get3A_91, %div3A_1109 : vector<16xf32>
    %select_n3A_1220 = arith.select %gt3A_1219, %broadcast_in_dim3A_1111, %broadcast_in_dim3A_1113 : vector<16xi1>, vector<16xi32>
    %gt3A_1221 = arith.cmpf ogt, %get3A_97, %div3A_1109 : vector<16xf32>
    %select_n3A_1222 = arith.select %gt3A_1221, %broadcast_in_dim3A_1111, %broadcast_in_dim3A_1113 : vector<16xi1>, vector<16xi32>
    %sub3A_1223 = arith.subf %get3A_94, %get3A_88 : vector<16xf32>
    %sub3A_1224 = arith.subf %div3A_1109, %get3A_91 : vector<16xf32>
    %mul3A_1225 = arith.mulf %sub3A_1223, %sub3A_1224 : vector<16xf32>
    %sub3A_1226 = arith.subf %get3A_97, %get3A_91 : vector<16xf32>
    %div3A_1227 = arith.divf %mul3A_1225, %sub3A_1226 : vector<16xf32>
    %add3A_1228 = arith.addf %div3A_1227, %get3A_88 : vector<16xf32>
    %gt3A_1229 = arith.cmpf ogt, %add3A_1228, %div3A_1105 : vector<16xf32>
    %select_n3A_1230 = arith.select %gt3A_1229, %broadcast_in_dim3A_1111, %broadcast_in_dim3A_1113 : vector<16xi1>, vector<16xi32>
    %xor3A_1231 = arith.xori %select_n3A_1220, %select_n3A_1222 : vector<16xi32>
    %and3A_1232 = arith.andi %xor3A_1231, %select_n3A_1230 : vector<16xi32>
    %xor3A_1233 = arith.xori %xor3A_1218, %and3A_1232 : vector<16xi32>
    %swap3A_1234 = arith.constant 96 : index
    %swap3A_1235 = tpu.vector_load %arg13[%swap3A_1234] {strides = array<i32>} : memref<160xi32, #tpu.memory_space<vmem>>, vector<16xi32>,
    %swap3A_1236 = vector.shape_cast %swap3A_1235 : vector<16xi32> to vector<16xi32>
    %swap3A_1237 = vector.shape_cast %xor3A_1233 : vector<16xi32> to vector<16xi32>
    tpu.vector_store %arg13[%swap3A_1234], %swap3A_1237 {strides = array<i32>} : memref<160xi32, #tpu.memory_space<vmem>>, vector<16xi32>,
    %get3A_1238 = arith.constant 112 : index
    %get3A_1239 = tpu.vector_load %arg8[%get3A_1238] {strides = array<i32>} : memref<160xf32, #tpu.memory_space<vmem>>, vector<16xf32>,
    %get3A_1240 = vector.shape_cast %get3A_1239 : vector<16xf32> to vector<16xf32>
    %get3A_1241 = arith.constant 112 : index
    %get3A_1242 = tpu.vector_load %arg9[%get3A_1241] {strides = array<i32>} : memref<160xf32, #tpu.memory_space<vmem>>, vector<16xf32>,
    %get3A_1243 = vector.shape_cast %get3A_1242 : vector<16xf32> to vector<16xf32>
    %get3A_1244 = arith.constant 112 : index
    %get3A_1245 = tpu.vector_load %arg10[%get3A_1244] {strides = array<i32>} : memref<160xf32, #tpu.memory_space<vmem>>, vector<16xf32>,
    %get3A_1246 = vector.shape_cast %get3A_1245 : vector<16xf32> to vector<16xf32>
    %get3A_1247 = arith.constant 112 : index
    %get3A_1248 = tpu.vector_load %arg11[%get3A_1247] {strides = array<i32>} : memref<160xf32, #tpu.memory_space<vmem>>, vector<16xf32>,
    %get3A_1249 = vector.shape_cast %get3A_1248 : vector<16xf32> to vector<16xf32>
    %div3A_1250 = arith.constant 2.000000e+00 : f32
    %div3A_1251 = vector.broadcast %div3A_1250 : f32 to vector<16xf32>
    %div3A_1252 = arith.divf %get3A_1246, %div3A_1251 : vector<16xf32>
    %sub3A_1253 = arith.subf %get3A_1240, %div3A_1252 : vector<16xf32>
    %div3A_1254 = arith.constant 2.000000e+00 : f32
    %div3A_1255 = vector.broadcast %div3A_1254 : f32 to vector<16xf32>
    %div3A_1256 = arith.divf %get3A_1246, %div3A_1255 : vector<16xf32>
    %add3A_1257 = arith.addf %get3A_1240, %div3A_1256 : vector<16xf32>
    %div3A_1258 = arith.constant 2.000000e+00 : f32
    %div3A_1259 = vector.broadcast %div3A_1258 : f32 to vector<16xf32>
    %div3A_1260 = arith.divf %get3A_1249, %div3A_1259 : vector<16xf32>
    %sub3A_1261 = arith.subf %get3A_1243, %div3A_1260 : vector<16xf32>
    %div3A_1262 = arith.constant 2.000000e+00 : f32
    %div3A_1263 = vector.broadcast %div3A_1262 : f32 to vector<16xf32>
    %div3A_1264 = arith.divf %get3A_1249, %div3A_1263 : vector<16xf32>
    %add3A_1265 = arith.addf %get3A_1243, %div3A_1264 : vector<16xf32>
    %add3A_1266 = arith.addf %sub3A_1253, %add3A_1257 : vector<16xf32>
    %div3A_1267 = arith.constant 2.000000e+00 : f32
    %div3A_1268 = vector.broadcast %div3A_1267 : f32 to vector<16xf32>
    %div3A_1269 = arith.divf %add3A_1266, %div3A_1268 : vector<16xf32>
    %add3A_1270 = arith.addf %sub3A_1261, %add3A_1265 : vector<16xf32>
    %div3A_1271 = arith.constant 2.000000e+00 : f32
    %div3A_1272 = vector.broadcast %div3A_1271 : f32 to vector<16xf32>
    %div3A_1273 = arith.divf %add3A_1270, %div3A_1272 : vector<16xf32>
    %broadcast_in_dim3A_1274 = arith.constant 1 : i32
    %broadcast_in_dim3A_1275 = vector.broadcast %broadcast_in_dim3A_1274 : i32 to vector<16xi32>
    %broadcast_in_dim3A_1276 = arith.constant 0 : i32
    %broadcast_in_dim3A_1277 = vector.broadcast %broadcast_in_dim3A_1276 : i32 to vector<16xi32>
    %gt3A_1278 = arith.cmpf ogt, %get3A_7, %div3A_1273 : vector<16xf32>
    %select_n3A_1279 = arith.select %gt3A_1278, %broadcast_in_dim3A_1275, %broadcast_in_dim3A_1277 : vector<16xi1>, vector<16xi32>
    %gt3A_1280 = arith.cmpf ogt, %get3A_13, %div3A_1273 : vector<16xf32>
    %select_n3A_1281 = arith.select %gt3A_1280, %broadcast_in_dim3A_1275, %broadcast_in_dim3A_1277 : vector<16xi1>, vector<16xi32>
    %sub3A_1282 = arith.subf %get3A_10, %get3A_4 : vector<16xf32>
    %sub3A_1283 = arith.subf %div3A_1273, %get3A_7 : vector<16xf32>
    %mul3A_1284 = arith.mulf %sub3A_1282, %sub3A_1283 : vector<16xf32>
    %sub3A_1285 = arith.subf %get3A_13, %get3A_7 : vector<16xf32>
    %div3A_1286 = arith.divf %mul3A_1284, %sub3A_1285 : vector<16xf32>
    %add3A_1287 = arith.addf %div3A_1286, %get3A_4 : vector<16xf32>
    %gt3A_1288 = arith.cmpf ogt, %add3A_1287, %div3A_1269 : vector<16xf32>
    %select_n3A_1289 = arith.select %gt3A_1288, %broadcast_in_dim3A_1275, %broadcast_in_dim3A_1277 : vector<16xi1>, vector<16xi32>
    %xor3A_1290 = arith.xori %select_n3A_1279, %select_n3A_1281 : vector<16xi32>
    %and3A_1291 = arith.andi %xor3A_1290, %select_n3A_1289 : vector<16xi32>
    %xor3A_1292 = arith.xori %broadcast_in_dim3A_1277, %and3A_1291 : vector<16xi32>
    %gt3A_1293 = arith.cmpf ogt, %get3A_19, %div3A_1273 : vector<16xf32>
    %select_n3A_1294 = arith.select %gt3A_1293, %broadcast_in_dim3A_1275, %broadcast_in_dim3A_1277 : vector<16xi1>, vector<16xi32>
    %gt3A_1295 = arith.cmpf ogt, %get3A_25, %div3A_1273 : vector<16xf32>
    %select_n3A_1296 = arith.select %gt3A_1295, %broadcast_in_dim3A_1275, %broadcast_in_dim3A_1277 : vector<16xi1>, vector<16xi32>
    %sub3A_1297 = arith.subf %get3A_22, %get3A_16 : vector<16xf32>
    %sub3A_1298 = arith.subf %div3A_1273, %get3A_19 : vector<16xf32>
    %mul3A_1299 = arith.mulf %sub3A_1297, %sub3A_1298 : vector<16xf32>
    %sub3A_1300 = arith.subf %get3A_25, %get3A_19 : vector<16xf32>
    %div3A_1301 = arith.divf %mul3A_1299, %sub3A_1300 : vector<16xf32>
    %add3A_1302 = arith.addf %div3A_1301, %get3A_16 : vector<16xf32>
    %gt3A_1303 = arith.cmpf ogt, %add3A_1302, %div3A_1269 : vector<16xf32>
    %select_n3A_1304 = arith.select %gt3A_1303, %broadcast_in_dim3A_1275, %broadcast_in_dim3A_1277 : vector<16xi1>, vector<16xi32>
    %xor3A_1305 = arith.xori %select_n3A_1294, %select_n3A_1296 : vector<16xi32>
    %and3A_1306 = arith.andi %xor3A_1305, %select_n3A_1304 : vector<16xi32>
    %xor3A_1307 = arith.xori %xor3A_1292, %and3A_1306 : vector<16xi32>
    %gt3A_1308 = arith.cmpf ogt, %get3A_31, %div3A_1273 : vector<16xf32>
    %select_n3A_1309 = arith.select %gt3A_1308, %broadcast_in_dim3A_1275, %broadcast_in_dim3A_1277 : vector<16xi1>, vector<16xi32>
    %gt3A_1310 = arith.cmpf ogt, %get3A_37, %div3A_1273 : vector<16xf32>
    %select_n3A_1311 = arith.select %gt3A_1310, %broadcast_in_dim3A_1275, %broadcast_in_dim3A_1277 : vector<16xi1>, vector<16xi32>
    %sub3A_1312 = arith.subf %get3A_34, %get3A_28 : vector<16xf32>
    %sub3A_1313 = arith.subf %div3A_1273, %get3A_31 : vector<16xf32>
    %mul3A_1314 = arith.mulf %sub3A_1312, %sub3A_1313 : vector<16xf32>
    %sub3A_1315 = arith.subf %get3A_37, %get3A_31 : vector<16xf32>
    %div3A_1316 = arith.divf %mul3A_1314, %sub3A_1315 : vector<16xf32>
    %add3A_1317 = arith.addf %div3A_1316, %get3A_28 : vector<16xf32>
    %gt3A_1318 = arith.cmpf ogt, %add3A_1317, %div3A_1269 : vector<16xf32>
    %select_n3A_1319 = arith.select %gt3A_1318, %broadcast_in_dim3A_1275, %broadcast_in_dim3A_1277 : vector<16xi1>, vector<16xi32>
    %xor3A_1320 = arith.xori %select_n3A_1309, %select_n3A_1311 : vector<16xi32>
    %and3A_1321 = arith.andi %xor3A_1320, %select_n3A_1319 : vector<16xi32>
    %xor3A_1322 = arith.xori %xor3A_1307, %and3A_1321 : vector<16xi32>
    %gt3A_1323 = arith.cmpf ogt, %get3A_43, %div3A_1273 : vector<16xf32>
    %select_n3A_1324 = arith.select %gt3A_1323, %broadcast_in_dim3A_1275, %broadcast_in_dim3A_1277 : vector<16xi1>, vector<16xi32>
    %gt3A_1325 = arith.cmpf ogt, %get3A_49, %div3A_1273 : vector<16xf32>
    %select_n3A_1326 = arith.select %gt3A_1325, %broadcast_in_dim3A_1275, %broadcast_in_dim3A_1277 : vector<16xi1>, vector<16xi32>
    %sub3A_1327 = arith.subf %get3A_46, %get3A_40 : vector<16xf32>
    %sub3A_1328 = arith.subf %div3A_1273, %get3A_43 : vector<16xf32>
    %mul3A_1329 = arith.mulf %sub3A_1327, %sub3A_1328 : vector<16xf32>
    %sub3A_1330 = arith.subf %get3A_49, %get3A_43 : vector<16xf32>
    %div3A_1331 = arith.divf %mul3A_1329, %sub3A_1330 : vector<16xf32>
    %add3A_1332 = arith.addf %div3A_1331, %get3A_40 : vector<16xf32>
    %gt3A_1333 = arith.cmpf ogt, %add3A_1332, %div3A_1269 : vector<16xf32>
    %select_n3A_1334 = arith.select %gt3A_1333, %broadcast_in_dim3A_1275, %broadcast_in_dim3A_1277 : vector<16xi1>, vector<16xi32>
    %xor3A_1335 = arith.xori %select_n3A_1324, %select_n3A_1326 : vector<16xi32>
    %and3A_1336 = arith.andi %xor3A_1335, %select_n3A_1334 : vector<16xi32>
    %xor3A_1337 = arith.xori %xor3A_1322, %and3A_1336 : vector<16xi32>
    %gt3A_1338 = arith.cmpf ogt, %get3A_55, %div3A_1273 : vector<16xf32>
    %select_n3A_1339 = arith.select %gt3A_1338, %broadcast_in_dim3A_1275, %broadcast_in_dim3A_1277 : vector<16xi1>, vector<16xi32>
    %gt3A_1340 = arith.cmpf ogt, %get3A_61, %div3A_1273 : vector<16xf32>
    %select_n3A_1341 = arith.select %gt3A_1340, %broadcast_in_dim3A_1275, %broadcast_in_dim3A_1277 : vector<16xi1>, vector<16xi32>
    %sub3A_1342 = arith.subf %get3A_58, %get3A_52 : vector<16xf32>
    %sub3A_1343 = arith.subf %div3A_1273, %get3A_55 : vector<16xf32>
    %mul3A_1344 = arith.mulf %sub3A_1342, %sub3A_1343 : vector<16xf32>
    %sub3A_1345 = arith.subf %get3A_61, %get3A_55 : vector<16xf32>
    %div3A_1346 = arith.divf %mul3A_1344, %sub3A_1345 : vector<16xf32>
    %add3A_1347 = arith.addf %div3A_1346, %get3A_52 : vector<16xf32>
    %gt3A_1348 = arith.cmpf ogt, %add3A_1347, %div3A_1269 : vector<16xf32>
    %select_n3A_1349 = arith.select %gt3A_1348, %broadcast_in_dim3A_1275, %broadcast_in_dim3A_1277 : vector<16xi1>, vector<16xi32>
    %xor3A_1350 = arith.xori %select_n3A_1339, %select_n3A_1341 : vector<16xi32>
    %and3A_1351 = arith.andi %xor3A_1350, %select_n3A_1349 : vector<16xi32>
    %xor3A_1352 = arith.xori %xor3A_1337, %and3A_1351 : vector<16xi32>
    %gt3A_1353 = arith.cmpf ogt, %get3A_67, %div3A_1273 : vector<16xf32>
    %select_n3A_1354 = arith.select %gt3A_1353, %broadcast_in_dim3A_1275, %broadcast_in_dim3A_1277 : vector<16xi1>, vector<16xi32>
    %gt3A_1355 = arith.cmpf ogt, %get3A_73, %div3A_1273 : vector<16xf32>
    %select_n3A_1356 = arith.select %gt3A_1355, %broadcast_in_dim3A_1275, %broadcast_in_dim3A_1277 : vector<16xi1>, vector<16xi32>
    %sub3A_1357 = arith.subf %get3A_70, %get3A_64 : vector<16xf32>
    %sub3A_1358 = arith.subf %div3A_1273, %get3A_67 : vector<16xf32>
    %mul3A_1359 = arith.mulf %sub3A_1357, %sub3A_1358 : vector<16xf32>
    %sub3A_1360 = arith.subf %get3A_73, %get3A_67 : vector<16xf32>
    %div3A_1361 = arith.divf %mul3A_1359, %sub3A_1360 : vector<16xf32>
    %add3A_1362 = arith.addf %div3A_1361, %get3A_64 : vector<16xf32>
    %gt3A_1363 = arith.cmpf ogt, %add3A_1362, %div3A_1269 : vector<16xf32>
    %select_n3A_1364 = arith.select %gt3A_1363, %broadcast_in_dim3A_1275, %broadcast_in_dim3A_1277 : vector<16xi1>, vector<16xi32>
    %xor3A_1365 = arith.xori %select_n3A_1354, %select_n3A_1356 : vector<16xi32>
    %and3A_1366 = arith.andi %xor3A_1365, %select_n3A_1364 : vector<16xi32>
    %xor3A_1367 = arith.xori %xor3A_1352, %and3A_1366 : vector<16xi32>
    %gt3A_1368 = arith.cmpf ogt, %get3A_79, %div3A_1273 : vector<16xf32>
    %select_n3A_1369 = arith.select %gt3A_1368, %broadcast_in_dim3A_1275, %broadcast_in_dim3A_1277 : vector<16xi1>, vector<16xi32>
    %gt3A_1370 = arith.cmpf ogt, %get3A_85, %div3A_1273 : vector<16xf32>
    %select_n3A_1371 = arith.select %gt3A_1370, %broadcast_in_dim3A_1275, %broadcast_in_dim3A_1277 : vector<16xi1>, vector<16xi32>
    %sub3A_1372 = arith.subf %get3A_82, %get3A_76 : vector<16xf32>
    %sub3A_1373 = arith.subf %div3A_1273, %get3A_79 : vector<16xf32>
    %mul3A_1374 = arith.mulf %sub3A_1372, %sub3A_1373 : vector<16xf32>
    %sub3A_1375 = arith.subf %get3A_85, %get3A_79 : vector<16xf32>
    %div3A_1376 = arith.divf %mul3A_1374, %sub3A_1375 : vector<16xf32>
    %add3A_1377 = arith.addf %div3A_1376, %get3A_76 : vector<16xf32>
    %gt3A_1378 = arith.cmpf ogt, %add3A_1377, %div3A_1269 : vector<16xf32>
    %select_n3A_1379 = arith.select %gt3A_1378, %broadcast_in_dim3A_1275, %broadcast_in_dim3A_1277 : vector<16xi1>, vector<16xi32>
    %xor3A_1380 = arith.xori %select_n3A_1369, %select_n3A_1371 : vector<16xi32>
    %and3A_1381 = arith.andi %xor3A_1380, %select_n3A_1379 : vector<16xi32>
    %xor3A_1382 = arith.xori %xor3A_1367, %and3A_1381 : vector<16xi32>
    %gt3A_1383 = arith.cmpf ogt, %get3A_91, %div3A_1273 : vector<16xf32>
    %select_n3A_1384 = arith.select %gt3A_1383, %broadcast_in_dim3A_1275, %broadcast_in_dim3A_1277 : vector<16xi1>, vector<16xi32>
    %gt3A_1385 = arith.cmpf ogt, %get3A_97, %div3A_1273 : vector<16xf32>
    %select_n3A_1386 = arith.select %gt3A_1385, %broadcast_in_dim3A_1275, %broadcast_in_dim3A_1277 : vector<16xi1>, vector<16xi32>
    %sub3A_1387 = arith.subf %get3A_94, %get3A_88 : vector<16xf32>
    %sub3A_1388 = arith.subf %div3A_1273, %get3A_91 : vector<16xf32>
    %mul3A_1389 = arith.mulf %sub3A_1387, %sub3A_1388 : vector<16xf32>
    %sub3A_1390 = arith.subf %get3A_97, %get3A_91 : vector<16xf32>
    %div3A_1391 = arith.divf %mul3A_1389, %sub3A_1390 : vector<16xf32>
    %add3A_1392 = arith.addf %div3A_1391, %get3A_88 : vector<16xf32>
    %gt3A_1393 = arith.cmpf ogt, %add3A_1392, %div3A_1269 : vector<16xf32>
    %select_n3A_1394 = arith.select %gt3A_1393, %broadcast_in_dim3A_1275, %broadcast_in_dim3A_1277 : vector<16xi1>, vector<16xi32>
    %xor3A_1395 = arith.xori %select_n3A_1384, %select_n3A_1386 : vector<16xi32>
    %and3A_1396 = arith.andi %xor3A_1395, %select_n3A_1394 : vector<16xi32>
    %xor3A_1397 = arith.xori %xor3A_1382, %and3A_1396 : vector<16xi32>
    %swap3A_1398 = arith.constant 112 : index
    %swap3A_1399 = tpu.vector_load %arg13[%swap3A_1398] {strides = array<i32>} : memref<160xi32, #tpu.memory_space<vmem>>, vector<16xi32>,
    %swap3A_1400 = vector.shape_cast %swap3A_1399 : vector<16xi32> to vector<16xi32>
    %swap3A_1401 = vector.shape_cast %xor3A_1397 : vector<16xi32> to vector<16xi32>
    tpu.vector_store %arg13[%swap3A_1398], %swap3A_1401 {strides = array<i32>} : memref<160xi32, #tpu.memory_space<vmem>>, vector<16xi32>,
    %get3A_1402 = arith.constant 128 : index
    %get3A_1403 = tpu.vector_load %arg8[%get3A_1402] {strides = array<i32>} : memref<160xf32, #tpu.memory_space<vmem>>, vector<16xf32>,
    %get3A_1404 = vector.shape_cast %get3A_1403 : vector<16xf32> to vector<16xf32>
    %get3A_1405 = arith.constant 128 : index
    %get3A_1406 = tpu.vector_load %arg9[%get3A_1405] {strides = array<i32>} : memref<160xf32, #tpu.memory_space<vmem>>, vector<16xf32>,
    %get3A_1407 = vector.shape_cast %get3A_1406 : vector<16xf32> to vector<16xf32>
    %get3A_1408 = arith.constant 128 : index
    %get3A_1409 = tpu.vector_load %arg10[%get3A_1408] {strides = array<i32>} : memref<160xf32, #tpu.memory_space<vmem>>, vector<16xf32>,
    %get3A_1410 = vector.shape_cast %get3A_1409 : vector<16xf32> to vector<16xf32>
    %get3A_1411 = arith.constant 128 : index
    %get3A_1412 = tpu.vector_load %arg11[%get3A_1411] {strides = array<i32>} : memref<160xf32, #tpu.memory_space<vmem>>, vector<16xf32>,
    %get3A_1413 = vector.shape_cast %get3A_1412 : vector<16xf32> to vector<16xf32>
    %div3A_1414 = arith.constant 2.000000e+00 : f32
    %div3A_1415 = vector.broadcast %div3A_1414 : f32 to vector<16xf32>
    %div3A_1416 = arith.divf %get3A_1410, %div3A_1415 : vector<16xf32>
    %sub3A_1417 = arith.subf %get3A_1404, %div3A_1416 : vector<16xf32>
    %div3A_1418 = arith.constant 2.000000e+00 : f32
    %div3A_1419 = vector.broadcast %div3A_1418 : f32 to vector<16xf32>
    %div3A_1420 = arith.divf %get3A_1410, %div3A_1419 : vector<16xf32>
    %add3A_1421 = arith.addf %get3A_1404, %div3A_1420 : vector<16xf32>
    %div3A_1422 = arith.constant 2.000000e+00 : f32
    %div3A_1423 = vector.broadcast %div3A_1422 : f32 to vector<16xf32>
    %div3A_1424 = arith.divf %get3A_1413, %div3A_1423 : vector<16xf32>
    %sub3A_1425 = arith.subf %get3A_1407, %div3A_1424 : vector<16xf32>
    %div3A_1426 = arith.constant 2.000000e+00 : f32
    %div3A_1427 = vector.broadcast %div3A_1426 : f32 to vector<16xf32>
    %div3A_1428 = arith.divf %get3A_1413, %div3A_1427 : vector<16xf32>
    %add3A_1429 = arith.addf %get3A_1407, %div3A_1428 : vector<16xf32>
    %add3A_1430 = arith.addf %sub3A_1417, %add3A_1421 : vector<16xf32>
    %div3A_1431 = arith.constant 2.000000e+00 : f32
    %div3A_1432 = vector.broadcast %div3A_1431 : f32 to vector<16xf32>
    %div3A_1433 = arith.divf %add3A_1430, %div3A_1432 : vector<16xf32>
    %add3A_1434 = arith.addf %sub3A_1425, %add3A_1429 : vector<16xf32>
    %div3A_1435 = arith.constant 2.000000e+00 : f32
    %div3A_1436 = vector.broadcast %div3A_1435 : f32 to vector<16xf32>
    %div3A_1437 = arith.divf %add3A_1434, %div3A_1436 : vector<16xf32>
    %broadcast_in_dim3A_1438 = arith.constant 1 : i32
    %broadcast_in_dim3A_1439 = vector.broadcast %broadcast_in_dim3A_1438 : i32 to vector<16xi32>
    %broadcast_in_dim3A_1440 = arith.constant 0 : i32
    %broadcast_in_dim3A_1441 = vector.broadcast %broadcast_in_dim3A_1440 : i32 to vector<16xi32>
    %gt3A_1442 = arith.cmpf ogt, %get3A_7, %div3A_1437 : vector<16xf32>
    %select_n3A_1443 = arith.select %gt3A_1442, %broadcast_in_dim3A_1439, %broadcast_in_dim3A_1441 : vector<16xi1>, vector<16xi32>
    %gt3A_1444 = arith.cmpf ogt, %get3A_13, %div3A_1437 : vector<16xf32>
    %select_n3A_1445 = arith.select %gt3A_1444, %broadcast_in_dim3A_1439, %broadcast_in_dim3A_1441 : vector<16xi1>, vector<16xi32>
    %sub3A_1446 = arith.subf %get3A_10, %get3A_4 : vector<16xf32>
    %sub3A_1447 = arith.subf %div3A_1437, %get3A_7 : vector<16xf32>
    %mul3A_1448 = arith.mulf %sub3A_1446, %sub3A_1447 : vector<16xf32>
    %sub3A_1449 = arith.subf %get3A_13, %get3A_7 : vector<16xf32>
    %div3A_1450 = arith.divf %mul3A_1448, %sub3A_1449 : vector<16xf32>
    %add3A_1451 = arith.addf %div3A_1450, %get3A_4 : vector<16xf32>
    %gt3A_1452 = arith.cmpf ogt, %add3A_1451, %div3A_1433 : vector<16xf32>
    %select_n3A_1453 = arith.select %gt3A_1452, %broadcast_in_dim3A_1439, %broadcast_in_dim3A_1441 : vector<16xi1>, vector<16xi32>
    %xor3A_1454 = arith.xori %select_n3A_1443, %select_n3A_1445 : vector<16xi32>
    %and3A_1455 = arith.andi %xor3A_1454, %select_n3A_1453 : vector<16xi32>
    %xor3A_1456 = arith.xori %broadcast_in_dim3A_1441, %and3A_1455 : vector<16xi32>
    %gt3A_1457 = arith.cmpf ogt, %get3A_19, %div3A_1437 : vector<16xf32>
    %select_n3A_1458 = arith.select %gt3A_1457, %broadcast_in_dim3A_1439, %broadcast_in_dim3A_1441 : vector<16xi1>, vector<16xi32>
    %gt3A_1459 = arith.cmpf ogt, %get3A_25, %div3A_1437 : vector<16xf32>
    %select_n3A_1460 = arith.select %gt3A_1459, %broadcast_in_dim3A_1439, %broadcast_in_dim3A_1441 : vector<16xi1>, vector<16xi32>
    %sub3A_1461 = arith.subf %get3A_22, %get3A_16 : vector<16xf32>
    %sub3A_1462 = arith.subf %div3A_1437, %get3A_19 : vector<16xf32>
    %mul3A_1463 = arith.mulf %sub3A_1461, %sub3A_1462 : vector<16xf32>
    %sub3A_1464 = arith.subf %get3A_25, %get3A_19 : vector<16xf32>
    %div3A_1465 = arith.divf %mul3A_1463, %sub3A_1464 : vector<16xf32>
    %add3A_1466 = arith.addf %div3A_1465, %get3A_16 : vector<16xf32>
    %gt3A_1467 = arith.cmpf ogt, %add3A_1466, %div3A_1433 : vector<16xf32>
    %select_n3A_1468 = arith.select %gt3A_1467, %broadcast_in_dim3A_1439, %broadcast_in_dim3A_1441 : vector<16xi1>, vector<16xi32>
    %xor3A_1469 = arith.xori %select_n3A_1458, %select_n3A_1460 : vector<16xi32>
    %and3A_1470 = arith.andi %xor3A_1469, %select_n3A_1468 : vector<16xi32>
    %xor3A_1471 = arith.xori %xor3A_1456, %and3A_1470 : vector<16xi32>
    %gt3A_1472 = arith.cmpf ogt, %get3A_31, %div3A_1437 : vector<16xf32>
    %select_n3A_1473 = arith.select %gt3A_1472, %broadcast_in_dim3A_1439, %broadcast_in_dim3A_1441 : vector<16xi1>, vector<16xi32>
    %gt3A_1474 = arith.cmpf ogt, %get3A_37, %div3A_1437 : vector<16xf32>
    %select_n3A_1475 = arith.select %gt3A_1474, %broadcast_in_dim3A_1439, %broadcast_in_dim3A_1441 : vector<16xi1>, vector<16xi32>
    %sub3A_1476 = arith.subf %get3A_34, %get3A_28 : vector<16xf32>
    %sub3A_1477 = arith.subf %div3A_1437, %get3A_31 : vector<16xf32>
    %mul3A_1478 = arith.mulf %sub3A_1476, %sub3A_1477 : vector<16xf32>
    %sub3A_1479 = arith.subf %get3A_37, %get3A_31 : vector<16xf32>
    %div3A_1480 = arith.divf %mul3A_1478, %sub3A_1479 : vector<16xf32>
    %add3A_1481 = arith.addf %div3A_1480, %get3A_28 : vector<16xf32>
    %gt3A_1482 = arith.cmpf ogt, %add3A_1481, %div3A_1433 : vector<16xf32>
    %select_n3A_1483 = arith.select %gt3A_1482, %broadcast_in_dim3A_1439, %broadcast_in_dim3A_1441 : vector<16xi1>, vector<16xi32>
    %xor3A_1484 = arith.xori %select_n3A_1473, %select_n3A_1475 : vector<16xi32>
    %and3A_1485 = arith.andi %xor3A_1484, %select_n3A_1483 : vector<16xi32>
    %xor3A_1486 = arith.xori %xor3A_1471, %and3A_1485 : vector<16xi32>
    %gt3A_1487 = arith.cmpf ogt, %get3A_43, %div3A_1437 : vector<16xf32>
    %select_n3A_1488 = arith.select %gt3A_1487, %broadcast_in_dim3A_1439, %broadcast_in_dim3A_1441 : vector<16xi1>, vector<16xi32>
    %gt3A_1489 = arith.cmpf ogt, %get3A_49, %div3A_1437 : vector<16xf32>
    %select_n3A_1490 = arith.select %gt3A_1489, %broadcast_in_dim3A_1439, %broadcast_in_dim3A_1441 : vector<16xi1>, vector<16xi32>
    %sub3A_1491 = arith.subf %get3A_46, %get3A_40 : vector<16xf32>
    %sub3A_1492 = arith.subf %div3A_1437, %get3A_43 : vector<16xf32>
    %mul3A_1493 = arith.mulf %sub3A_1491, %sub3A_1492 : vector<16xf32>
    %sub3A_1494 = arith.subf %get3A_49, %get3A_43 : vector<16xf32>
    %div3A_1495 = arith.divf %mul3A_1493, %sub3A_1494 : vector<16xf32>
    %add3A_1496 = arith.addf %div3A_1495, %get3A_40 : vector<16xf32>
    %gt3A_1497 = arith.cmpf ogt, %add3A_1496, %div3A_1433 : vector<16xf32>
    %select_n3A_1498 = arith.select %gt3A_1497, %broadcast_in_dim3A_1439, %broadcast_in_dim3A_1441 : vector<16xi1>, vector<16xi32>
    %xor3A_1499 = arith.xori %select_n3A_1488, %select_n3A_1490 : vector<16xi32>
    %and3A_1500 = arith.andi %xor3A_1499, %select_n3A_1498 : vector<16xi32>
    %xor3A_1501 = arith.xori %xor3A_1486, %and3A_1500 : vector<16xi32>
    %gt3A_1502 = arith.cmpf ogt, %get3A_55, %div3A_1437 : vector<16xf32>
    %select_n3A_1503 = arith.select %gt3A_1502, %broadcast_in_dim3A_1439, %broadcast_in_dim3A_1441 : vector<16xi1>, vector<16xi32>
    %gt3A_1504 = arith.cmpf ogt, %get3A_61, %div3A_1437 : vector<16xf32>
    %select_n3A_1505 = arith.select %gt3A_1504, %broadcast_in_dim3A_1439, %broadcast_in_dim3A_1441 : vector<16xi1>, vector<16xi32>
    %sub3A_1506 = arith.subf %get3A_58, %get3A_52 : vector<16xf32>
    %sub3A_1507 = arith.subf %div3A_1437, %get3A_55 : vector<16xf32>
    %mul3A_1508 = arith.mulf %sub3A_1506, %sub3A_1507 : vector<16xf32>
    %sub3A_1509 = arith.subf %get3A_61, %get3A_55 : vector<16xf32>
    %div3A_1510 = arith.divf %mul3A_1508, %sub3A_1509 : vector<16xf32>
    %add3A_1511 = arith.addf %div3A_1510, %get3A_52 : vector<16xf32>
    %gt3A_1512 = arith.cmpf ogt, %add3A_1511, %div3A_1433 : vector<16xf32>
    %select_n3A_1513 = arith.select %gt3A_1512, %broadcast_in_dim3A_1439, %broadcast_in_dim3A_1441 : vector<16xi1>, vector<16xi32>
    %xor3A_1514 = arith.xori %select_n3A_1503, %select_n3A_1505 : vector<16xi32>
    %and3A_1515 = arith.andi %xor3A_1514, %select_n3A_1513 : vector<16xi32>
    %xor3A_1516 = arith.xori %xor3A_1501, %and3A_1515 : vector<16xi32>
    %gt3A_1517 = arith.cmpf ogt, %get3A_67, %div3A_1437 : vector<16xf32>
    %select_n3A_1518 = arith.select %gt3A_1517, %broadcast_in_dim3A_1439, %broadcast_in_dim3A_1441 : vector<16xi1>, vector<16xi32>
    %gt3A_1519 = arith.cmpf ogt, %get3A_73, %div3A_1437 : vector<16xf32>
    %select_n3A_1520 = arith.select %gt3A_1519, %broadcast_in_dim3A_1439, %broadcast_in_dim3A_1441 : vector<16xi1>, vector<16xi32>
    %sub3A_1521 = arith.subf %get3A_70, %get3A_64 : vector<16xf32>
    %sub3A_1522 = arith.subf %div3A_1437, %get3A_67 : vector<16xf32>
    %mul3A_1523 = arith.mulf %sub3A_1521, %sub3A_1522 : vector<16xf32>
    %sub3A_1524 = arith.subf %get3A_73, %get3A_67 : vector<16xf32>
    %div3A_1525 = arith.divf %mul3A_1523, %sub3A_1524 : vector<16xf32>
    %add3A_1526 = arith.addf %div3A_1525, %get3A_64 : vector<16xf32>
    %gt3A_1527 = arith.cmpf ogt, %add3A_1526, %div3A_1433 : vector<16xf32>
    %select_n3A_1528 = arith.select %gt3A_1527, %broadcast_in_dim3A_1439, %broadcast_in_dim3A_1441 : vector<16xi1>, vector<16xi32>
    %xor3A_1529 = arith.xori %select_n3A_1518, %select_n3A_1520 : vector<16xi32>
    %and3A_1530 = arith.andi %xor3A_1529, %select_n3A_1528 : vector<16xi32>
    %xor3A_1531 = arith.xori %xor3A_1516, %and3A_1530 : vector<16xi32>
    %gt3A_1532 = arith.cmpf ogt, %get3A_79, %div3A_1437 : vector<16xf32>
    %select_n3A_1533 = arith.select %gt3A_1532, %broadcast_in_dim3A_1439, %broadcast_in_dim3A_1441 : vector<16xi1>, vector<16xi32>
    %gt3A_1534 = arith.cmpf ogt, %get3A_85, %div3A_1437 : vector<16xf32>
    %select_n3A_1535 = arith.select %gt3A_1534, %broadcast_in_dim3A_1439, %broadcast_in_dim3A_1441 : vector<16xi1>, vector<16xi32>
    %sub3A_1536 = arith.subf %get3A_82, %get3A_76 : vector<16xf32>
    %sub3A_1537 = arith.subf %div3A_1437, %get3A_79 : vector<16xf32>
    %mul3A_1538 = arith.mulf %sub3A_1536, %sub3A_1537 : vector<16xf32>
    %sub3A_1539 = arith.subf %get3A_85, %get3A_79 : vector<16xf32>
    %div3A_1540 = arith.divf %mul3A_1538, %sub3A_1539 : vector<16xf32>
    %add3A_1541 = arith.addf %div3A_1540, %get3A_76 : vector<16xf32>
    %gt3A_1542 = arith.cmpf ogt, %add3A_1541, %div3A_1433 : vector<16xf32>
    %select_n3A_1543 = arith.select %gt3A_1542, %broadcast_in_dim3A_1439, %broadcast_in_dim3A_1441 : vector<16xi1>, vector<16xi32>
    %xor3A_1544 = arith.xori %select_n3A_1533, %select_n3A_1535 : vector<16xi32>
    %and3A_1545 = arith.andi %xor3A_1544, %select_n3A_1543 : vector<16xi32>
    %xor3A_1546 = arith.xori %xor3A_1531, %and3A_1545 : vector<16xi32>
    %gt3A_1547 = arith.cmpf ogt, %get3A_91, %div3A_1437 : vector<16xf32>
    %select_n3A_1548 = arith.select %gt3A_1547, %broadcast_in_dim3A_1439, %broadcast_in_dim3A_1441 : vector<16xi1>, vector<16xi32>
    %gt3A_1549 = arith.cmpf ogt, %get3A_97, %div3A_1437 : vector<16xf32>
    %select_n3A_1550 = arith.select %gt3A_1549, %broadcast_in_dim3A_1439, %broadcast_in_dim3A_1441 : vector<16xi1>, vector<16xi32>
    %sub3A_1551 = arith.subf %get3A_94, %get3A_88 : vector<16xf32>
    %sub3A_1552 = arith.subf %div3A_1437, %get3A_91 : vector<16xf32>
    %mul3A_1553 = arith.mulf %sub3A_1551, %sub3A_1552 : vector<16xf32>
    %sub3A_1554 = arith.subf %get3A_97, %get3A_91 : vector<16xf32>
    %div3A_1555 = arith.divf %mul3A_1553, %sub3A_1554 : vector<16xf32>
    %add3A_1556 = arith.addf %div3A_1555, %get3A_88 : vector<16xf32>
    %gt3A_1557 = arith.cmpf ogt, %add3A_1556, %div3A_1433 : vector<16xf32>
    %select_n3A_1558 = arith.select %gt3A_1557, %broadcast_in_dim3A_1439, %broadcast_in_dim3A_1441 : vector<16xi1>, vector<16xi32>
    %xor3A_1559 = arith.xori %select_n3A_1548, %select_n3A_1550 : vector<16xi32>
    %and3A_1560 = arith.andi %xor3A_1559, %select_n3A_1558 : vector<16xi32>
    %xor3A_1561 = arith.xori %xor3A_1546, %and3A_1560 : vector<16xi32>
    %swap3A_1562 = arith.constant 128 : index
    %swap3A_1563 = tpu.vector_load %arg13[%swap3A_1562] {strides = array<i32>} : memref<160xi32, #tpu.memory_space<vmem>>, vector<16xi32>,
    %swap3A_1564 = vector.shape_cast %swap3A_1563 : vector<16xi32> to vector<16xi32>
    %swap3A_1565 = vector.shape_cast %xor3A_1561 : vector<16xi32> to vector<16xi32>
    tpu.vector_store %arg13[%swap3A_1562], %swap3A_1565 {strides = array<i32>} : memref<160xi32, #tpu.memory_space<vmem>>, vector<16xi32>,
    %get3A_1566 = arith.constant 144 : index
    %get3A_1567 = tpu.vector_load %arg8[%get3A_1566] {strides = array<i32>} : memref<160xf32, #tpu.memory_space<vmem>>, vector<16xf32>,
    %get3A_1568 = vector.shape_cast %get3A_1567 : vector<16xf32> to vector<16xf32>
    %get3A_1569 = arith.constant 144 : index
    %get3A_1570 = tpu.vector_load %arg9[%get3A_1569] {strides = array<i32>} : memref<160xf32, #tpu.memory_space<vmem>>, vector<16xf32>,
    %get3A_1571 = vector.shape_cast %get3A_1570 : vector<16xf32> to vector<16xf32>
    %get3A_1572 = arith.constant 144 : index
    %get3A_1573 = tpu.vector_load %arg10[%get3A_1572] {strides = array<i32>} : memref<160xf32, #tpu.memory_space<vmem>>, vector<16xf32>,
    %get3A_1574 = vector.shape_cast %get3A_1573 : vector<16xf32> to vector<16xf32>
    %get3A_1575 = arith.constant 144 : index
    %get3A_1576 = tpu.vector_load %arg11[%get3A_1575] {strides = array<i32>} : memref<160xf32, #tpu.memory_space<vmem>>, vector<16xf32>,
    %get3A_1577 = vector.shape_cast %get3A_1576 : vector<16xf32> to vector<16xf32>
    %div3A_1578 = arith.constant 2.000000e+00 : f32
    %div3A_1579 = vector.broadcast %div3A_1578 : f32 to vector<16xf32>
    %div3A_1580 = arith.divf %get3A_1574, %div3A_1579 : vector<16xf32>
    %sub3A_1581 = arith.subf %get3A_1568, %div3A_1580 : vector<16xf32>
    %div3A_1582 = arith.constant 2.000000e+00 : f32
    %div3A_1583 = vector.broadcast %div3A_1582 : f32 to vector<16xf32>
    %div3A_1584 = arith.divf %get3A_1574, %div3A_1583 : vector<16xf32>
    %add3A_1585 = arith.addf %get3A_1568, %div3A_1584 : vector<16xf32>
    %div3A_1586 = arith.constant 2.000000e+00 : f32
    %div3A_1587 = vector.broadcast %div3A_1586 : f32 to vector<16xf32>
    %div3A_1588 = arith.divf %get3A_1577, %div3A_1587 : vector<16xf32>
    %sub3A_1589 = arith.subf %get3A_1571, %div3A_1588 : vector<16xf32>
    %div3A_1590 = arith.constant 2.000000e+00 : f32
    %div3A_1591 = vector.broadcast %div3A_1590 : f32 to vector<16xf32>
    %div3A_1592 = arith.divf %get3A_1577, %div3A_1591 : vector<16xf32>
    %add3A_1593 = arith.addf %get3A_1571, %div3A_1592 : vector<16xf32>
    %add3A_1594 = arith.addf %sub3A_1581, %add3A_1585 : vector<16xf32>
    %div3A_1595 = arith.constant 2.000000e+00 : f32
    %div3A_1596 = vector.broadcast %div3A_1595 : f32 to vector<16xf32>
    %div3A_1597 = arith.divf %add3A_1594, %div3A_1596 : vector<16xf32>
    %add3A_1598 = arith.addf %sub3A_1589, %add3A_1593 : vector<16xf32>
    %div3A_1599 = arith.constant 2.000000e+00 : f32
    %div3A_1600 = vector.broadcast %div3A_1599 : f32 to vector<16xf32>
    %div3A_1601 = arith.divf %add3A_1598, %div3A_1600 : vector<16xf32>
    %broadcast_in_dim3A_1602 = arith.constant 1 : i32
    %broadcast_in_dim3A_1603 = vector.broadcast %broadcast_in_dim3A_1602 : i32 to vector<16xi32>
    %broadcast_in_dim3A_1604 = arith.constant 0 : i32
    %broadcast_in_dim3A_1605 = vector.broadcast %broadcast_in_dim3A_1604 : i32 to vector<16xi32>
    %gt3A_1606 = arith.cmpf ogt, %get3A_7, %div3A_1601 : vector<16xf32>
    %select_n3A_1607 = arith.select %gt3A_1606, %broadcast_in_dim3A_1603, %broadcast_in_dim3A_1605 : vector<16xi1>, vector<16xi32>
    %gt3A_1608 = arith.cmpf ogt, %get3A_13, %div3A_1601 : vector<16xf32>
    %select_n3A_1609 = arith.select %gt3A_1608, %broadcast_in_dim3A_1603, %broadcast_in_dim3A_1605 : vector<16xi1>, vector<16xi32>
    %sub3A_1610 = arith.subf %get3A_10, %get3A_4 : vector<16xf32>
    %sub3A_1611 = arith.subf %div3A_1601, %get3A_7 : vector<16xf32>
    %mul3A_1612 = arith.mulf %sub3A_1610, %sub3A_1611 : vector<16xf32>
    %sub3A_1613 = arith.subf %get3A_13, %get3A_7 : vector<16xf32>
    %div3A_1614 = arith.divf %mul3A_1612, %sub3A_1613 : vector<16xf32>
    %add3A_1615 = arith.addf %div3A_1614, %get3A_4 : vector<16xf32>
    %gt3A_1616 = arith.cmpf ogt, %add3A_1615, %div3A_1597 : vector<16xf32>
    %select_n3A_1617 = arith.select %gt3A_1616, %broadcast_in_dim3A_1603, %broadcast_in_dim3A_1605 : vector<16xi1>, vector<16xi32>
    %xor3A_1618 = arith.xori %select_n3A_1607, %select_n3A_1609 : vector<16xi32>
    %and3A_1619 = arith.andi %xor3A_1618, %select_n3A_1617 : vector<16xi32>
    %xor3A_1620 = arith.xori %broadcast_in_dim3A_1605, %and3A_1619 : vector<16xi32>
    %gt3A_1621 = arith.cmpf ogt, %get3A_19, %div3A_1601 : vector<16xf32>
    %select_n3A_1622 = arith.select %gt3A_1621, %broadcast_in_dim3A_1603, %broadcast_in_dim3A_1605 : vector<16xi1>, vector<16xi32>
    %gt3A_1623 = arith.cmpf ogt, %get3A_25, %div3A_1601 : vector<16xf32>
    %select_n3A_1624 = arith.select %gt3A_1623, %broadcast_in_dim3A_1603, %broadcast_in_dim3A_1605 : vector<16xi1>, vector<16xi32>
    %sub3A_1625 = arith.subf %get3A_22, %get3A_16 : vector<16xf32>
    %sub3A_1626 = arith.subf %div3A_1601, %get3A_19 : vector<16xf32>
    %mul3A_1627 = arith.mulf %sub3A_1625, %sub3A_1626 : vector<16xf32>
    %sub3A_1628 = arith.subf %get3A_25, %get3A_19 : vector<16xf32>
    %div3A_1629 = arith.divf %mul3A_1627, %sub3A_1628 : vector<16xf32>
    %add3A_1630 = arith.addf %div3A_1629, %get3A_16 : vector<16xf32>
    %gt3A_1631 = arith.cmpf ogt, %add3A_1630, %div3A_1597 : vector<16xf32>
    %select_n3A_1632 = arith.select %gt3A_1631, %broadcast_in_dim3A_1603, %broadcast_in_dim3A_1605 : vector<16xi1>, vector<16xi32>
    %xor3A_1633 = arith.xori %select_n3A_1622, %select_n3A_1624 : vector<16xi32>
    %and3A_1634 = arith.andi %xor3A_1633, %select_n3A_1632 : vector<16xi32>
    %xor3A_1635 = arith.xori %xor3A_1620, %and3A_1634 : vector<16xi32>
    %gt3A_1636 = arith.cmpf ogt, %get3A_31, %div3A_1601 : vector<16xf32>
    %select_n3A_1637 = arith.select %gt3A_1636, %broadcast_in_dim3A_1603, %broadcast_in_dim3A_1605 : vector<16xi1>, vector<16xi32>
    %gt3A_1638 = arith.cmpf ogt, %get3A_37, %div3A_1601 : vector<16xf32>
    %select_n3A_1639 = arith.select %gt3A_1638, %broadcast_in_dim3A_1603, %broadcast_in_dim3A_1605 : vector<16xi1>, vector<16xi32>
    %sub3A_1640 = arith.subf %get3A_34, %get3A_28 : vector<16xf32>
    %sub3A_1641 = arith.subf %div3A_1601, %get3A_31 : vector<16xf32>
    %mul3A_1642 = arith.mulf %sub3A_1640, %sub3A_1641 : vector<16xf32>
    %sub3A_1643 = arith.subf %get3A_37, %get3A_31 : vector<16xf32>
    %div3A_1644 = arith.divf %mul3A_1642, %sub3A_1643 : vector<16xf32>
    %add3A_1645 = arith.addf %div3A_1644, %get3A_28 : vector<16xf32>
    %gt3A_1646 = arith.cmpf ogt, %add3A_1645, %div3A_1597 : vector<16xf32>
    %select_n3A_1647 = arith.select %gt3A_1646, %broadcast_in_dim3A_1603, %broadcast_in_dim3A_1605 : vector<16xi1>, vector<16xi32>
    %xor3A_1648 = arith.xori %select_n3A_1637, %select_n3A_1639 : vector<16xi32>
    %and3A_1649 = arith.andi %xor3A_1648, %select_n3A_1647 : vector<16xi32>
    %xor3A_1650 = arith.xori %xor3A_1635, %and3A_1649 : vector<16xi32>
    %gt3A_1651 = arith.cmpf ogt, %get3A_43, %div3A_1601 : vector<16xf32>
    %select_n3A_1652 = arith.select %gt3A_1651, %broadcast_in_dim3A_1603, %broadcast_in_dim3A_1605 : vector<16xi1>, vector<16xi32>
    %gt3A_1653 = arith.cmpf ogt, %get3A_49, %div3A_1601 : vector<16xf32>
    %select_n3A_1654 = arith.select %gt3A_1653, %broadcast_in_dim3A_1603, %broadcast_in_dim3A_1605 : vector<16xi1>, vector<16xi32>
    %sub3A_1655 = arith.subf %get3A_46, %get3A_40 : vector<16xf32>
    %sub3A_1656 = arith.subf %div3A_1601, %get3A_43 : vector<16xf32>
    %mul3A_1657 = arith.mulf %sub3A_1655, %sub3A_1656 : vector<16xf32>
    %sub3A_1658 = arith.subf %get3A_49, %get3A_43 : vector<16xf32>
    %div3A_1659 = arith.divf %mul3A_1657, %sub3A_1658 : vector<16xf32>
    %add3A_1660 = arith.addf %div3A_1659, %get3A_40 : vector<16xf32>
    %gt3A_1661 = arith.cmpf ogt, %add3A_1660, %div3A_1597 : vector<16xf32>
    %select_n3A_1662 = arith.select %gt3A_1661, %broadcast_in_dim3A_1603, %broadcast_in_dim3A_1605 : vector<16xi1>, vector<16xi32>
    %xor3A_1663 = arith.xori %select_n3A_1652, %select_n3A_1654 : vector<16xi32>
    %and3A_1664 = arith.andi %xor3A_1663, %select_n3A_1662 : vector<16xi32>
    %xor3A_1665 = arith.xori %xor3A_1650, %and3A_1664 : vector<16xi32>
    %gt3A_1666 = arith.cmpf ogt, %get3A_55, %div3A_1601 : vector<16xf32>
    %select_n3A_1667 = arith.select %gt3A_1666, %broadcast_in_dim3A_1603, %broadcast_in_dim3A_1605 : vector<16xi1>, vector<16xi32>
    %gt3A_1668 = arith.cmpf ogt, %get3A_61, %div3A_1601 : vector<16xf32>
    %select_n3A_1669 = arith.select %gt3A_1668, %broadcast_in_dim3A_1603, %broadcast_in_dim3A_1605 : vector<16xi1>, vector<16xi32>
    %sub3A_1670 = arith.subf %get3A_58, %get3A_52 : vector<16xf32>
    %sub3A_1671 = arith.subf %div3A_1601, %get3A_55 : vector<16xf32>
    %mul3A_1672 = arith.mulf %sub3A_1670, %sub3A_1671 : vector<16xf32>
    %sub3A_1673 = arith.subf %get3A_61, %get3A_55 : vector<16xf32>
    %div3A_1674 = arith.divf %mul3A_1672, %sub3A_1673 : vector<16xf32>
    %add3A_1675 = arith.addf %div3A_1674, %get3A_52 : vector<16xf32>
    %gt3A_1676 = arith.cmpf ogt, %add3A_1675, %div3A_1597 : vector<16xf32>
    %select_n3A_1677 = arith.select %gt3A_1676, %broadcast_in_dim3A_1603, %broadcast_in_dim3A_1605 : vector<16xi1>, vector<16xi32>
    %xor3A_1678 = arith.xori %select_n3A_1667, %select_n3A_1669 : vector<16xi32>
    %and3A_1679 = arith.andi %xor3A_1678, %select_n3A_1677 : vector<16xi32>
    %xor3A_1680 = arith.xori %xor3A_1665, %and3A_1679 : vector<16xi32>
    %gt3A_1681 = arith.cmpf ogt, %get3A_67, %div3A_1601 : vector<16xf32>
    %select_n3A_1682 = arith.select %gt3A_1681, %broadcast_in_dim3A_1603, %broadcast_in_dim3A_1605 : vector<16xi1>, vector<16xi32>
    %gt3A_1683 = arith.cmpf ogt, %get3A_73, %div3A_1601 : vector<16xf32>
    %select_n3A_1684 = arith.select %gt3A_1683, %broadcast_in_dim3A_1603, %broadcast_in_dim3A_1605 : vector<16xi1>, vector<16xi32>
    %sub3A_1685 = arith.subf %get3A_70, %get3A_64 : vector<16xf32>
    %sub3A_1686 = arith.subf %div3A_1601, %get3A_67 : vector<16xf32>
    %mul3A_1687 = arith.mulf %sub3A_1685, %sub3A_1686 : vector<16xf32>
    %sub3A_1688 = arith.subf %get3A_73, %get3A_67 : vector<16xf32>
    %div3A_1689 = arith.divf %mul3A_1687, %sub3A_1688 : vector<16xf32>
    %add3A_1690 = arith.addf %div3A_1689, %get3A_64 : vector<16xf32>
    %gt3A_1691 = arith.cmpf ogt, %add3A_1690, %div3A_1597 : vector<16xf32>
    %select_n3A_1692 = arith.select %gt3A_1691, %broadcast_in_dim3A_1603, %broadcast_in_dim3A_1605 : vector<16xi1>, vector<16xi32>
    %xor3A_1693 = arith.xori %select_n3A_1682, %select_n3A_1684 : vector<16xi32>
    %and3A_1694 = arith.andi %xor3A_1693, %select_n3A_1692 : vector<16xi32>
    %xor3A_1695 = arith.xori %xor3A_1680, %and3A_1694 : vector<16xi32>
    %gt3A_1696 = arith.cmpf ogt, %get3A_79, %div3A_1601 : vector<16xf32>
    %select_n3A_1697 = arith.select %gt3A_1696, %broadcast_in_dim3A_1603, %broadcast_in_dim3A_1605 : vector<16xi1>, vector<16xi32>
    %gt3A_1698 = arith.cmpf ogt, %get3A_85, %div3A_1601 : vector<16xf32>
    %select_n3A_1699 = arith.select %gt3A_1698, %broadcast_in_dim3A_1603, %broadcast_in_dim3A_1605 : vector<16xi1>, vector<16xi32>
    %sub3A_1700 = arith.subf %get3A_82, %get3A_76 : vector<16xf32>
    %sub3A_1701 = arith.subf %div3A_1601, %get3A_79 : vector<16xf32>
    %mul3A_1702 = arith.mulf %sub3A_1700, %sub3A_1701 : vector<16xf32>
    %sub3A_1703 = arith.subf %get3A_85, %get3A_79 : vector<16xf32>
    %div3A_1704 = arith.divf %mul3A_1702, %sub3A_1703 : vector<16xf32>
    %add3A_1705 = arith.addf %div3A_1704, %get3A_76 : vector<16xf32>
    %gt3A_1706 = arith.cmpf ogt, %add3A_1705, %div3A_1597 : vector<16xf32>
    %select_n3A_1707 = arith.select %gt3A_1706, %broadcast_in_dim3A_1603, %broadcast_in_dim3A_1605 : vector<16xi1>, vector<16xi32>
    %xor3A_1708 = arith.xori %select_n3A_1697, %select_n3A_1699 : vector<16xi32>
    %and3A_1709 = arith.andi %xor3A_1708, %select_n3A_1707 : vector<16xi32>
    %xor3A_1710 = arith.xori %xor3A_1695, %and3A_1709 : vector<16xi32>
    %gt3A_1711 = arith.cmpf ogt, %get3A_91, %div3A_1601 : vector<16xf32>
    %select_n3A_1712 = arith.select %gt3A_1711, %broadcast_in_dim3A_1603, %broadcast_in_dim3A_1605 : vector<16xi1>, vector<16xi32>
    %gt3A_1713 = arith.cmpf ogt, %get3A_97, %div3A_1601 : vector<16xf32>
    %select_n3A_1714 = arith.select %gt3A_1713, %broadcast_in_dim3A_1603, %broadcast_in_dim3A_1605 : vector<16xi1>, vector<16xi32>
    %sub3A_1715 = arith.subf %get3A_94, %get3A_88 : vector<16xf32>
    %sub3A_1716 = arith.subf %div3A_1601, %get3A_91 : vector<16xf32>
    %mul3A_1717 = arith.mulf %sub3A_1715, %sub3A_1716 : vector<16xf32>
    %sub3A_1718 = arith.subf %get3A_97, %get3A_91 : vector<16xf32>
    %div3A_1719 = arith.divf %mul3A_1717, %sub3A_1718 : vector<16xf32>
    %add3A_1720 = arith.addf %div3A_1719, %get3A_88 : vector<16xf32>
    %gt3A_1721 = arith.cmpf ogt, %add3A_1720, %div3A_1597 : vector<16xf32>
    %select_n3A_1722 = arith.select %gt3A_1721, %broadcast_in_dim3A_1603, %broadcast_in_dim3A_1605 : vector<16xi1>, vector<16xi32>
    %xor3A_1723 = arith.xori %select_n3A_1712, %select_n3A_1714 : vector<16xi32>
    %and3A_1724 = arith.andi %xor3A_1723, %select_n3A_1722 : vector<16xi32>
    %xor3A_1725 = arith.xori %xor3A_1710, %and3A_1724 : vector<16xi32>
    %swap3A_1726 = arith.constant 144 : index
    %swap3A_1727 = tpu.vector_load %arg13[%swap3A_1726] {strides = array<i32>} : memref<160xi32, #tpu.memory_space<vmem>>, vector<16xi32>,
    %swap3A_1728 = vector.shape_cast %swap3A_1727 : vector<16xi32> to vector<16xi32>
    %swap3A_1729 = vector.shape_cast %xor3A_1725 : vector<16xi32> to vector<16xi32>
    tpu.vector_store %arg13[%swap3A_1726], %swap3A_1729 {strides = array<i32>} : memref<160xi32, #tpu.memory_space<vmem>>, vector<16xi32>,
    "tpu.region"() ({
      %run_scoped3A = tpu.sem_alloc : memref<!tpu.dma_semaphore, #tpu.memory_space<semaphore_mem>>
      %dma_start3A = tpu.memref_slice %arg7[%mul3A_2] : memref<5120xi32, #tpu.memory_space<hbm>> -> memref<160xi32, #tpu.memory_space<hbm>>
      %dma_start3A_1730 = tpu.memref_slice %arg7[%mul3A_2] : memref<5120xi32, #tpu.memory_space<hbm>> -> memref<160xi32, #tpu.memory_space<hbm>>
      tpu.enqueue_dma source(%arg13 : memref<160xi32, #tpu.memory_space<vmem>>) target(%dma_start3A_1730 : memref<160xi32, #tpu.memory_space<hbm>>) target_semaphore(%run_scoped3A : memref<!tpu.dma_semaphore, #tpu.memory_space<semaphore_mem>>)
      %dma_wait3A = tpu.memref_slice %arg7[%mul3A_2] : memref<5120xi32, #tpu.memory_space<hbm>> -> memref<160xi32, #tpu.memory_space<hbm>>
      %dma_wait3A_1731 = tpu.memref_slice %arg7[%mul3A_2] : memref<5120xi32, #tpu.memory_space<hbm>> -> memref<160xi32, #tpu.memory_space<hbm>>
      tpu.wait_dma2 semaphore(%run_scoped3A : memref<!tpu.dma_semaphore, #tpu.memory_space<semaphore_mem>>) src(%arg13 : memref<160xi32, #tpu.memory_space<vmem>>) dst(%dma_wait3A_1731 : memref<160xi32, #tpu.memory_space<hbm>>)
      tpu.yield
    }) : () -> ()
    return
  }
}

module attributes {stable_mosaic.version = 14 : i64} {
  func.func @_dm_kernel(%arg0: memref<85x8x640xf32, #tpu.memory_space<vmem>>, %arg1: memref<4x5120xf32, #tpu.memory_space<smem>>, %arg2: memref<8x640xf32, #tpu.memory_space<vmem>>, %arg3: memref<8x640xf32, #tpu.memory_space<vmem>>, %arg4: memref<8x640xf32, #tpu.memory_space<vmem>>, %arg5: memref<8x640xf32, #tpu.memory_space<vmem>>, %arg6: memref<8x640xf32, #tpu.memory_space<vmem>>, %arg7: memref<8x640xi32, #tpu.memory_space<vmem>>, %arg8: memref<8x640xf32, #tpu.memory_space<vmem>>, %arg9: memref<8x640xf32, #tpu.memory_space<vmem>>, %arg10: memref<8x640xi32, #tpu.memory_space<vmem>>, %arg11: memref<8x640xf32, #tpu.memory_space<vmem>>, %arg12: memref<8x640xf32, #tpu.memory_space<vmem>>, %arg13: memref<8x640xf32, #tpu.memory_space<vmem>>, %arg14: memref<8x640xf32, #tpu.memory_space<vmem>>, %arg15: memref<8x640xf32, #tpu.memory_space<vmem>>, %arg16: memref<8x640xi32, #tpu.memory_space<vmem>>) attributes {dimension_semantics = [], scalar_prefetch = 0 : i64, scratch_operands = 6 : i64, tpu.core_type = #tpu.core_type<tc>} {
    %get3A = arith.constant 0 : index
    %get3A_0 = arith.constant 0 : index
    %get3A_1 = arith.constant 0 : index
    %get3A_2 = vector.load %arg0[%get3A, %get3A_0, %get3A_1] : memref<85x8x640xf32, #tpu.memory_space<vmem>>, vector<1x8x640xf32>
    %get3A_3 = vector.shape_cast %get3A_2 : vector<1x8x640xf32> to vector<8x640xf32>
    %get3A_4 = arith.constant 1 : index
    %get3A_5 = arith.constant 0 : index
    %get3A_6 = arith.constant 0 : index
    %get3A_7 = vector.load %arg0[%get3A_4, %get3A_5, %get3A_6] : memref<85x8x640xf32, #tpu.memory_space<vmem>>, vector<1x8x640xf32>
    %get3A_8 = vector.shape_cast %get3A_7 : vector<1x8x640xf32> to vector<8x640xf32>
    %get3A_9 = arith.constant 2 : index
    %get3A_10 = arith.constant 0 : index
    %get3A_11 = arith.constant 0 : index
    %get3A_12 = vector.load %arg0[%get3A_9, %get3A_10, %get3A_11] : memref<85x8x640xf32, #tpu.memory_space<vmem>>, vector<1x8x640xf32>
    %get3A_13 = vector.shape_cast %get3A_12 : vector<1x8x640xf32> to vector<8x640xf32>
    %get3A_14 = arith.constant 3 : index
    %get3A_15 = arith.constant 0 : index
    %get3A_16 = arith.constant 0 : index
    %get3A_17 = vector.load %arg0[%get3A_14, %get3A_15, %get3A_16] : memref<85x8x640xf32, #tpu.memory_space<vmem>>, vector<1x8x640xf32>
    %get3A_18 = vector.shape_cast %get3A_17 : vector<1x8x640xf32> to vector<8x640xf32>
    %get3A_19 = arith.constant 4 : index
    %get3A_20 = arith.constant 0 : index
    %get3A_21 = arith.constant 0 : index
    %get3A_22 = vector.load %arg0[%get3A_19, %get3A_20, %get3A_21] : memref<85x8x640xf32, #tpu.memory_space<vmem>>, vector<1x8x640xf32>
    %get3A_23 = vector.shape_cast %get3A_22 : vector<1x8x640xf32> to vector<8x640xf32>
    %div3A = arith.constant 2.000000e+00 : f32
    %div3A_24 = vector.broadcast %div3A : f32 to vector<8x640xf32>
    %div3A_25 = arith.divf %get3A_13, %div3A_24 : vector<8x640xf32>
    %sub3A = arith.subf %get3A_3, %div3A_25 : vector<8x640xf32>
    %swap3A = arith.constant 0 : index
    %swap3A_26 = arith.constant 0 : index
    %swap3A_27 = vector.load %arg11[%swap3A, %swap3A_26] : memref<8x640xf32, #tpu.memory_space<vmem>>, vector<8x640xf32>
    tpu.vector_store %arg11[%swap3A, %swap3A_26], %sub3A {strides = array<i32>} : memref<8x640xf32, #tpu.memory_space<vmem>>, vector<8x640xf32>,
    %div3A_28 = arith.constant 2.000000e+00 : f32
    %div3A_29 = vector.broadcast %div3A_28 : f32 to vector<8x640xf32>
    %div3A_30 = arith.divf %get3A_18, %div3A_29 : vector<8x640xf32>
    %sub3A_31 = arith.subf %get3A_8, %div3A_30 : vector<8x640xf32>
    %swap3A_32 = arith.constant 0 : index
    %swap3A_33 = arith.constant 0 : index
    %swap3A_34 = vector.load %arg12[%swap3A_32, %swap3A_33] : memref<8x640xf32, #tpu.memory_space<vmem>>, vector<8x640xf32>
    tpu.vector_store %arg12[%swap3A_32, %swap3A_33], %sub3A_31 {strides = array<i32>} : memref<8x640xf32, #tpu.memory_space<vmem>>, vector<8x640xf32>,
    %div3A_35 = arith.constant 2.000000e+00 : f32
    %div3A_36 = vector.broadcast %div3A_35 : f32 to vector<8x640xf32>
    %div3A_37 = arith.divf %get3A_13, %div3A_36 : vector<8x640xf32>
    %add3A = arith.addf %get3A_3, %div3A_37 : vector<8x640xf32>
    %swap3A_38 = arith.constant 0 : index
    %swap3A_39 = arith.constant 0 : index
    %swap3A_40 = vector.load %arg13[%swap3A_38, %swap3A_39] : memref<8x640xf32, #tpu.memory_space<vmem>>, vector<8x640xf32>
    tpu.vector_store %arg13[%swap3A_38, %swap3A_39], %add3A {strides = array<i32>} : memref<8x640xf32, #tpu.memory_space<vmem>>, vector<8x640xf32>,
    %div3A_41 = arith.constant 2.000000e+00 : f32
    %div3A_42 = vector.broadcast %div3A_41 : f32 to vector<8x640xf32>
    %div3A_43 = arith.divf %get3A_18, %div3A_42 : vector<8x640xf32>
    %add3A_44 = arith.addf %get3A_8, %div3A_43 : vector<8x640xf32>
    %swap3A_45 = arith.constant 0 : index
    %swap3A_46 = arith.constant 0 : index
    %swap3A_47 = vector.load %arg14[%swap3A_45, %swap3A_46] : memref<8x640xf32, #tpu.memory_space<vmem>>, vector<8x640xf32>
    tpu.vector_store %arg14[%swap3A_45, %swap3A_46], %add3A_44 {strides = array<i32>} : memref<8x640xf32, #tpu.memory_space<vmem>>, vector<8x640xf32>,
    %get3A_48 = arith.constant 0 : index
    %get3A_49 = arith.constant 0 : index
    %get3A_50 = vector.load %arg13[%get3A_48, %get3A_49] : memref<8x640xf32, #tpu.memory_space<vmem>>, vector<8x640xf32>
    %get3A_51 = arith.constant 0 : index
    %get3A_52 = arith.constant 0 : index
    %get3A_53 = vector.load %arg11[%get3A_51, %get3A_52] : memref<8x640xf32, #tpu.memory_space<vmem>>, vector<8x640xf32>
    %sub3A_54 = arith.subf %get3A_50, %get3A_53 : vector<8x640xf32>
    %jit3A = arith.constant 0.000000e+00 : f32
    %max3A = vector.broadcast %jit3A : f32 to vector<8x640xf32>
    %max3A_55 = arith.maximumf %max3A, %sub3A_54 : vector<8x640xf32>
    %get3A_56 = arith.constant 0 : index
    %get3A_57 = arith.constant 0 : index
    %get3A_58 = vector.load %arg14[%get3A_56, %get3A_57] : memref<8x640xf32, #tpu.memory_space<vmem>>, vector<8x640xf32>
    %get3A_59 = arith.constant 0 : index
    %get3A_60 = arith.constant 0 : index
    %get3A_61 = vector.load %arg12[%get3A_59, %get3A_60] : memref<8x640xf32, #tpu.memory_space<vmem>>, vector<8x640xf32>
    %sub3A_62 = arith.subf %get3A_58, %get3A_61 : vector<8x640xf32>
    %jit3A_63 = arith.constant 0.000000e+00 : f32
    %max3A_64 = vector.broadcast %jit3A_63 : f32 to vector<8x640xf32>
    %max3A_65 = arith.maximumf %max3A_64, %sub3A_62 : vector<8x640xf32>
    %mul3A = arith.mulf %max3A_55, %max3A_65 : vector<8x640xf32>
    %swap3A_66 = arith.constant 0 : index
    %swap3A_67 = arith.constant 0 : index
    %swap3A_68 = vector.load %arg15[%swap3A_66, %swap3A_67] : memref<8x640xf32, #tpu.memory_space<vmem>>, vector<8x640xf32>
    tpu.vector_store %arg15[%swap3A_66, %swap3A_67], %mul3A {strides = array<i32>} : memref<8x640xf32, #tpu.memory_space<vmem>>, vector<8x640xf32>,
    %iota3A = tpu.iota {dimensions = array<i32: 0>} : vector<8x640xi32>
    %mul3A_69 = arith.constant 640 : i32
    %mul3A_70 = vector.broadcast %mul3A_69 : i32 to vector<8x640xi32>
    %mul3A_71 = arith.muli %iota3A, %mul3A_70 : vector<8x640xi32>
    %iota3A_72 = tpu.iota {dimensions = array<i32: 1>} : vector<8x640xi32>
    %add3A_73 = arith.addi %mul3A_71, %iota3A_72 : vector<8x640xi32>
    %swap3A_74 = arith.constant 0 : index
    %swap3A_75 = arith.constant 0 : index
    %swap3A_76 = vector.load %arg16[%swap3A_74, %swap3A_75] : memref<8x640xi32, #tpu.memory_space<vmem>>, vector<8x640xi32>
    tpu.vector_store %arg16[%swap3A_74, %swap3A_75], %add3A_73 {strides = array<i32>} : memref<8x640xi32, #tpu.memory_space<vmem>>, vector<8x640xi32>,
    %get3A_77 = arith.constant 5 : index
    %get3A_78 = arith.constant 0 : index
    %get3A_79 = arith.constant 0 : index
    %get3A_80 = vector.load %arg0[%get3A_77, %get3A_78, %get3A_79] : memref<85x8x640xf32, #tpu.memory_space<vmem>>, vector<1x8x640xf32>
    %get3A_81 = vector.shape_cast %get3A_80 : vector<1x8x640xf32> to vector<8x640xf32>
    %broadcast_in_dim3A = arith.constant 0 : i32
    %broadcast_in_dim3A_82 = vector.broadcast %broadcast_in_dim3A : i32 to vector<8x640xi32>
    %scan3A = arith.constant 1 : i32
    %scan3A_83 = arith.constant 79 : i32
    %scan3A_84 = arith.addi %scan3A, %scan3A_83 : i32
    %scan3A_85 = arith.constant 1 : i32
    %scan3A_86:2 = scf.for %scan3A_162 = %scan3A to %scan3A_84 step %scan3A_85 iter_args(%scan3A_163 = %get3A_81, %scan3A_164 = %broadcast_in_dim3A_82) -> (vector<8x640xf32>, vector<8x640xi32>)  : i32 {
      %add3A_165 = arith.constant 5 : i32
      %add3A_166 = arith.addi %add3A_165, %scan3A_162 : i32
      %get3A_167 = arith.index_cast %add3A_166 : i32 to index
      %get3A_168 = arith.constant 0 : index
      %get3A_169 = arith.constant 0 : index
      %get3A_170 = vector.load %arg0[%get3A_167, %get3A_168, %get3A_169] : memref<85x8x640xf32, #tpu.memory_space<vmem>>, vector<1x8x640xf32>
      %get3A_171 = vector.shape_cast %get3A_170 : vector<1x8x640xf32> to vector<8x640xf32>
      %gt3A = arith.cmpf ogt, %get3A_171, %scan3A_163 : vector<8x640xf32>
      %select_n3A_172 = arith.select %gt3A, %get3A_171, %scan3A_163 : vector<8x640xi1>, vector<8x640xf32>
      %broadcast_in_dim3A_173 = vector.broadcast %scan3A_162 : i32 to vector<8x640xi32>
      %select_n3A_174 = arith.select %gt3A, %broadcast_in_dim3A_173, %scan3A_164 : vector<8x640xi1>, vector<8x640xi32>
      scf.yield %select_n3A_172, %select_n3A_174 : vector<8x640xf32>, vector<8x640xi32>
    }
    %scan3A_87 = arith.constant 79 : i32
    %mul3A_88 = arith.mulf %get3A_23, %scan3A_86#0 : vector<8x640xf32>
    %ge3A = arith.constant 2.000000e-01 : f32
    %ge3A_89 = vector.broadcast %ge3A : f32 to vector<8x640xf32>
    %ge3A_90 = arith.cmpf oge, %mul3A_88, %ge3A_89 : vector<8x640xf32>
    %jit3A_91 = arith.constant -1.000000e+00 : f32
    %broadcast_in_dim3A_92 = vector.broadcast %jit3A_91 : f32 to vector<8x640xf32>
    %select_n3A = arith.select %ge3A_90, %mul3A_88, %broadcast_in_dim3A_92 : vector<8x640xi1>, vector<8x640xf32>
    %reduce_max3A = vector.shape_cast %select_n3A : vector<8x640xf32> to vector<1x8x640xf32>
    %reduce_max3A_93 = arith.constant dense<0xFF800000> : vector<1xf32>
    %reduce_max3A_94 = vector.multi_reduction <maximumf>, %reduce_max3A, %reduce_max3A_93 [1, 2] : vector<1x8x640xf32> to vector<1xf32>
    %reduce_max3A_95 = vector.shape_cast %reduce_max3A_94 : vector<1xf32> to vector<1x1x1xf32>
    %reduce_max3A_96 = vector.extract %reduce_max3A_95[0, 0, 0] : f32 from vector<1x1x1xf32>
    %while3A:2 = scf.while (%while3A_162 = %select_n3A, %while3A_163 = %reduce_max3A_96) : (vector<8x640xf32>, f32) -> (vector<8x640xf32>, f32) {
      %ge3A_164 = arith.constant 2.000000e-01 : f32
      %ge3A_165 = arith.cmpf oge, %while3A_163, %ge3A_164 : f32
      scf.condition(%ge3A_165) %while3A_162, %while3A_163 : vector<8x640xf32>, f32
    } do {
    ^bb0(%while3A_162: vector<8x640xf32>, %while3A_163: f32):
      %get3A_164 = arith.constant 0 : index
      %get3A_165 = arith.constant 0 : index
      %get3A_166 = vector.load %arg16[%get3A_164, %get3A_165] : memref<8x640xi32, #tpu.memory_space<vmem>>, vector<8x640xi32>
      %eq3A_167 = vector.broadcast %while3A_163 : f32 to vector<8x640xf32>
      %eq3A_168 = arith.cmpf oeq, %while3A_162, %eq3A_167 : vector<8x640xf32>
      %jit3A_169 = arith.constant 5120 : i32
      %broadcast_in_dim3A_170 = vector.broadcast %jit3A_169 : i32 to vector<8x640xi32>
      %select_n3A_171 = arith.select %eq3A_168, %get3A_166, %broadcast_in_dim3A_170 : vector<8x640xi1>, vector<8x640xi32>
      %reduce_min3A = vector.shape_cast %select_n3A_171 : vector<8x640xi32> to vector<1x8x640xi32>
      %reduce_min3A_172 = arith.constant dense<2147483647> : vector<1xi32>
      %reduce_min3A_173 = vector.multi_reduction <minsi>, %reduce_min3A, %reduce_min3A_172 [1, 2] : vector<1x8x640xi32> to vector<1xi32>
      %reduce_min3A_174 = vector.shape_cast %reduce_min3A_173 : vector<1xi32> to vector<1x1x1xi32>
      %reduce_min3A_175 = vector.extract %reduce_min3A_174[0, 0, 0] : i32 from vector<1x1x1xi32>
      %get3A_176 = arith.constant 0 : index
      %get3A_177 = arith.index_cast %reduce_min3A_175 : i32 to index
      %get3A_178 = memref.load %arg1[%get3A_176, %get3A_177] : memref<4x5120xf32, #tpu.memory_space<smem>>
      %get3A_179 = arith.constant 1 : index
      %get3A_180 = arith.index_cast %reduce_min3A_175 : i32 to index
      %get3A_181 = memref.load %arg1[%get3A_179, %get3A_180] : memref<4x5120xf32, #tpu.memory_space<smem>>
      %get3A_182 = arith.constant 2 : index
      %get3A_183 = arith.index_cast %reduce_min3A_175 : i32 to index
      %get3A_184 = memref.load %arg1[%get3A_182, %get3A_183] : memref<4x5120xf32, #tpu.memory_space<smem>>
      %get3A_185 = arith.constant 3 : index
      %get3A_186 = arith.index_cast %reduce_min3A_175 : i32 to index
      %get3A_187 = memref.load %arg1[%get3A_185, %get3A_186] : memref<4x5120xf32, #tpu.memory_space<smem>>
      %div3A_188 = arith.constant 2.000000e+00 : f32
      %div3A_189 = arith.divf %get3A_184, %div3A_188 : f32
      %sub3A_190 = arith.subf %get3A_178, %div3A_189 : f32
      %div3A_191 = arith.constant 2.000000e+00 : f32
      %div3A_192 = arith.divf %get3A_187, %div3A_191 : f32
      %sub3A_193 = arith.subf %get3A_181, %div3A_192 : f32
      %div3A_194 = arith.constant 2.000000e+00 : f32
      %div3A_195 = arith.divf %get3A_184, %div3A_194 : f32
      %add3A_196 = arith.addf %get3A_178, %div3A_195 : f32
      %div3A_197 = arith.constant 2.000000e+00 : f32
      %div3A_198 = arith.divf %get3A_187, %div3A_197 : f32
      %add3A_199 = arith.addf %get3A_181, %div3A_198 : f32
      %sub3A_200 = arith.subf %add3A_196, %sub3A_190 : f32
      %jit3A_201 = arith.constant 0.000000e+00 : f32
      %max3A_202 = arith.maximumf %jit3A_201, %sub3A_200 : f32
      %sub3A_203 = arith.subf %add3A_199, %sub3A_193 : f32
      %jit3A_204 = arith.constant 0.000000e+00 : f32
      %max3A_205 = arith.maximumf %jit3A_204, %sub3A_203 : f32
      %mul3A_206 = arith.mulf %max3A_202, %max3A_205 : f32
      %get3A_207 = arith.constant 0 : index
      %get3A_208 = arith.constant 0 : index
      %get3A_209 = vector.load %arg11[%get3A_207, %get3A_208] : memref<8x640xf32, #tpu.memory_space<vmem>>, vector<8x640xf32>
      %max3A_210 = vector.broadcast %sub3A_190 : f32 to vector<8x640xf32>
      %max3A_211 = arith.maximumf %max3A_210, %get3A_209 : vector<8x640xf32>
      %get3A_212 = arith.constant 0 : index
      %get3A_213 = arith.constant 0 : index
      %get3A_214 = vector.load %arg12[%get3A_212, %get3A_213] : memref<8x640xf32, #tpu.memory_space<vmem>>, vector<8x640xf32>
      %max3A_215 = vector.broadcast %sub3A_193 : f32 to vector<8x640xf32>
      %max3A_216 = arith.maximumf %max3A_215, %get3A_214 : vector<8x640xf32>
      %get3A_217 = arith.constant 0 : index
      %get3A_218 = arith.constant 0 : index
      %get3A_219 = vector.load %arg13[%get3A_217, %get3A_218] : memref<8x640xf32, #tpu.memory_space<vmem>>, vector<8x640xf32>
      %min3A = vector.broadcast %add3A_196 : f32 to vector<8x640xf32>
      %min3A_220 = arith.minimumf %min3A, %get3A_219 : vector<8x640xf32>
      %get3A_221 = arith.constant 0 : index
      %get3A_222 = arith.constant 0 : index
      %get3A_223 = vector.load %arg14[%get3A_221, %get3A_222] : memref<8x640xf32, #tpu.memory_space<vmem>>, vector<8x640xf32>
      %min3A_224 = vector.broadcast %add3A_199 : f32 to vector<8x640xf32>
      %min3A_225 = arith.minimumf %min3A_224, %get3A_223 : vector<8x640xf32>
      %sub3A_226 = arith.subf %min3A_220, %max3A_211 : vector<8x640xf32>
      %jit3A_227 = arith.constant 0.000000e+00 : f32
      %max3A_228 = vector.broadcast %jit3A_227 : f32 to vector<8x640xf32>
      %max3A_229 = arith.maximumf %max3A_228, %sub3A_226 : vector<8x640xf32>
      %sub3A_230 = arith.subf %min3A_225, %max3A_216 : vector<8x640xf32>
      %jit3A_231 = arith.constant 0.000000e+00 : f32
      %max3A_232 = vector.broadcast %jit3A_231 : f32 to vector<8x640xf32>
      %max3A_233 = arith.maximumf %max3A_232, %sub3A_230 : vector<8x640xf32>
      %mul3A_234 = arith.mulf %max3A_229, %max3A_233 : vector<8x640xf32>
      %get3A_235 = arith.constant 0 : index
      %get3A_236 = arith.constant 0 : index
      %get3A_237 = vector.load %arg15[%get3A_235, %get3A_236] : memref<8x640xf32, #tpu.memory_space<vmem>>, vector<8x640xf32>
      %add3A_238 = vector.broadcast %mul3A_206 : f32 to vector<8x640xf32>
      %add3A_239 = arith.addf %add3A_238, %get3A_237 : vector<8x640xf32>
      %sub3A_240 = arith.subf %add3A_239, %mul3A_234 : vector<8x640xf32>
      %max3A_241 = arith.constant 9.99999971E-10 : f32
      %max3A_242 = vector.broadcast %max3A_241 : f32 to vector<8x640xf32>
      %max3A_243 = arith.maximumf %sub3A_240, %max3A_242 : vector<8x640xf32>
      %div3A_244 = arith.divf %mul3A_234, %max3A_243 : vector<8x640xf32>
      %eq3A_245 = vector.broadcast %reduce_min3A_175 : i32 to vector<8x640xi32>
      %eq3A_246 = arith.cmpi eq, %get3A_166, %eq3A_245 : vector<8x640xi32>
      %gt3A = arith.constant 4.500000e-01 : f32
      %gt3A_247 = vector.broadcast %gt3A : f32 to vector<8x640xf32>
      %gt3A_248 = arith.cmpf ogt, %div3A_244, %gt3A_247 : vector<8x640xf32>
      %jit3A_249 = arith.constant -1.000000e+00 : f32
      %broadcast_in_dim3A_250 = vector.broadcast %jit3A_249 : f32 to vector<8x640xf32>
      %select_n3A_251 = arith.select %gt3A_248, %broadcast_in_dim3A_250, %while3A_162 : vector<8x640xi1>, vector<8x640xf32>
      %jit3A_252 = arith.constant -2.000000e+00 : f32
      %broadcast_in_dim3A_253 = vector.broadcast %jit3A_252 : f32 to vector<8x640xf32>
      %select_n3A_254 = arith.select %eq3A_246, %broadcast_in_dim3A_253, %select_n3A_251 : vector<8x640xi1>, vector<8x640xf32>
      %reduce_max3A_255 = vector.shape_cast %select_n3A_254 : vector<8x640xf32> to vector<1x8x640xf32>
      %reduce_max3A_256 = arith.constant dense<0xFF800000> : vector<1xf32>
      %reduce_max3A_257 = vector.multi_reduction <maximumf>, %reduce_max3A_255, %reduce_max3A_256 [1, 2] : vector<1x8x640xf32> to vector<1xf32>
      %reduce_max3A_258 = vector.shape_cast %reduce_max3A_257 : vector<1xf32> to vector<1x1x1xf32>
      %reduce_max3A_259 = vector.extract %reduce_max3A_258[0, 0, 0] : f32 from vector<1x1x1xf32>
      scf.yield %select_n3A_254, %reduce_max3A_259 : vector<8x640xf32>, f32
    }
    %eq3A = arith.constant -2.000000e+00 : f32
    %eq3A_97 = vector.broadcast %eq3A : f32 to vector<8x640xf32>
    %eq3A_98 = arith.cmpf oeq, %while3A#0, %eq3A_97 : vector<8x640xf32>
    %jit3A_99 = arith.constant 1.000000e+00 : f32
    %jit3A_100 = arith.constant 0.000000e+00 : f32
    %broadcast_in_dim3A_101 = vector.broadcast %jit3A_99 : f32 to vector<8x640xf32>
    %broadcast_in_dim3A_102 = vector.broadcast %jit3A_100 : f32 to vector<8x640xf32>
    %select_n3A_103 = arith.select %eq3A_98, %broadcast_in_dim3A_101, %broadcast_in_dim3A_102 : vector<8x640xi1>, vector<8x640xf32>
    %get3A_104 = arith.constant 0 : index
    %get3A_105 = arith.constant 0 : index
    %get3A_106 = vector.load %arg11[%get3A_104, %get3A_105] : memref<8x640xf32, #tpu.memory_space<vmem>>, vector<8x640xf32>
    %get3A_107 = arith.constant 0 : index
    %get3A_108 = arith.constant 0 : index
    %get3A_109 = vector.load %arg12[%get3A_107, %get3A_108] : memref<8x640xf32, #tpu.memory_space<vmem>>, vector<8x640xf32>
    %get3A_110 = arith.constant 0 : index
    %get3A_111 = arith.constant 0 : index
    %get3A_112 = vector.load %arg13[%get3A_110, %get3A_111] : memref<8x640xf32, #tpu.memory_space<vmem>>, vector<8x640xf32>
    %get3A_113 = arith.constant 0 : index
    %get3A_114 = arith.constant 0 : index
    %get3A_115 = vector.load %arg14[%get3A_113, %get3A_114] : memref<8x640xf32, #tpu.memory_space<vmem>>, vector<8x640xf32>
    %add3A_116 = arith.addf %get3A_106, %get3A_112 : vector<8x640xf32>
    %div3A_117 = arith.constant 2.000000e+00 : f32
    %div3A_118 = vector.broadcast %div3A_117 : f32 to vector<8x640xf32>
    %div3A_119 = arith.divf %add3A_116, %div3A_118 : vector<8x640xf32>
    %add3A_120 = arith.addf %get3A_109, %get3A_115 : vector<8x640xf32>
    %div3A_121 = arith.constant 2.000000e+00 : f32
    %div3A_122 = vector.broadcast %div3A_121 : f32 to vector<8x640xf32>
    %div3A_123 = arith.divf %add3A_120, %div3A_122 : vector<8x640xf32>
    %mul3A_124 = arith.mulf %get3A_109, %select_n3A_103 : vector<8x640xf32>
    %swap3A_125 = arith.constant 0 : index
    %swap3A_126 = arith.constant 0 : index
    %swap3A_127 = vector.load %arg2[%swap3A_125, %swap3A_126] : memref<8x640xf32, #tpu.memory_space<vmem>>, vector<8x640xf32>
    tpu.vector_store %arg2[%swap3A_125, %swap3A_126], %mul3A_124 {strides = array<i32>} : memref<8x640xf32, #tpu.memory_space<vmem>>, vector<8x640xf32>,
    %mul3A_128 = arith.mulf %get3A_106, %select_n3A_103 : vector<8x640xf32>
    %swap3A_129 = arith.constant 0 : index
    %swap3A_130 = arith.constant 0 : index
    %swap3A_131 = vector.load %arg3[%swap3A_129, %swap3A_130] : memref<8x640xf32, #tpu.memory_space<vmem>>, vector<8x640xf32>
    tpu.vector_store %arg3[%swap3A_129, %swap3A_130], %mul3A_128 {strides = array<i32>} : memref<8x640xf32, #tpu.memory_space<vmem>>, vector<8x640xf32>,
    %mul3A_132 = arith.mulf %get3A_115, %select_n3A_103 : vector<8x640xf32>
    %swap3A_133 = arith.constant 0 : index
    %swap3A_134 = arith.constant 0 : index
    %swap3A_135 = vector.load %arg4[%swap3A_133, %swap3A_134] : memref<8x640xf32, #tpu.memory_space<vmem>>, vector<8x640xf32>
    tpu.vector_store %arg4[%swap3A_133, %swap3A_134], %mul3A_132 {strides = array<i32>} : memref<8x640xf32, #tpu.memory_space<vmem>>, vector<8x640xf32>,
    %mul3A_136 = arith.mulf %get3A_112, %select_n3A_103 : vector<8x640xf32>
    %swap3A_137 = arith.constant 0 : index
    %swap3A_138 = arith.constant 0 : index
    %swap3A_139 = vector.load %arg5[%swap3A_137, %swap3A_138] : memref<8x640xf32, #tpu.memory_space<vmem>>, vector<8x640xf32>
    tpu.vector_store %arg5[%swap3A_137, %swap3A_138], %mul3A_136 {strides = array<i32>} : memref<8x640xf32, #tpu.memory_space<vmem>>, vector<8x640xf32>,
    %max3A_140 = arith.maximumf %get3A_23, %scan3A_86#0 : vector<8x640xf32>
    %mul3A_141 = arith.mulf %max3A_140, %select_n3A_103 : vector<8x640xf32>
    %swap3A_142 = arith.constant 0 : index
    %swap3A_143 = arith.constant 0 : index
    %swap3A_144 = vector.load %arg6[%swap3A_142, %swap3A_143] : memref<8x640xf32, #tpu.memory_space<vmem>>, vector<8x640xf32>
    tpu.vector_store %arg6[%swap3A_142, %swap3A_143], %mul3A_141 {strides = array<i32>} : memref<8x640xf32, #tpu.memory_space<vmem>>, vector<8x640xf32>,
    %jit3A_145 = arith.constant -1 : i32
    %broadcast_in_dim3A_146 = vector.broadcast %jit3A_145 : i32 to vector<8x640xi32>
    %select_n3A_147 = arith.select %eq3A_98, %scan3A_86#1, %broadcast_in_dim3A_146 : vector<8x640xi1>, vector<8x640xi32>
    %swap3A_148 = arith.constant 0 : index
    %swap3A_149 = arith.constant 0 : index
    %swap3A_150 = vector.load %arg7[%swap3A_148, %swap3A_149] : memref<8x640xi32, #tpu.memory_space<vmem>>, vector<8x640xi32>
    tpu.vector_store %arg7[%swap3A_148, %swap3A_149], %select_n3A_147 {strides = array<i32>} : memref<8x640xi32, #tpu.memory_space<vmem>>, vector<8x640xi32>,
    %mul3A_151 = arith.mulf %div3A_123, %select_n3A_103 : vector<8x640xf32>
    %swap3A_152 = arith.constant 0 : index
    %swap3A_153 = arith.constant 0 : index
    %swap3A_154 = vector.load %arg8[%swap3A_152, %swap3A_153] : memref<8x640xf32, #tpu.memory_space<vmem>>, vector<8x640xf32>
    tpu.vector_store %arg8[%swap3A_152, %swap3A_153], %mul3A_151 {strides = array<i32>} : memref<8x640xf32, #tpu.memory_space<vmem>>, vector<8x640xf32>,
    %mul3A_155 = arith.mulf %div3A_119, %select_n3A_103 : vector<8x640xf32>
    %swap3A_156 = arith.constant 0 : index
    %swap3A_157 = arith.constant 0 : index
    %swap3A_158 = vector.load %arg9[%swap3A_156, %swap3A_157] : memref<8x640xf32, #tpu.memory_space<vmem>>, vector<8x640xf32>
    tpu.vector_store %arg9[%swap3A_156, %swap3A_157], %mul3A_155 {strides = array<i32>} : memref<8x640xf32, #tpu.memory_space<vmem>>, vector<8x640xf32>,
    %convert_element_type3A = arith.extui %eq3A_98 : vector<8x640xi1> to vector<8x640xi32>
    %swap3A_159 = arith.constant 0 : index
    %swap3A_160 = arith.constant 0 : index
    %swap3A_161 = vector.load %arg10[%swap3A_159, %swap3A_160] : memref<8x640xi32, #tpu.memory_space<vmem>>, vector<8x640xi32>
    tpu.vector_store %arg10[%swap3A_159, %swap3A_160], %convert_element_type3A {strides = array<i32>} : memref<8x640xi32, #tpu.memory_space<vmem>>, vector<8x640xi32>,
    return
  }
}

</mosaic_0001>

<sc_bundles>
// kernel: kernel.4.cloned.1.call-start
scs
__scs_entry_jumppad:
0x0: {  	(pc) =	sbr.rel $0x88, $3  }
0x1: {  	(tag) =	ssettag $0x0;
	lr =	simm.s32 $0x1  }
0x2: {  	[smem:$0x3F9F] =	sst lr;
	_ =	strace $0xD0000000  }
0x3: {  	_ = 	snop  }
0x4: {  	_ = 	snop  }
0x5: {  	_ = 	snop  }
0x6: {  	_ = 	snop  }
0x7: {  	_ = 	snop  }
__scs_overlays_trampoline_lowered:
0x8: {  	[smem:$0x3FAE] =	sst s0  }
0x9: {  	[smem:$0x3FAF] =	sst s1  }
0xa: {  	[smem:$0x3FB0] =	sst s2  }
0xb: {  	[smem:$0x3FB1] =	sst s3  }
0xc: {  	[smem:$0x3FB2] =	sst s4  }
0xd: {  	[smem:$0x3FB3] =	sst s5  }
0xe: {  	[smem:$0x3FB4] =	sst s6  }
0xf: {  	[smem:$0x3FB5] =	sst s7  }
0x10: {  	[smem:$0x3FB6] =	sst s8  }
0x11: {  	[smem:$0x3FB7] =	sst s9;
	s0 =	simm.s32 @!p0 $0x0  }
0x12: {  	s1 =	sld [smem:$0x3F9D];
	s0 =	simm.s32 @p0 $0x1  }
0x13: {  	[smem:$0x3FB8] =	sst s0;
	s0 =	simm.s32 @!p1 $0x0  }
0x14: {  	s2 =	sld [smem:$0x3F9C];
	s0 =	simm.s32 @p1 $0x1  }
0x15: {  	[smem:$0x3FB9] =	sst s0;
	s0 =	simm.s32 @!p2 $0x0  }
0x16: {  	s3 =	sld [smem:$0x3FDB];
	s0 =	simm.s32 @p2 $0x1  }
0x17: {  	s4 =	simm.s32 $0x1BF5;
	[smem:$0x3FBB] =	sst s0  }
0x18: {  	s0 =	sld [smem:$0x3F9E];
	_ =	swait.ge [sflag:s4], $0x0  }
0x19: {  	s7 =	sld [smem:$0x3F9F]  }
0x1a: {  	s8 =	sadd.s32 $0xFFFFE003, lr  }
0x1b: {  	s9 =	sadd.s32 $0xFFFFFEF7, lr;
	s5 =	simm.s32 $0xFFFFFFFF;
	p2 =	slt.u32 s8, $0xFFFFF086  }
0x1c: {  	p1 =	slt.u32 s9, $0xF7A;
	s5 =	simm.s32 @!p2 $0x0  }
0x1d: {  	s5 =	simm.s32 @p1 $0x1;
	p0 =	seq.s32 s7, s2  }
0x1e: {  	s7 =	smul.u32 @!p0 $0xF7A, s2;
	p2 =	seq.s32 @!p0 s5, $0x0  }
0x1f: {  	s9 =	smul.u32 $0xF7A, s1;
	s8 =	simm.s32 @!p0 $0x1BF5;
	p2 =	por !p2, p0  }
0x20: {  	[sflag:s8] =	ssyncset.s32 @!p0 $0xFFFFF086;
	s6 =	sadd.s32 @!p0 s3, s7;
	s7 =	simm.s32 @!p0 $0x108  }
0x21: {  	s3 =	sadd.s32 s3, s9;
	s6 =	sadd.s32 @!p0 $0x88, s6;
	s7 =	simm.s32 @p2 $0x1082  }
0x22: {  	[simem:s7], [sflag:s8] =	dma.local @!p0 [hbm:s6], $0xF7A  }
0x23: {  	s9 =	sor.u32 $0xD0000000, s2;
	s6 =	simm.s32 $0x108;
	_ =	swait.ge @!p0 [sflag:s8], $0x0  }
0x24: {  	s3 =	sadd.s32 $0x88, s3;
	s6 =	simm.s32 @!p1 $0x1082;
	[sflag:s4] =	ssyncset.s32 $0xFFFFF086  }
0x25: {  	[simem:s6], [sflag:s4] =	dma.local [hbm:s3], $0xF7A  }
0x26: {  	[smem:$0x3F9F] =	sst s1;
	(tag) =	ssettag s2;
	_ =	strace s9  }
0x27: {  	s1 =	sld [smem:$0x3FAF]  }
0x28: {  	s2 =	sld [smem:$0x3FB0]  }
0x29: {  	s4 =	sld [smem:$0x3FB2]  }
0x2a: {  	p0 =	seq.s32 s5, $0x0;
	s5 =	sld [smem:$0x3FB3]  }
0x2b: {  	s6 =	sld [smem:$0x3FB4]  }
0x2c: {  	s7 =	sld [smem:$0x3FB5]  }
0x2d: {  	s3 =	simm.s32 $0x108;
	s8 =	sld [smem:$0x3FB6]  }
0x2e: {  	s3 =	simm.s32 @!p0 $0x1082;
	s9 =	sld [smem:$0x3FB7]  }
0x2f: {  	lr =	sadd.s32 s0, s3;
	s0 =	sld [smem:$0x3FAE]  }
0x30: {  	s3 =	sld [smem:$0x3FB1]  }
0x31: {  	[smem:$0x3FBA] =	sst s10  }
0x32: {  	s10 =	sld [smem:$0x3FB8];
	_ =	sdelay $0x3  }
0x33: {  	p0 =	seq.s32 s10, $0x1;
	s10 =	sld [smem:$0x3FBA];
	_ =	sdelay $0x3  }
0x34: {  	[smem:$0x3FBA] =	sst s10  }
0x35: {  	s10 =	sld [smem:$0x3FB9];
	_ =	sdelay $0x3  }
0x36: {  	p1 =	seq.s32 s10, $0x1;
	s10 =	sld [smem:$0x3FBA];
	_ =	sdelay $0x3  }
0x37: {  	[smem:$0x3FBA] =	sst s10  }
0x38: {  	s10 =	sld [smem:$0x3FBB]  }
0x39: {  	_ = 	snop;
	(pc) =	sbr.ind lr, $3  }
0x3a: {  	_ = 	snop  }
0x3b: {  	_ = 	snop  }
0x3c: {  	p2 =	seq.s32 s10, $0x1;
	s10 =	sld [smem:$0x3FBA]  }
0x3d: {  	_ =	shalt  }
0x3e: {  	_ =	shalt  }
0x3f: {  	_ =	shalt  }
0x40: {  	_ =	shalt  }
0x41: {  	_ =	shalt  }
0x42: {  	_ =	shalt  }
0x43: {  	_ =	shalt  }
0x44: {  	_ =	shalt  }
0x45: {  	_ =	shalt  }
0x46: {  	_ =	shalt  }
0x47: {  	_ =	shalt  }
0x48: {  	_ =	shalt  }
0x49: {  	_ =	shalt  }
0x4a: {  	_ =	shalt  }
0x4b: {  	_ =	shalt  }
0x4c: {  	_ =	shalt  }
0x4d: {  	_ =	shalt  }
0x4e: {  	_ =	shalt  }
0x4f: {  	_ =	shalt  }
0x50: {  	_ =	shalt  }
0x51: {  	_ =	shalt  }
0x52: {  	_ =	shalt  }
0x53: {  	_ =	shalt  }
0x54: {  	_ =	shalt  }
0x55: {  	_ =	shalt  }
0x56: {  	_ =	shalt  }
0x57: {  	_ =	shalt  }
0x58: {  	_ =	shalt  }
0x59: {  	_ =	shalt  }
0x5a: {  	_ =	shalt  }
0x5b: {  	_ =	shalt  }
0x5c: {  	_ =	shalt  }
0x5d: {  	_ =	shalt  }
0x5e: {  	_ =	shalt  }
0x5f: {  	_ =	shalt  }
0x60: {  	_ =	shalt  }
0x61: {  	_ =	shalt  }
0x62: {  	_ =	shalt  }
0x63: {  	_ =	shalt  }
0x64: {  	_ =	shalt  }
0x65: {  	_ =	shalt  }
0x66: {  	_ =	shalt  }
0x67: {  	_ =	shalt  }
0x68: {  	_ =	shalt  }
0x69: {  	_ =	shalt  }
0x6a: {  	_ =	shalt  }
0x6b: {  	_ =	shalt  }
0x6c: {  	_ =	shalt  }
0x6d: {  	_ =	shalt  }
0x6e: {  	_ =	shalt  }
0x6f: {  	_ =	shalt  }
0x70: {  	_ =	shalt  }
0x71: {  	_ =	shalt  }
0x72: {  	_ =	shalt  }
0x73: {  	_ =	shalt  }
0x74: {  	_ =	shalt  }
0x75: {  	_ =	shalt  }
0x76: {  	_ =	shalt  }
0x77: {  	_ =	shalt  }
0x78: {  	_ =	shalt  }
0x79: {  	_ =	shalt  }
0x7a: {  	_ =	shalt  }
0x7b: {  	_ =	shalt  }
0x7c: {  	_ =	shalt  }
0x7d: {  	_ =	shalt  }
0x7e: {  	_ =	shalt  }
0x7f: {  	_ =	shalt  }
0x80: {  	_ =	shalt  }
0x81: {  	_ =	shalt  }
0x82: {  	_ =	shalt  }
0x83: {  	_ =	shalt  }
0x84: {  	_ =	shalt  }
0x85: {  	_ =	shalt  }
0x86: {  	_ =	shalt  }
0x87: {  	_ =	shalt  }
.Lfunc_end0:
.L_simem_size_0:
called_computation_lowered:
.L_overlay_start_0:
0x88: {  	s2 =	sld [smem:$0x3FD9]  }
0x89: {  	s3 =	sld [smem:$0x3FFE];
	_ =	sdelay $0x1  }
0x8a: {  	s1 =	srdreg.scid  }
0x8b: {  	s0 =	sand.u32 $0x1, s1  }
0x8c: {  	s14 =	sshll.u32 s0, $0xA;
	s2 =	sadd.s32 s3, s2  }
0x8d: {  	s2 =	sadd.s32 s2, s14  }
0x8e: {  	[smem:$0x3FC6] =	sst s2  }
0x8f: {  	_ = 	snop  }
0x90: {  	s2 =	sld [smem:$0x3FD0];
	_ =	sdelay $0x2  }
0x91: {  	s15 =	simm.s32 $0xA;
	s4 =	simm.s32 $0x10  }
0x92: {  	[smem:s4], [sflag:s15] =	dma.local [hbm:s2], $0x1  }
0x93: {  	_ =	swait.eq [sflag:s15], $0x1  }
0x94: {  	[sflag:s15] =	ssyncset.done $0x0  }
0x95: {  	[sflag:s15] =	ssyncadd.s32 $0xFFFFFFFF  }
0x96: {  	s16 =	sld [smem:$0x15];
	(tm) =	ssettm $0x1  }
0x97: {  	s17 =	sld [smem:$0x3FFB];
	_ =	sdelay $0x3  }
0x98: {  	_ =	strace s17  }
0x99: {  	s3 =	sld [smem:$0x3FFC];
	_ =	sdelay $0x3  }
0x9a: {  	_ =	strace s3  }
0x9b: {  	s3 =	sld [smem:$0x3FFD];
	_ =	sdelay $0x3  }
0x9c: {  	_ =	strace s3  }
0x9d: {  	_ =	strace $0x8FFFFFFF  }
0x9e: {  	s18 =	sld [smem:$0x3FDB];
	_ =	sdelay $0x1  }
0x9f: {  	s19 =	simm.s32 $_scs_section_size  }
0xa0: {  	s5 =	simm.s32 $_size__tile_overlayer_lowered;
	s6 =	simm.s32 $_tile_overlayer_lowered  }
0xa1: {  	s22 =	simm.s32 $0x1BFF;
	s21 =	sshll.u32 s6, $0x1;
	s3 =	sadd.s32 s19, s18  }
0xa2: {  	s7 =	simm.s32 $0x0;
	s20 =	sshll.u32 s5, $0x1;
	s5 =	sadd.s32 s21, s3  }
0xa3: {  	[timem:s7], [sflag:s22] =	dma.local [hbm:s5], s20  }
0xa4: {  	_ =	swait.ge [sflag:s22], s20  }
0xa5: {  	s4 =	ssub.s32 $0x0, s20;
	[sflag:s22] =	ssyncset.done $0x0  }
0xa6: {  	[sflag:s22] =	ssyncadd.s32 s4;
	_ =	sdelay $0x1  }
0xa7: {  	s23 =	simm.s32 $0x1B8B  }
0xa8: {  	_ =	swait.ge [sflag:s23], $0x1  }
0xa9: {  	[sflag:s23] =	ssyncset.done $0x0  }
0xaa: {  	s25 =	simm.s32 $0x1B8E;
	s24 =	sld [smem:$0x3FFE];
	[sflag:s23] =	ssyncadd.s32 $0xFFFFFFFF  }
0xab: {  	s26 =	simm.s32 $execute0_lowered;
	[smem:$0x3FD2] =	sst s25  }
0xac: {  	s5 =	sshll.u32 s26, $0x1;
	_ =	strace $0x80000046;
	[dreg:$0x1] =	wrdreg $0xFFFFFFFF  }
0xad: {  	s28 =	simm.s32 $_size_execute0_lowered;
	s3 =	sadd.s32 s3, s5;
	[dreg:$0x0] =	wrdreg $0x0  }
0xae: {  	s5 =	sshll.u32 s28, $0x1;
	[dreg:$0x2] =	wrdreg s3  }
0xaf: {  	[dreg:$0x3] =	wrdreg s5  }
0xb0: {  	[dreg:$0x4] =	wrdreg $0xC0  }
0xb1: {  	_ =	task [dreg:s7], $0x5FFFF  }
0xb2: {  	[dreg:$0x1] =	wrdreg $0xFFFFFFFF  }
0xb3: {  	[dreg:$0x0] =	wrdreg $0x60  }
0xb4: {  	[dreg:$0x2] =	wrdreg s24  }
0xb5: {  	[dreg:$0x3] =	wrdreg s16  }
0xb6: {  	[dreg:$0x4] =	wrdreg $0x9  }
0xb7: {  	_ =	task.clear_ibuf [dreg:s7], $0x5FFFF;
	_ =	strace $0x90000046  }
0xb8: {  	s29 =	simm.s32 $0x9;
	_ =	strace $0x80000048  }
0xb9: {  	_ =	swait.ge [sflag:s29], $0x1  }
0xba: {  	[sflag:s29] =	ssyncadd.s32 $0xFFFFFFFF  }
0xbb: {  	_ =	strace $0x90000048  }
0xbc: {  	_ =	sfence  }
0xbd: {  	s30 =	sld [smem:$0x0];
	_ =	sdelay $0x2  }
0xbe: {  	s31 =	sshll.u32 s1, $0xD;
	s1 =	sshrl.u32 s1, $0x2  }
0xbf: {  	s3 =	sand.u32 $0x4000, s31;
	s1 =	sadd.s32 s1, s30  }
0xc0: {  	s0 =	sor.u32 s3, s0;
	s1 =	sshll.u32 s1, $0x11  }
0xc1: {  	s0 =	sor.u32 s1, s0  }
0xc2: {  	s0 =	sadd.s32 $0x8F2B, s0  }
0xc3: {  	[sflag:s0] =	ssyncadd.remote.s32 $0x1  }
0xc4: {  	_ =	sfence.sel $0xFFFF  }
0xc5: {  	[dreg:$0x0] =	wrdreg $0xFFFFFFFF;
	(pc) =	sbr.abs _section_cstart, $3  }
0xc6: {  	[dreg:$0x1] =	wrdreg $0xFFFFFFFF  }
0xc7: {  	_ =	task.clear_ibuf [dreg:s7], $0x2FFFF;
	_ =	strace $0x9FFFFFFF  }
0xc8: {  	(tm) =	ssettm $0x7FFFFFFF  }
0xc9: {  	_ =	shalt  }
tec
execute0_lowered:
.L_overlay_start_1:
0x0: {  	(tag) =	ssettag $0x1  }
0x1: {  	s4 =	rddreg [dreg:$0x0]  }
0x2: {  	s1 =	rddreg [dreg:$0x1];
	s2 =	simm.s32 $0x0  }
0x3: {  	[smem:$0x7FF] =	sst s2  }
0x4: {  	s0 =	rddreg [dreg:$0x2];
	v0 =	vimm.f32 $2.000000000e+00;
	_ =	strace $0x80000047  }
0x5: {  	(erf) = vrcp.f32 v0;
	_ =	sdelay $0x1  }
0x6: {  	s5 =	srdreg.scid;
	s3 =	stileid.u32  }
0x7: {  	s5 =	sand.u32 $0x1, s5;
	s6 =	sshll.u32 s3, $0x1  }
0x8: {  	s10 =	simm.s32 $0x1;
	s11 =	simm.s32 $0x100;
	s6 =	sor.u32 s5, s6  }
0x9: {  	s12 =	simm.s32 $0x200;
	s5 =	ssub.s32 $0x2, s5;
	s6 =	smul.u32 $0x14, s6  }
0xa: {  	s13 =	simm.s32 $0x300;
	s14 =	simm.s32 $0x400;
	s7 =	sshrl.u32 s5, $0x1  }
0xb: {  	s15 =	simm.s32 $0x600;
	s9 =	ssub.s32 s5, s7;
	s8 =	sadd.s32 s6, s4  }
0xc: {  	s9 =	smax.u32 s9, $0x1;
	s4 =	sadd.s32 $0x1600, s8;
	s5 =	sadd.s32 $0x1200, s8  }
0xd: {  	v1 =	vimm.s32 $0x0;
	s6 =	sadd.s32 $0xE00, s8;
	s7 =	sadd.s32 $0xA00, s8;
	s8 =	sadd.s32 $0x1A00, s8;
	v0 =	vpop (erf)  }
.LBB2_1:
0xe: {  	[tilespmem:s2], [sflag:$0x1] =	stream.linear.gather [hbm4b:s4+s2], $0xA0, $0x38;
	[tilespmem:$0x700] =	vst v63  }
0xf: {  	_ =	swait.ge [sflag:s10], $0xA0  }
0x10: {  	[sflag:s10] =	ssyncset.done $0x0  }
0x11: {  	[sflag:s10] =	ssyncadd.s32 $0xFFFFFF60  }
0x12: {  	[tilespmem:s11], [sflag:$0x1] =	stream.linear.gather [hbm4b:s5+s2], $0xA0, $0x38;
	[tilespmem:$0x700] =	vst v63  }
0x13: {  	_ =	swait.ge [sflag:s10], $0xA0  }
0x14: {  	[sflag:s10] =	ssyncset.done $0x0  }
0x15: {  	[sflag:s10] =	ssyncadd.s32 $0xFFFFFF60  }
0x16: {  	[tilespmem:s12], [sflag:$0x1] =	stream.linear.gather [hbm4b:s6+s2], $0xA0, $0x38;
	[tilespmem:$0x700] =	vst v63  }
0x17: {  	_ =	swait.ge [sflag:s10], $0xA0  }
0x18: {  	[sflag:s10] =	ssyncset.done $0x0  }
0x19: {  	[sflag:s10] =	ssyncadd.s32 $0xFFFFFF60  }
0x1a: {  	[tilespmem:s13], [sflag:$0x1] =	stream.linear.gather [hbm4b:s7+s2], $0xA0, $0x38;
	[tilespmem:$0x700] =	vst v63  }
0x1b: {  	_ =	swait.ge [sflag:s10], $0xA0  }
0x1c: {  	[sflag:s10] =	ssyncset.done $0x0  }
0x1d: {  	[sflag:s10] =	ssyncadd.s32 $0xFFFFFF60  }
0x1e: {  	[tilespmem:s14], [sflag:$0x1] =	stream.linear.gather [hbm4b:s1+s2], $0x200, $0x38;
	[tilespmem:$0x700] =	vst v63  }
0x1f: {  	_ =	swait.ge [sflag:s10], $0x200  }
0x20: {  	[sflag:s10] =	ssyncset.done $0x0  }
0x21: {  	[sflag:s10] =	ssyncadd.s32 $0xFFFFFE00  }
0x22: {  	v16 =	vld [tilespmem:$0x410]  }
0x23: {  	v17 =	vld [tilespmem:$0x430]  }
0x24: {  	v2 =	vld [tilespmem:$0x300]  }
0x25: {  	v8 =	vld [tilespmem:$0x450]  }
0x26: {  	v3 =	vld [tilespmem:$0x100]  }
0x27: {  	v9 =	vld [tilespmem:$0x470]  }
0x28: {  	v21 =	vld [tilespmem:$0x400]  }
0x29: {  	v11 =	vld [tilespmem:$0x420]  }
0x2a: {  	v6 =	vld [tilespmem:$0x200]  }
0x2b: {  	v12 =	vld [tilespmem:$0x0]  }
0x2c: {  	v5 =	vld [tilespmem:$0x4B0]  }
0x2d: {  	v14 =	vld [tilespmem:$0x480]  }
0x2e: {  	v37 =	vld [tilespmem:$0x4A0]  }
0x2f: {  	v19 =	vld [tilespmem:$0x4C0]  }
0x30: {  	v22 =	vld [tilespmem:$0x4E0]  }
0x31: {  	v20 =	vld [tilespmem:$0x500];
	v2 =	vmul.f32 v2, v0  }
0x32: {  	v49 =	vld [tilespmem:$0x520];
	v4 =	vsub.f32 v17, v16;
	v13 =	vmul.f32 v6, v0  }
0x33: {  	v41 =	vld [tilespmem:$0x310];
	v7 =	vsub.f32 v3, v2;
	v2 =	vadd.f32 v2, v3  }
0x34: {  	(erf) = vrcp.f32 v4;
	v3 =	vsub.f32 v9, v8;
	v4 =	vld [tilespmem:$0x490];
	v15 =	vsub.f32 v12, v13  }
0x35: {  	v10 =	vld [tilespmem:$0x440];
	v12 =	vadd.f32 v13, v12;
	v2 =	vadd.f32 v2, v7  }
0x36: {  	v6 =	vld [tilespmem:$0x4D0];
	v29 =	vsub.f32 v11, v21;
	v28 =	vsub.f32 v37, v14  }
0x37: {  	(erf) = vrcp.f32 v3;
	v3 =	vld [tilespmem:$0x460];
	v12 =	vadd.f32 v12, v15;
	v42 =	vmul.f32 v2, v0  }
0x38: {  	v30 =	vsub.f32 v22, v19;
	v32 =	vsub.f32 v49, v20;
	v41 =	vmul.f32 v41, v0;
	v7 =	vld [tilespmem:$0x4F0]  }
0x39: {  	v15 =	vld [tilespmem:$0x570];
	v43 =	vmul.f32 v12, v0;
	v36 =	vsub.f32 v5, v4;
	v35 =	vsub.f32 v42, v16  }
0x3a: {  	v2 =	vld [tilespmem:$0x510];
	v18 =	vsub.f32 v42, v8;
	vm0 =	vgt.f32 v16, v42;
	vm1 =	vgt.f32 v17, v42  }
0x3b: {  	v12 =	vld [tilespmem:$0x550];
	v48 =	vsub.f32 v42, v4;
	vm14 =	vgt.f32 v8, v42;
	vm3 =	vgt.f32 v9, v42  }
0x3c: {  	v50 =	vsub.f32 v42, v6;
	vm15 =	vgt.f32 v4, v42;
	v24 =	vsub.f32 v3, v10;
	v3 =	vld [tilespmem:$0x530]  }
0x3d: {  	v23 =	vld [tilespmem:$0x540];
	vm6 =	vgt.f32 v5, v42;
	vm8 =	vgt.f32 v6, v42;
	v39 =	vsub.f32 v7, v6  }
0x3e: {  	v56 =	vld [tilespmem:$0x110];
	vm0 =	vmxor vm0, vm1;
	vm1 =	vmxor vm14, vm3;
	v33 =	vpop (erf);
	(erf) = vrcp.f32 v36  }
0x3f: {  	vm9 =	vgt.f32 v7, v42;
	v11 =	vmul.f32 v35, v29;
	v13 =	vmul.f32 v48, v28;
	v48 =	vld [tilespmem:$0x210]  }
0x40: {  	v38 =	vmul.f32 v18, v24;
	v27 =	vsub.f32 v15, v12;
	v36 =	vld [tilespmem:$0x560];
	v26 =	vpop (erf);
	(erf) = vrcp.f32 v39  }
0x41: {  	v22 =	vmul.f32 v50, v30;
	v35 =	vsub.f32 v42, v2;
	v18 =	vld [tilespmem:$0x5D0];
	v47 =	vsub.f32 v3, v2  }
0x42: {  	v55 =	vsub.f32 v42, v12;
	v11 =	vmul.f32 v11, v33;
	v45 =	vmul.f32 v38, v26  }
0x43: {  	vm11 =	vgt.f32 v2, v42;
	v51 =	vmul.f32 v35, v32;
	(erf) = vrcp.f32 v47  }
0x44: {  	v60 =	vld [tilespmem:$0x10];
	v11 =	vadd.f32 v11, v21;
	vm12 =	vgt.f32 v3, v42;
	v46 =	vadd.f32 v45, v10  }
0x45: {  	v61 =	vmul.f32 v48, v0;
	v36 =	vsub.f32 v36, v23;
	v47 =	vsub.f32 v56, v41  }
0x46: {  	vm2 =	vgt.f32 v11, v43;
	v41 =	vadd.f32 v41, v56;
	v58 =	vsub.f32 v42, v18  }
0x47: {  	v11 =	vld [tilespmem:$0x590];
	vm0 =	vmand vm0, vm2;
	vm2 =	vmxor vm11, vm12;
	v31 =	vpop (erf);
	(erf) = vrcp.f32 v27  }
0x48: {  	vm11 =	vgt.f32 v18, v42;
	vm4 =	vgt.f32 v46, v43;
	v25 =	vmul.f32 v13, v31;
	v13 =	vld [tilespmem:$0x5B0]  }
0x49: {  	v49 =	vsub.f32 v60, v61;
	v59 =	vadd.f32 v41, v47;
	vm1 =	vmand vm1, vm4;
	v34 =	vpop (erf)  }
0x4a: {  	vm0 =	vmxor vm0, vm1;
	v25 =	vadd.f32 v25, v14;
	v37 =	vmul.f32 v22, v34  }
0x4b: {  	v44 =	vld [tilespmem:$0x5E0];
	vm1 =	vmxor vm15, vm6;
	vm15 =	vgt.f32 v12, v42;
	vm6 =	vgt.f32 v15, v42  }
0x4c: {  	v57 =	vsub.f32 v42, v11;
	v22 =	vld [tilespmem:$0x5F0];
	vm7 =	vgt.f32 v25, v43;
	v52 =	vadd.f32 v37, v19;
	v35 =	vpop (erf)  }
0x4d: {  	v39 =	vld [tilespmem:$0x5A0];
	vm1 =	vmand vm1, vm7;
	v53 =	vsub.f32 v13, v11;
	v38 =	vmul.f32 v51, v35  }
0x4e: {  	v25 =	vld [tilespmem:$0x580];
	vm0 =	vmxor vm1, vm0;
	vm10 =	vgt.f32 v52, v43;
	vm1 =	vmxor vm8, vm9  }
0x4f: {  	v27 =	vld [tilespmem:$0x5C0];
	vm8 =	vgt.f32 v11, v42;
	v54 =	vadd.f32 v38, v20;
	v38 =	vmul.f32 v55, v36  }
0x50: {  	vm9 =	vgt.f32 v13, v42;
	(erf) = vrcp.f32 v53;
	vm1 =	vmand vm1, vm10;
	v37 =	vpop (erf)  }
0x51: {  	v40 =	vsub.f32 v22, v18;
	vm12 =	vgt.f32 v22, v42;
	v45 =	vmul.f32 v38, v37  }
0x52: {  	vm0 =	vmxor vm1, vm0;
	vm1 =	vmxor vm15, vm6;
	vm13 =	vgt.f32 v54, v43  }
0x53: {  	(erf) = vrcp.f32 v40;
	v38 =	vsub.f32 v39, v25;
	v45 =	vadd.f32 v45, v23  }
0x54: {  	v40 =	vsub.f32 v44, v27;
	vm14 =	vmand vm2, vm13;
	vm2 =	vmxor vm11, vm12  }
0x55: {  	vm0 =	vmxor vm14, vm0;
	vm7 =	vgt.f32 v45, v43;
	v45 =	vmul.f32 v59, v0  }
0x56: {  	v46 =	vmul.f32 v57, v38;
	v44 =	vmul.f32 v58, v40;
	vm1 =	vmand vm1, vm7  }
0x57: {  	vm0 =	vmxor vm1, vm0;
	vm1 =	vmxor vm8, vm9;
	v62 =	vsub.f32 v45, v16  }
0x58: {  	v48 =	vsub.f32 v45, v8;
	v51 =	vsub.f32 v45, v4;
	vm14 =	vgt.f32 v16, v45  }
0x59: {  	vm15 =	vgt.f32 v17, v45;
	v53 =	vsub.f32 v45, v6;
	vm9 =	vgt.f32 v8, v45  }
0x5a: {  	vm11 =	vgt.f32 v4, v45;
	vm12 =	vgt.f32 v5, v45;
	v55 =	vsub.f32 v45, v2;
	v39 =	vpop (erf)  }
0x5b: {  	v57 =	vsub.f32 v45, v12;
	vm4 =	vmxor vm11, vm12;
	v46 =	vmul.f32 v46, v39  }
0x5c: {  	v58 =	vld [tilespmem:$0x320];
	vm11 =	vgt.f32 v2, v45;
	v63 =	vmul.f32 v62, v29;
	v42 =	vmul.f32 v48, v24  }
0x5d: {  	vm12 =	vgt.f32 v3, v45;
	v52 =	vmul.f32 v51, v28;
	v54 =	vmul.f32 v53, v30;
	v41 =	vpop (erf)  }
0x5e: {  	v56 =	vmul.f32 v55, v32;
	v46 =	vadd.f32 v46, v25;
	v44 =	vmul.f32 v44, v41  }
0x5f: {  	v62 =	vsub.f32 v45, v11;
	v50 =	vmul.f32 v63, v33;
	v42 =	vmul.f32 v42, v26  }
0x60: {  	v59 =	vmul.f32 v56, v35;
	vm10 =	vgt.f32 v46, v43;
	v46 =	vadd.f32 v61, v60  }
0x61: {  	v63 =	vmul.f32 v58, v0;
	v44 =	vadd.f32 v44, v27;
	v42 =	vadd.f32 v42, v10  }
0x62: {  	v60 =	vmul.f32 v57, v36;
	v57 =	vsub.f32 v45, v18;
	v49 =	vadd.f32 v46, v49  }
0x63: {  	vm1 =	vmand vm1, vm10;
	vm10 =	vgt.f32 v9, v45;
	vm13 =	vgt.f32 v44, v43  }
0x64: {  	vm0 =	vmxor vm1, vm0;
	v44 =	vadd.f32 v50, v21;
	v43 =	vmul.f32 v49, v0  }
0x65: {  	v61 =	vld [tilespmem:$0x120];
	vm3 =	vmxor vm9, vm10;
	vm1 =	vmand vm2, vm13;
	vm2 =	vmxor vm14, vm15  }
0x66: {  	vm14 =	vgt.f32 v6, v45;
	vm15 =	vgt.f32 v7, v45;
	vm8 =	vgt.f32 v44, v43  }
0x67: {  	v44 =	vmul.f32 v52, v31;
	vm5 =	vgt.f32 v42, v43;
	v42 =	vmul.f32 v54, v34  }
0x68: {  	v55 =	vld [tilespmem:$0x220];
	vm0 =	vmxor vm1, vm0;
	v52 =	vmul.f32 v62, v38;
	vm2 =	vmand vm2, vm8  }
0x69: {  	vm3 =	vmand vm3, vm5;
	v44 =	vadd.f32 v44, v14;
	v42 =	vadd.f32 v42, v19  }
0x6a: {  	v53 =	vsub.f32 v61, v63;
	vm2 =	vmxor vm2, vm3;
	v54 =	vmul.f32 v52, v39  }
0x6b: {  	v58 =	vld [tilespmem:$0x20];
	vm13 =	vgt.f32 v44, v43;
	vm6 =	vgt.f32 v42, v43;
	v42 =	vadd.f32 v59, v20  }
0x6c: {  	v44 =	vmul.f32 v60, v37;
	v56 =	vadd.f32 v54, v25;
	v59 =	vmul.f32 v57, v40  }
0x6d: {  	v60 =	vmul.f32 v55, v0;
	vm3 =	vmand vm4, vm13;
	vm4 =	vmxor vm14, vm15  }
0x6e: {  	vm14 =	vgt.f32 v12, v45;
	vm15 =	vgt.f32 v15, v45;
	vm2 =	vmxor vm3, vm2  }
0x6f: {  	vm13 =	vgt.f32 v42, v43;
	v44 =	vadd.f32 v44, v23;
	v42 =	vadd.f32 v63, v61  }
0x70: {  	vm9 =	vmand vm4, vm6;
	v62 =	vsub.f32 v58, v60;
	v46 =	vadd.f32 v60, v58  }
0x71: {  	vm10 =	vmxor vm9, vm2;
	vm2 =	vmxor vm11, vm12;
	vm9 =	vgt.f32 v11, v45  }
0x72: {  	vm11 =	vgt.f32 v56, v43;
	vm2 =	vmand vm2, vm13;
	vm8 =	vgt.f32 v44, v43  }
0x73: {  	v42 =	vadd.f32 v42, v53;
	v44 =	vmul.f32 v59, v41;
	vm13 =	vgt.f32 v18, v45  }
0x74: {  	v46 =	vadd.f32 v46, v62;
	vm1 =	vmxor vm2, vm10;
	vm2 =	vmxor vm14, vm15  }
0x75: {  	vm10 =	vgt.f32 v13, v45;
	vm14 =	vgt.f32 v22, v45;
	vm2 =	vmand vm2, vm8  }
0x76: {  	v42 =	vmul.f32 v42, v0;
	vm3 =	vmxor vm9, vm10;
	v44 =	vadd.f32 v44, v27  }
0x77: {  	vm1 =	vmxor vm2, vm1;
	vm12 =	vmand vm3, vm11;
	vm2 =	vmxor vm13, vm14  }
0x78: {  	v61 =	vsub.f32 v42, v16;
	vm1 =	vmxor vm12, vm1;
	v63 =	vsub.f32 v42, v8  }
0x79: {  	vm15 =	vgt.f32 v44, v43;
	v44 =	vmul.f32 v46, v0;
	v51 =	vsub.f32 v42, v4  }
0x7a: {  	vm8 =	vgt.f32 v16, v42;
	vm9 =	vgt.f32 v17, v42;
	vm11 =	vgt.f32 v8, v42  }
0x7b: {  	v53 =	vsub.f32 v42, v6;
	vm12 =	vgt.f32 v9, v42;
	v56 =	vsub.f32 v42, v2  }
0x7c: {  	vm14 =	vgt.f32 v4, v42;
	v59 =	vsub.f32 v42, v12;
	vm2 =	vmand vm2, vm15  }
0x7d: {  	vm3 =	vmxor vm8, vm9;
	vm4 =	vmxor vm11, vm12;
	vm15 =	vgt.f32 v5, v42  }
0x7e: {  	vm9 =	vgt.f32 v6, v42;
	v47 =	vmul.f32 v61, v29;
	v49 =	vmul.f32 v63, v24  }
0x7f: {  	vm12 =	vgt.f32 v2, v42;
	v52 =	vmul.f32 v51, v28;
	v55 =	vmul.f32 v53, v30  }
0x80: {  	v60 =	vld [tilespmem:$0x330];
	v46 =	vmul.f32 v56, v32;
	vm5 =	vmxor vm14, vm15;
	v62 =	vmul.f32 v59, v36  }
0x81: {  	v56 =	vsub.f32 v42, v18;
	v47 =	vmul.f32 v47, v33;
	v43 =	vmul.f32 v49, v26  }
0x82: {  	vm1 =	vmxor vm2, vm1;
	v54 =	vmul.f32 v52, v31;
	v45 =	vmul.f32 v55, v34  }
0x83: {  	v63 =	vld [tilespmem:$0x130];
	v58 =	vmul.f32 v46, v35;
	v52 =	vsub.f32 v42, v11;
	v50 =	vadd.f32 v47, v21  }
0x84: {  	v51 =	vmul.f32 v62, v37;
	v43 =	vadd.f32 v43, v10;
	v57 =	vadd.f32 v45, v19  }
0x85: {  	v55 =	vld [tilespmem:$0x230];
	v61 =	vadd.f32 v58, v20;
	v47 =	vmul.f32 v60, v0;
	v45 =	vmul.f32 v52, v38  }
0x86: {  	v58 =	vmul.f32 v56, v40;
	vm10 =	vgt.f32 v50, v44;
	vm13 =	vgt.f32 v43, v44  }
0x87: {  	v43 =	vadd.f32 v54, v14;
	vm7 =	vgt.f32 v57, v44;
	vm14 =	vgt.f32 v61, v44  }
0x88: {  	v53 =	vsub.f32 v63, v47;
	v46 =	vadd.f32 v47, v63;
	v54 =	vmul.f32 v45, v39  }
0x89: {  	vm3 =	vmand vm3, vm10;
	vm4 =	vmand vm4, vm13;
	vm10 =	vgt.f32 v7, v42  }
0x8a: {  	vm13 =	vgt.f32 v3, v42;
	v45 =	vmul.f32 v55, v0;
	vm3 =	vmxor vm3, vm4  }
0x8b: {  	vm8 =	vgt.f32 v43, v44;
	v43 =	vadd.f32 v51, v23;
	v46 =	vadd.f32 v46, v53  }
0x8c: {  	v57 =	vld [tilespmem:$0x30];
	vm4 =	vmand vm5, vm8;
	vm5 =	vmxor vm9, vm10;
	vm9 =	vgt.f32 v12, v42  }
0x8d: {  	vm10 =	vgt.f32 v15, v42;
	vm3 =	vmxor vm4, vm3;
	vm11 =	vmand vm5, vm7  }
0x8e: {  	vm5 =	vmxor vm12, vm13;
	vm13 =	vgt.f32 v11, v42;
	v46 =	vmul.f32 v46, v0  }
0x8f: {  	vm3 =	vmxor vm11, vm3;
	vm15 =	vmand vm5, vm14;
	vm11 =	vgt.f32 v43, v44  }
0x90: {  	vm5 =	vmxor vm9, vm10;
	v43 =	vadd.f32 v54, v25;
	vm14 =	vgt.f32 v13, v42  }
0x91: {  	v60 =	vsub.f32 v57, v45;
	v45 =	vadd.f32 v45, v57;
	vm9 =	vgt.f32 v18, v42  }
0x92: {  	vm10 =	vgt.f32 v22, v42;
	vm3 =	vmxor vm15, vm3;
	vm12 =	vmand vm5, vm11  }
0x93: {  	vm4 =	vmxor vm13, vm14;
	v59 =	vsub.f32 v46, v16;
	v61 =	vsub.f32 v46, v8  }
0x94: {  	v51 =	vsub.f32 v46, v4;
	vm13 =	vgt.f32 v17, v46;
	v53 =	vsub.f32 v46, v6  }
0x95: {  	v56 =	vsub.f32 v46, v2;
	vm3 =	vmxor vm12, vm3;
	vm15 =	vgt.f32 v43, v44  }
0x96: {  	v43 =	vmul.f32 v58, v41;
	v62 =	vadd.f32 v45, v60;
	vm12 =	vgt.f32 v16, v46  }
0x97: {  	vm4 =	vmand vm4, vm15;
	v47 =	vmul.f32 v59, v29;
	v49 =	vmul.f32 v61, v24  }
0x98: {  	v52 =	vmul.f32 v51, v28;
	vm15 =	vgt.f32 v8, v46;
	v55 =	vmul.f32 v53, v30  }
0x99: {  	v45 =	vmul.f32 v56, v32;
	v59 =	vsub.f32 v46, v12;
	v53 =	vsub.f32 v46, v11  }
0x9a: {  	vm8 =	vmxor vm4, vm3;
	v43 =	vadd.f32 v43, v27;
	vm3 =	vmxor vm9, vm10  }
0x9b: {  	v60 =	vld [tilespmem:$0x340];
	v42 =	vmul.f32 v62, v0;
	vm9 =	vgt.f32 v9, v46;
	v63 =	vmul.f32 v47, v33  }
0x9c: {  	v54 =	vmul.f32 v52, v31;
	vm4 =	vmxor vm15, vm9;
	v58 =	vmul.f32 v45, v35  }
0x9d: {  	vm15 =	vgt.f32 v7, v46;
	v62 =	vmul.f32 v59, v36;
	vm11 =	vgt.f32 v43, v44  }
0x9e: {  	v43 =	vmul.f32 v49, v26;
	v44 =	vmul.f32 v55, v34;
	v55 =	vsub.f32 v46, v18  }
0x9f: {  	vm3 =	vmand vm3, vm11;
	v50 =	vadd.f32 v63, v21;
	vm11 =	vgt.f32 v4, v46  }
0xa0: {  	v61 =	vadd.f32 v58, v20;
	v52 =	vmul.f32 v62, v37;
	v47 =	vmul.f32 v60, v0  }
0xa1: {  	vm2 =	vmxor vm3, vm8;
	vm3 =	vmxor vm12, vm13;
	v43 =	vadd.f32 v43, v10  }
0xa2: {  	vm12 =	vgt.f32 v5, v46;
	v57 =	vadd.f32 v44, v19;
	v44 =	vmul.f32 v53, v38  }
0xa3: {  	v63 =	vld [tilespmem:$0x140];
	v58 =	vmul.f32 v55, v40;
	vm14 =	vgt.f32 v50, v42;
	vm5 =	vmxor vm11, vm12  }
0xa4: {  	vm11 =	vgt.f32 v2, v46;
	vm12 =	vgt.f32 v3, v46;
	vm3 =	vmand vm3, vm14  }
0xa5: {  	v56 =	vld [tilespmem:$0x240];
	vm10 =	vgt.f32 v43, v42;
	v43 =	vadd.f32 v54, v14;
	vm14 =	vgt.f32 v6, v46  }
0xa6: {  	vm9 =	vgt.f32 v57, v42;
	v44 =	vmul.f32 v44, v39;
	v60 =	vmul.f32 v58, v41  }
0xa7: {  	vm4 =	vmand vm4, vm10;
	vm13 =	vgt.f32 v43, v42;
	v43 =	vadd.f32 v52, v23  }
0xa8: {  	vm3 =	vmxor vm3, vm4;
	v54 =	vsub.f32 v63, v47;
	v45 =	vadd.f32 v47, v63  }
0xa9: {  	v44 =	vadd.f32 v44, v25;
	vm4 =	vmand vm5, vm13;
	vm5 =	vmxor vm14, vm15  }
0xaa: {  	v59 =	vld [tilespmem:$0x40];
	vm13 =	vgt.f32 v61, v42;
	vm15 =	vgt.f32 v12, v46;
	v61 =	vmul.f32 v56, v0  }
0xab: {  	vm3 =	vmxor vm4, vm3;
	vm10 =	vmand vm5, vm9;
	vm5 =	vmxor vm11, vm12  }
0xac: {  	vm9 =	vgt.f32 v15, v46;
	v57 =	vadd.f32 v45, v54;
	vm11 =	vgt.f32 v11, v46  }
0xad: {  	vm12 =	vgt.f32 v13, v46;
	vm3 =	vmxor vm10, vm3;
	vm14 =	vmand vm5, vm13  }
0xae: {  	vm10 =	vgt.f32 v43, v42;
	vm13 =	vgt.f32 v44, v42;
	v44 =	vadd.f32 v60, v27  }
0xaf: {  	vm4 =	vmxor vm15, vm9;
	v49 =	vsub.f32 v59, v61;
	v45 =	vadd.f32 v61, v59  }
0xb0: {  	vm15 =	vgt.f32 v22, v46;
	vm3 =	vmxor vm14, vm3;
	vm4 =	vmand vm4, vm10  }
0xb1: {  	v43 =	vmul.f32 v57, v0;
	vm14 =	vgt.f32 v18, v46;
	vm3 =	vmxor vm4, vm3  }
0xb2: {  	vm4 =	vmxor vm11, vm12;
	vm9 =	vgt.f32 v44, v42;
	vm5 =	vmxor vm14, vm15  }
0xb3: {  	v49 =	vadd.f32 v45, v49;
	v62 =	vsub.f32 v43, v16;
	vm4 =	vmand vm4, vm13  }
0xb4: {  	v48 =	vsub.f32 v43, v8;
	v51 =	vsub.f32 v43, v4;
	vm10 =	vgt.f32 v16, v43  }
0xb5: {  	vm11 =	vgt.f32 v17, v43;
	v53 =	vsub.f32 v43, v6;
	vm13 =	vgt.f32 v8, v43  }
0xb6: {  	vm14 =	vgt.f32 v9, v43;
	vm15 =	vgt.f32 v4, v43;
	v55 =	vsub.f32 v43, v2  }
0xb7: {  	v57 =	vsub.f32 v43, v12;
	vm3 =	vmxor vm4, vm3;
	vm4 =	vmand vm5, vm9  }
0xb8: {  	v58 =	vld [tilespmem:$0x350];
	v44 =	vmul.f32 v49, v0;
	vm5 =	vmxor vm10, vm11;
	vm6 =	vmxor vm13, vm14  }
0xb9: {  	vm14 =	vgt.f32 v6, v43;
	v63 =	vmul.f32 v62, v29;
	v42 =	vmul.f32 v48, v24  }
0xba: {  	v61 =	vld [tilespmem:$0x150];
	vm10 =	vgt.f32 v12, v43;
	v52 =	vmul.f32 v51, v28;
	v54 =	vmul.f32 v53, v30  }
0xbb: {  	vm11 =	vgt.f32 v15, v43;
	v56 =	vmul.f32 v55, v32;
	v50 =	vmul.f32 v63, v33  }
0xbc: {  	v60 =	vmul.f32 v57, v36;
	vm3 =	vmxor vm4, vm3;
	v42 =	vmul.f32 v42, v26  }
0xbd: {  	v62 =	vsub.f32 v43, v11;
	v63 =	vmul.f32 v58, v0;
	v45 =	vadd.f32 v50, v21  }
0xbe: {  	v57 =	vsub.f32 v43, v18;
	v59 =	vmul.f32 v56, v35;
	v42 =	vadd.f32 v42, v10  }
0xbf: {  	v53 =	vsub.f32 v61, v63;
	vm12 =	vgt.f32 v45, v44;
	v45 =	vmul.f32 v52, v31  }
0xc0: {  	vm8 =	vgt.f32 v42, v44;
	v42 =	vmul.f32 v54, v34;
	v52 =	vmul.f32 v62, v38  }
0xc1: {  	v55 =	vld [tilespmem:$0x250];
	vm5 =	vmand vm5, vm12;
	vm6 =	vmand vm6, vm8;
	vm12 =	vgt.f32 v5, v43  }
0xc2: {  	v45 =	vadd.f32 v45, v14;
	vm5 =	vmxor vm5, vm6;
	v42 =	vadd.f32 v42, v19  }
0xc3: {  	vm7 =	vmxor vm15, vm12;
	vm15 =	vgt.f32 v7, v43;
	v54 =	vmul.f32 v52, v39  }
0xc4: {  	v58 =	vld [tilespmem:$0x50];
	vm13 =	vgt.f32 v45, v44;
	vm9 =	vgt.f32 v42, v44;
	v42 =	vadd.f32 v59, v20  }
0xc5: {  	v45 =	vmul.f32 v60, v37;
	v56 =	vadd.f32 v54, v25;
	v59 =	vmul.f32 v57, v40  }
0xc6: {  	v60 =	vmul.f32 v55, v0;
	vm6 =	vmand vm7, vm13;
	vm7 =	vmxor vm14, vm15  }
0xc7: {  	vm14 =	vgt.f32 v2, v43;
	vm15 =	vgt.f32 v3, v43;
	vm12 =	vmand vm7, vm9  }
0xc8: {  	vm9 =	vgt.f32 v42, v44;
	v45 =	vadd.f32 v45, v23;
	v42 =	vadd.f32 v63, v61  }
0xc9: {  	vm5 =	vmxor vm6, vm5;
	v62 =	vsub.f32 v58, v60;
	v46 =	vadd.f32 v60, v58  }
0xca: {  	vm13 =	vmxor vm12, vm5;
	vm5 =	vmxor vm14, vm15;
	vm14 =	vgt.f32 v13, v43  }
0xcb: {  	vm15 =	vgt.f32 v56, v44;
	vm5 =	vmand vm5, vm9;
	vm12 =	vgt.f32 v45, v44  }
0xcc: {  	v42 =	vadd.f32 v42, v53;
	v45 =	vmul.f32 v59, v41;
	v46 =	vadd.f32 v46, v62  }
0xcd: {  	vm4 =	vmxor vm5, vm13;
	vm5 =	vmxor vm10, vm11;
	vm13 =	vgt.f32 v11, v43  }
0xce: {  	vm10 =	vgt.f32 v18, v43;
	vm11 =	vgt.f32 v22, v43;
	vm5 =	vmand vm5, vm12  }
0xcf: {  	v42 =	vmul.f32 v42, v0;
	vm6 =	vmxor vm13, vm14;
	v45 =	vadd.f32 v45, v27  }
0xd0: {  	vm4 =	vmxor vm5, vm4;
	vm9 =	vmand vm6, vm15;
	vm5 =	vmxor vm10, vm11  }
0xd1: {  	v61 =	vsub.f32 v42, v16;
	vm4 =	vmxor vm9, vm4;
	v63 =	vsub.f32 v42, v8  }
0xd2: {  	vm12 =	vgt.f32 v45, v44;
	v44 =	vmul.f32 v46, v0;
	v51 =	vsub.f32 v42, v4  }
0xd3: {  	vm13 =	vgt.f32 v16, v42;
	vm14 =	vgt.f32 v17, v42;
	v53 =	vsub.f32 v42, v6  }
0xd4: {  	v56 =	vsub.f32 v42, v2;
	v59 =	vsub.f32 v42, v12;
	vm5 =	vmand vm5, vm12  }
0xd5: {  	vm6 =	vmxor vm13, vm14;
	vm12 =	vgt.f32 v8, v42;
	v47 =	vmul.f32 v61, v29  }
0xd6: {  	vm13 =	vgt.f32 v9, v42;
	v49 =	vmul.f32 v63, v24;
	v52 =	vmul.f32 v51, v28  }
0xd7: {  	v60 =	vld [tilespmem:$0x360];
	vm7 =	vmxor vm12, vm13;
	v55 =	vmul.f32 v53, v30;
	v46 =	vmul.f32 v56, v32  }
0xd8: {  	vm12 =	vgt.f32 v5, v42;
	v62 =	vmul.f32 v59, v36;
	v47 =	vmul.f32 v47, v33  }
0xd9: {  	v56 =	vsub.f32 v42, v18;
	v43 =	vmul.f32 v49, v26;
	v54 =	vmul.f32 v52, v31  }
0xda: {  	v63 =	vld [tilespmem:$0x160];
	vm4 =	vmxor vm5, vm4;
	v45 =	vmul.f32 v55, v34;
	v58 =	vmul.f32 v46, v35  }
0xdb: {  	v51 =	vmul.f32 v62, v37;
	v52 =	vsub.f32 v42, v11;
	v50 =	vadd.f32 v47, v21  }
0xdc: {  	v55 =	vld [tilespmem:$0x260];
	v43 =	vadd.f32 v43, v10;
	v57 =	vadd.f32 v45, v19;
	v47 =	vmul.f32 v60, v0  }
0xdd: {  	v61 =	vadd.f32 v58, v20;
	v45 =	vmul.f32 v52, v38;
	v58 =	vmul.f32 v56, v40  }
0xde: {  	vm15 =	vgt.f32 v50, v44;
	vm14 =	vgt.f32 v43, v44;
	v43 =	vadd.f32 v54, v14  }
0xdf: {  	vm10 =	vgt.f32 v57, v44;
	v53 =	vsub.f32 v63, v47;
	v46 =	vadd.f32 v47, v63  }
0xe0: {  	v54 =	vmul.f32 v45, v39;
	vm6 =	vmand vm6, vm15;
	vm7 =	vmand vm7, vm14  }
0xe1: {  	vm15 =	vgt.f32 v4, v42;
	vm14 =	vgt.f32 v6, v42;
	v45 =	vmul.f32 v55, v0  }
0xe2: {  	vm6 =	vmxor vm6, vm7;
	vm13 =	vgt.f32 v43, v44;
	vm8 =	vmxor vm15, vm12  }
0xe3: {  	vm15 =	vgt.f32 v7, v42;
	v43 =	vadd.f32 v51, v23;
	v46 =	vadd.f32 v46, v53  }
0xe4: {  	v57 =	vld [tilespmem:$0x60];
	vm7 =	vmand vm8, vm13;
	vm8 =	vmxor vm14, vm15;
	vm13 =	vgt.f32 v2, v42  }
0xe5: {  	vm14 =	vgt.f32 v3, v42;
	vm15 =	vgt.f32 v61, v44;
	vm6 =	vmxor vm7, vm6  }
0xe6: {  	vm12 =	vmand vm8, vm10;
	vm8 =	vmxor vm13, vm14;
	vm13 =	vgt.f32 v12, v42  }
0xe7: {  	vm14 =	vgt.f32 v15, v42;
	v46 =	vmul.f32 v46, v0;
	vm6 =	vmxor vm12, vm6  }
0xe8: {  	vm12 =	vmand vm8, vm15;
	vm15 =	vgt.f32 v43, v44;
	vm8 =	vmxor vm13, vm14  }
0xe9: {  	v43 =	vadd.f32 v54, v25;
	vm13 =	vgt.f32 v13, v42;
	v60 =	vsub.f32 v57, v45  }
0xea: {  	v45 =	vadd.f32 v45, v57;
	vm6 =	vmxor vm12, vm6;
	vm11 =	vmand vm8, vm15  }
0xeb: {  	vm12 =	vgt.f32 v11, v42;
	v59 =	vsub.f32 v46, v16;
	v61 =	vsub.f32 v46, v8  }
0xec: {  	vm15 =	vgt.f32 v18, v42;
	v51 =	vsub.f32 v46, v4;
	v53 =	vsub.f32 v46, v6  }
0xed: {  	v55 =	vsub.f32 v46, v2;
	v57 =	vsub.f32 v46, v12;
	vm6 =	vmxor vm11, vm6  }
0xee: {  	vm14 =	vgt.f32 v43, v44;
	vm7 =	vmxor vm12, vm13;
	v43 =	vmul.f32 v58, v41  }
0xef: {  	vm12 =	vgt.f32 v22, v42;
	v62 =	vadd.f32 v45, v60;
	vm13 =	vgt.f32 v16, v46  }
0xf0: {  	vm7 =	vmand vm7, vm14;
	v47 =	vmul.f32 v59, v29;
	v49 =	vmul.f32 v61, v24  }
0xf1: {  	vm14 =	vgt.f32 v17, v46;
	v52 =	vmul.f32 v51, v28;
	v54 =	vmul.f32 v53, v30  }
0xf2: {  	v56 =	vmul.f32 v55, v32;
	v60 =	vmul.f32 v57, v36;
	v57 =	vsub.f32 v46, v18  }
0xf3: {  	v58 =	vld [tilespmem:$0x370];
	vm5 =	vmxor vm7, vm6;
	v43 =	vadd.f32 v43, v27;
	vm7 =	vmxor vm15, vm12  }
0xf4: {  	v42 =	vmul.f32 v62, v0;
	vm8 =	vmxor vm13, vm14;
	vm12 =	vgt.f32 v8, v46  }
0xf5: {  	v61 =	vld [tilespmem:$0x170];
	vm13 =	vgt.f32 v9, v46;
	vm14 =	vgt.f32 v4, v46;
	v62 =	vsub.f32 v46, v11  }
0xf6: {  	v63 =	vmul.f32 v47, v33;
	vm9 =	vmxor vm12, vm13;
	v59 =	vmul.f32 v56, v35  }
0xf7: {  	vm6 =	vgt.f32 v43, v44;
	v43 =	vmul.f32 v49, v26;
	v44 =	vmul.f32 v52, v31  }
0xf8: {  	v55 =	vld [tilespmem:$0x270];
	v52 =	vmul.f32 v62, v38;
	v50 =	vadd.f32 v63, v21;
	v63 =	vmul.f32 v58, v0  }
0xf9: {  	vm6 =	vmand vm7, vm6;
	v43 =	vadd.f32 v43, v10;
	v44 =	vadd.f32 v44, v14  }
0xfa: {  	vm5 =	vmxor vm6, vm5;
	vm15 =	vgt.f32 v50, v42;
	v53 =	vsub.f32 v61, v63  }
0xfb: {  	vm8 =	vmand vm8, vm15;
	vm11 =	vgt.f32 v43, v42;
	vm15 =	vgt.f32 v5, v46  }
0xfc: {  	v58 =	vld [tilespmem:$0x70];
	v43 =	vmul.f32 v54, v34;
	vm12 =	vgt.f32 v44, v42;
	v44 =	vmul.f32 v60, v37  }
0xfd: {  	v54 =	vmul.f32 v52, v39;
	v60 =	vmul.f32 v55, v0;
	vm9 =	vmand vm9, vm11  }
0xfe: {  	vm10 =	vmxor vm14, vm15;
	vm11 =	vgt.f32 v7, v46;
	vm15 =	vgt.f32 v2, v46  }
0xff: {  	vm8 =	vmxor vm8, vm9;
	vm9 =	vmand vm10, vm12;
	v43 =	vadd.f32 v43, v19  }
0x100: {  	vm10 =	vgt.f32 v6, v46;
	v44 =	vadd.f32 v44, v23;
	v56 =	vadd.f32 v54, v25  }
0x101: {  	v62 =	vsub.f32 v58, v60;
	v45 =	vadd.f32 v60, v58;
	vm10 =	vmxor vm10, vm11  }
0x102: {  	vm8 =	vmxor vm9, vm8;
	vm12 =	vgt.f32 v43, v42;
	v43 =	vadd.f32 v59, v20  }
0x103: {  	v59 =	vmul.f32 v57, v40;
	v45 =	vadd.f32 v45, v62;
	vm13 =	vmand vm10, vm12  }
0x104: {  	vm12 =	vgt.f32 v3, v46;
	vm14 =	vmxor vm13, vm8;
	vm13 =	vgt.f32 v43, v42  }
0x105: {  	vm8 =	vmxor vm15, vm12;
	v43 =	vadd.f32 v63, v61;
	vm15 =	vgt.f32 v15, v46  }
0x106: {  	vm12 =	vgt.f32 v44, v42;
	v44 =	vmul.f32 v59, v41;
	vm8 =	vmand vm8, vm13  }
0x107: {  	vm13 =	vgt.f32 v11, v46;
	vm7 =	vmxor vm8, vm14;
	vm14 =	vgt.f32 v12, v46  }
0x108: {  	v43 =	vadd.f32 v43, v53;
	v44 =	vadd.f32 v44, v27;
	vm8 =	vmxor vm14, vm15  }
0x109: {  	vm14 =	vgt.f32 v13, v46;
	vm15 =	vgt.f32 v56, v42;
	vm8 =	vmand vm8, vm12  }
0x10a: {  	v43 =	vmul.f32 v43, v0;
	vm9 =	vmxor vm13, vm14;
	vm13 =	vgt.f32 v18, v46  }
0x10b: {  	vm14 =	vgt.f32 v22, v46;
	vm7 =	vmxor vm8, vm7;
	vm12 =	vmand vm9, vm15  }
0x10c: {  	vm8 =	vmxor vm13, vm14;
	v61 =	vsub.f32 v43, v16;
	vm6 =	vmxor vm12, vm7  }
0x10d: {  	v63 =	vsub.f32 v43, v8;
	vm7 =	vgt.f32 v44, v42;
	v42 =	vmul.f32 v45, v0  }
0x10e: {  	v55 =	vsub.f32 v43, v4;
	vm15 =	vgt.f32 v16, v43;
	vm12 =	vgt.f32 v17, v43  }
0x10f: {  	vm10 =	vgt.f32 v8, v43;
	v58 =	vsub.f32 v43, v6;
	vm11 =	vgt.f32 v9, v43  }
0x110: {  	v48 =	vsub.f32 v43, v12;
	vm9 =	vmxor vm15, vm12;
	v47 =	vmul.f32 v61, v29  }
0x111: {  	vm10 =	vmxor vm10, vm11;
	v52 =	vmul.f32 v63, v24;
	v57 =	vmul.f32 v55, v28  }
0x112: {  	v49 =	vld [tilespmem:$0x380];
	vm11 =	vgt.f32 v4, v43;
	v60 =	vmul.f32 v58, v30;
	v51 =	vmul.f32 v48, v36  }
0x113: {  	v61 =	vsub.f32 v43, v2;
	v47 =	vmul.f32 v47, v33;
	v54 =	vmul.f32 v52, v26  }
0x114: {  	vm7 =	vmand vm8, vm7;
	v59 =	vmul.f32 v57, v31;
	v45 =	vmul.f32 v60, v34  }
0x115: {  	v46 =	vmul.f32 v61, v32;
	v53 =	vadd.f32 v47, v21;
	v56 =	vadd.f32 v54, v10  }
0x116: {  	vm6 =	vmxor vm7, vm6;
	v44 =	vadd.f32 v59, v14;
	v62 =	vadd.f32 v45, v19  }
0x117: {  	v52 =	vld [tilespmem:$0x180];
	v63 =	vmul.f32 v46, v35;
	v54 =	vsub.f32 v43, v11;
	v47 =	vmul.f32 v49, v0  }
0x118: {  	v59 =	vsub.f32 v43, v18;
	v49 =	vsel vm4, $0x1, v1;
	vm13 =	vgt.f32 v53, v42  }
0x119: {  	v57 =	vld [tilespmem:$0x280];
	vm12 =	vgt.f32 v56, v42;
	vm14 =	vgt.f32 v44, v42;
	v50 =	vadd.f32 v63, v20  }
0x11a: {  	v53 =	vmul.f32 v51, v37;
	v45 =	vmul.f32 v54, v38;
	vm9 =	vmand vm9, vm13  }
0x11b: {  	vm10 =	vmand vm10, vm12;
	vm12 =	vgt.f32 v5, v43;
	vm13 =	vgt.f32 v62, v42  }
0x11c: {  	v58 =	vld [tilespmem:$0x80];
	v55 =	vsub.f32 v52, v47;
	v46 =	vadd.f32 v47, v52;
	vm9 =	vmxor vm9, vm10  }
0x11d: {  	vm11 =	vmxor vm11, vm12;
	vm12 =	vgt.f32 v7, v43;
	v44 =	vadd.f32 v53, v23  }
0x11e: {  	v56 =	vmul.f32 v45, v39;
	v45 =	vmul.f32 v57, v0;
	vm10 =	vmand vm11, vm14  }
0x11f: {  	vm11 =	vgt.f32 v6, v43;
	v46 =	vadd.f32 v46, v55;
	vm14 =	vgt.f32 v13, v43  }
0x120: {  	vm11 =	vmxor vm11, vm12;
	vm9 =	vmxor vm10, vm9;
	vm12 =	vgt.f32 v3, v43  }
0x121: {  	v61 =	vsub.f32 v58, v45;
	v45 =	vadd.f32 v45, v58;
	vm10 =	vmand vm11, vm13  }
0x122: {  	vm11 =	vgt.f32 v2, v43;
	vm13 =	vgt.f32 v50, v42;
	v46 =	vmul.f32 v46, v0  }
0x123: {  	vm11 =	vmxor vm11, vm12;
	vm9 =	vmxor vm10, vm9;
	v52 =	vadd.f32 v45, v61  }
0x124: {  	vm10 =	vmand vm11, vm13;
	vm13 =	vgt.f32 v44, v42;
	v44 =	vadd.f32 v56, v25  }
0x125: {  	vm12 =	vgt.f32 v15, v43;
	v60 =	vsub.f32 v46, v16;
	v63 =	vsub.f32 v46, v8  }
0x126: {  	vm11 =	vgt.f32 v12, v43;
	v55 =	vsub.f32 v46, v4;
	v57 =	vsub.f32 v46, v6  }
0x127: {  	vm11 =	vmxor vm11, vm12;
	vm9 =	vmxor vm10, vm9;
	vm10 =	vgt.f32 v8, v46  }
0x128: {  	v50 =	vld [tilespmem:$0x290];
	vm15 =	vmand vm11, vm13;
	vm13 =	vgt.f32 v11, v43;
	v62 =	vmul.f32 v60, v29  }
0x129: {  	v54 =	vmul.f32 v63, v24;
	v56 =	vmul.f32 v55, v28;
	vm11 =	vgt.f32 v9, v46  }
0x12a: {  	v61 =	vld [tilespmem:$0x390];
	v58 =	vmul.f32 v57, v30;
	v63 =	vsub.f32 v46, v12;
	vm12 =	vmxor vm15, vm9  }
0x12b: {  	vm15 =	vgt.f32 v44, v42;
	vm9 =	vmxor vm13, vm14;
	v44 =	vmul.f32 v59, v40  }
0x12c: {  	vm13 =	vgt.f32 v22, v43;
	vm14 =	vgt.f32 v16, v46;
	vm10 =	vmxor vm10, vm11  }
0x12d: {  	v59 =	vsub.f32 v46, v2;
	vm11 =	vgt.f32 v4, v46;
	v57 =	vmul.f32 v50, v0  }
0x12e: {  	vm9 =	vmand vm9, vm15;
	v53 =	vmul.f32 v62, v33;
	vm15 =	vgt.f32 v17, v46  }
0x12f: {  	v47 =	vmul.f32 v54, v26;
	v48 =	vmul.f32 v61, v0;
	vm7 =	vmxor vm9, vm12  }
0x130: {  	v62 =	vld [tilespmem:$0x190];
	vm12 =	vgt.f32 v18, v43;
	v44 =	vmul.f32 v44, v41;
	v43 =	vmul.f32 v52, v0  }
0x131: {  	v55 =	vld [tilespmem:$0x90];
	vm9 =	vmxor vm14, vm15;
	v60 =	vmul.f32 v59, v32;
	v45 =	vadd.f32 v53, v21  }
0x132: {  	v52 =	vmul.f32 v63, v36;
	vm8 =	vmxor vm12, vm13;
	v47 =	vadd.f32 v47, v10  }
0x133: {  	v44 =	vadd.f32 v44, v27;
	vm12 =	vgt.f32 v45, v43;
	v45 =	vmul.f32 v56, v31  }
0x134: {  	v56 =	vsub.f32 v46, v11;
	vm9 =	vmand vm9, vm12;
	vm12 =	vgt.f32 v47, v43  }
0x135: {  	v47 =	vmul.f32 v58, v34;
	v53 =	vsub.f32 v62, v48;
	v54 =	vadd.f32 v48, v62  }
0x136: {  	v58 =	vsub.f32 v55, v57;
	vm10 =	vmand vm10, vm12;
	vm12 =	vgt.f32 v5, v46  }
0x137: {  	v45 =	vadd.f32 v45, v14;
	v48 =	vmul.f32 v56, v38;
	vm11 =	vmxor vm11, vm12  }
0x138: {  	vm9 =	vmxor vm9, vm10;
	v47 =	vadd.f32 v47, v19;
	vm12 =	vgt.f32 v7, v46  }
0x139: {  	vm13 =	vgt.f32 v45, v43;
	v45 =	vmul.f32 v60, v35;
	v59 =	vmul.f32 v48, v39  }
0x13a: {  	v48 =	vsel vm3, $0x1, v1;
	vm10 =	vmand vm11, vm13;
	vm11 =	vgt.f32 v6, v46  }
0x13b: {  	vm13 =	vgt.f32 v47, v43;
	v47 =	vsel vm2, $0x1, v1;
	vm9 =	vmxor vm10, vm9  }
0x13c: {  	vm11 =	vmxor vm11, vm12;
	v45 =	vadd.f32 v45, v20;
	vm12 =	vgt.f32 v3, v46  }
0x13d: {  	v62 =	vadd.f32 v59, v25;
	vm10 =	vmand vm11, vm13;
	vm11 =	vgt.f32 v2, v46  }
0x13e: {  	vm13 =	vgt.f32 v44, v42;
	v42 =	vmul.f32 v52, v37;
	v44 =	vadd.f32 v54, v53  }
0x13f: {  	v53 =	vsel vm5, $0x1, v1;
	vm11 =	vmxor vm11, vm12;
	vm12 =	vgt.f32 v45, v43  }
0x140: {  	vm8 =	vmand vm8, vm13;
	vm9 =	vmxor vm10, vm9;
	v45 =	vadd.f32 v57, v55  }
0x141: {  	vm13 =	vgt.f32 v15, v46;
	v55 =	vsel vm6, $0x1, v1;
	vm14 =	vmand vm11, vm12  }
0x142: {  	vm7 =	vmxor vm8, vm7;
	v42 =	vadd.f32 v42, v23;
	vm12 =	vgt.f32 v12, v46  }
0x143: {  	v44 =	vmul.f32 v44, v0;
	vm15 =	vmxor vm14, vm9;
	vm9 =	vmxor vm12, vm13  }
0x144: {  	v61 =	vadd.f32 v45, v58;
	vm12 =	vgt.f32 v13, v46;
	vm13 =	vgt.f32 v62, v43  }
0x145: {  	v45 =	vsel vm1, $0x1, v1;
	v56 =	vsel vm7, $0x1, v1;
	v60 =	vsub.f32 v44, v16  }
0x146: {  	vm14 =	vgt.f32 v42, v43;
	v50 =	vsub.f32 v44, v4;
	v54 =	vsub.f32 v44, v6  }
0x147: {  	v57 =	vsub.f32 v44, v2;
	vm10 =	vgt.f32 v5, v44;
	vm9 =	vmand vm9, vm14  }
0x148: {  	v42 =	vmul.f32 v61, v0;
	v29 =	vmul.f32 v60, v29;
	vm8 =	vmxor vm9, vm15  }
0x149: {  	vm15 =	vgt.f32 v11, v46;
	v52 =	vmul.f32 v50, v28;
	v59 =	vmul.f32 v57, v32  }
0x14a: {  	v60 =	vsub.f32 v44, v12;
	vm9 =	vmxor vm15, vm12;
	vm15 =	vgt.f32 v18, v46  }
0x14b: {  	vm12 =	vgt.f32 v22, v46;
	v46 =	vsub.f32 v46, v18;
	v29 =	vmul.f32 v29, v33  }
0x14c: {  	v33 =	vsel vm0, $0x1, v1;
	vm14 =	vmand vm9, vm13;
	vm13 =	vgt.f32 v16, v44  }
0x14d: {  	vm1 =	vmxor vm15, vm12;
	vm9 =	vgt.f32 v4, v44;
	v5 =	vmul.f32 v59, v35  }
0x14e: {  	v62 =	vmul.f32 v60, v36;
	vm0 =	vmxor vm14, vm8;
	vm14 =	vgt.f32 v17, v44  }
0x14f: {  	v46 =	vmul.f32 v46, v40;
	vm4 =	vmxor vm9, vm10;
	vm9 =	vgt.f32 v3, v44  }
0x150: {  	v63 =	vadd.f32 v29, v21;
	v29 =	vsub.f32 v44, v8;
	vm15 =	vmxor vm13, vm14  }
0x151: {  	vm13 =	vgt.f32 v8, v44;
	vm14 =	vgt.f32 v9, v44;
	v9 =	vmul.f32 v52, v31  }
0x152: {  	v61 =	vadd.f32 v5, v20;
	v3 =	vmul.f32 v62, v37;
	v21 =	vmul.f32 v46, v41  }
0x153: {  	vm3 =	vmxor vm13, vm14;
	vm13 =	vgt.f32 v7, v44;
	v17 =	vmul.f32 v29, v24  }
0x154: {  	vm12 =	vgt.f32 v63, v42;
	v9 =	vadd.f32 v9, v14;
	vm10 =	vgt.f32 v61, v42  }
0x155: {  	v63 =	vsub.f32 v44, v18;
	v3 =	vadd.f32 v3, v23;
	v17 =	vmul.f32 v17, v26  }
0x156: {  	vm8 =	vmand vm15, vm12;
	v21 =	vadd.f32 v21, v27;
	vm12 =	vgt.f32 v6, v44  }
0x157: {  	vm11 =	vgt.f32 v9, v42;
	v51 =	vadd.f32 v17, v10;
	v17 =	vmul.f32 v54, v30  }
0x158: {  	vm5 =	vmxor vm12, vm13;
	vm12 =	vgt.f32 v15, v44;
	vm13 =	vgt.f32 v3, v42  }
0x159: {  	vm2 =	vgt.f32 v21, v43;
	vm15 =	vgt.f32 v51, v42;
	v58 =	vmul.f32 v17, v34  }
0x15a: {  	vm3 =	vmand vm3, vm15;
	vm15 =	vgt.f32 v2, v44;
	v2 =	vsub.f32 v44, v11  }
0x15b: {  	vm4 =	vmand vm4, vm11;
	vm11 =	vgt.f32 v12, v44;
	v4 =	vadd.f32 v58, v19  }
0x15c: {  	vm1 =	vmand vm1, vm2;
	vm3 =	vmxor vm8, vm3;
	v2 =	vmul.f32 v2, v38  }
0x15d: {  	vm8 =	vgt.f32 v13, v44;
	vm3 =	vmxor vm4, vm3;
	vm14 =	vgt.f32 v4, v42  }
0x15e: {  	v4 =	vmul.f32 v63, v40;
	vm4 =	vmand vm5, vm14;
	v2 =	vmul.f32 v2, v39  }
0x15f: {  	[tilespmem:$0x640] =	vst v49;
	vm5 =	vmxor vm11, vm12;
	vm3 =	vmxor vm4, vm3;
	vm4 =	vmxor vm15, vm9  }
0x160: {  	[tilespmem:$0x630] =	vst v48;
	v3 =	vmul.f32 v4, v41;
	vm4 =	vmand vm4, vm10;
	v2 =	vadd.f32 v2, v25  }
0x161: {  	[tilespmem:$0x620] =	vst v47;
	vm11 =	vgt.f32 v22, v44;
	vm15 =	vgt.f32 v11, v44;
	vm3 =	vmxor vm4, vm3  }
0x162: {  	[tilespmem:$0x650] =	vst v53;
	vm4 =	vmand vm5, vm13;
	vm9 =	vgt.f32 v2, v42;
	v2 =	vadd.f32 v3, v27  }
0x163: {  	[tilespmem:$0x660] =	vst v55;
	vm10 =	vgt.f32 v18, v44;
	vm14 =	vmxor vm4, vm3;
	vm3 =	vmxor vm15, vm8  }
0x164: {  	[tilespmem:$0x610] =	vst v45;
	vm4 =	vmxor vm10, vm11;
	vm3 =	vmand vm3, vm9;
	vm12 =	vgt.f32 v2, v42  }
0x165: {  	[tilespmem:$0x670] =	vst v56;
	vm0 =	vmxor vm1, vm0;
	vm13 =	vmxor vm3, vm14;
	vm14 =	vmand vm4, vm12  }
0x166: {  	[tilespmem:$0x600] =	vst v33;
	v2 =	vsel vm0, $0x1, v1;
	vm15 =	vmxor vm14, vm13  }
0x167: {  	p0 =	sne.s32 s9, $0x1;
	[tilespmem:$0x680] =	vst v2;
	v2 =	vsel vm15, $0x1, v1  }
.Ltmp0:
0x168: {  	[tilespmem:$0x690] =	vst v2;
	(pc) =	sbr.rel @p0 .LBB2_1-.Ltmp0, $4  }
0x169: {  	[hbm4b:s8+s2] =	stream.linear.scatter [tilespmem:s15], [sflag:$0x1], $0xA0, $0x38;
	[tilespmem:$0x700] =	vst v63  }
0x16a: {  	_ =	swait.ge [sflag:s10], $0xA0  }
0x16b: {  	[sflag:s10] =	ssyncset.done $0x0  }
0x16c: {  	s9 =	sadd.s32 $0xFFFFFFFF, s9;
	[sflag:s10] =	ssyncadd.s32 $0xFFFFFF60  }
0x16d: {  	_ =	sfence.sel $0x180000  }
0x16e: {  	[bflag:$0x0] =	sbarrier.arrive $0xFFFF  }
0x16f: {  	p0 =	sne.s32 s3, $0x0;
	_ =	strace $0x90000047  }
0x170: {  	s0 =	sadd.s32 @!p0 $0x100000, s0;
	[bflag:$0x2] =	sbarrier.arrive $0xFFFF  }
0x171: {  	[sflag:s0] =	ssyncadd.tile.s32 @!p0 $0x1;
	_ =	shalt  }
.Lfunc_end2:
_tile_overlayer_lowered:
.L_overlay_start_2:
0x172: {  	(tag) =	ssettag $0x2  }
0x173: {  	s0 =	rddreg [dreg:$0x0];
	s2 =	stileid.u32  }
0x174: {  	s1 =	rddreg [dreg:$0x1];
	p0 =	sne.s32 s2, $0x0  }
0x175: {  	s3 =	rddreg [dreg:$0x2];
	[bflag:$0x3] =	sbarrier.arrive $0xFFFF;
	s2 =	simm.s32 @!p0 $0x1C01  }
0x176: {  	[timem:s3], [sflag:s2] =	dma.local @!p0 [hbm:s0], s1  }
0x177: {  	s0 =	simm.s32 @!p0 $0x1  }
0x178: {  	_ =	swait.ge @!p0 [sflag:s0], s1  }
0x179: {  	s1 =	ssub.s32 @!p0 $0x0, s1;
	[sflag:s0] =	ssyncset.done @!p0 $0x0  }
0x17a: {  	[sflag:s0] =	ssyncadd.s32 @!p0 s1  }
0x17b: {  	[bflag:$0x3] =	sbarrier.arrive $0xFFFF  }
0x17c: {  	_ =	shalt  }

</sc_bundles>
